<compile_context>
chip_gen: v7x
topology: tpu7x:2x2x1
jax: 0.10.2.dev20260603
libtpu: 0.0.44.dev20260713+nightly
codegen_flags: <defaults>
</compile_context>

<pallas_src>
import functools

import jax
import jax.numpy as jnp
from jax import lax
from jax.experimental import pallas as pl
from jax.experimental.pallas import tpu as pltpu
from jax.experimental.pallas import tpu_sc as plsc

N = 10000
E = 320000
WIDTH = 128
NUM_HEAD = 8
GSIZE = WIDTH // NUM_HEAD
BOND = 33
EPS = 1e-5

_PRE_BLK = 2000
_MSG_BLK = 1280
_WIN = 128
_SC_TILES = 16



def _pack_bf16_halves(h):
    lo = lax.bitcast_convert_type(h[:, :64].astype(jnp.bfloat16), jnp.uint16)
    hi = lax.bitcast_convert_type(h[:, 64:].astype(jnp.bfloat16), jnp.uint16)
    word = (hi.astype(jnp.uint32) << 16) | lo.astype(jnp.uint32)
    return lax.bitcast_convert_type(word, jnp.int32)


def _unpack_bf16_halves(w):
    lo = lax.bitcast_convert_type(w << 16, jnp.float32)
    hi = lax.bitcast_convert_type(w & jnp.int32(-65536), jnp.float32)
    return lo, hi


def _pre_body(x_ref, w0_ref, b0_ref, w1_ref, b1_ref, t_ref):
    x = x_ref[...].astype(jnp.bfloat16)
    h0 = jnp.dot(x, w0_ref[...], preferred_element_type=jnp.float32) + b0_ref[...]
    h1 = jnp.dot(x, w1_ref[...], preferred_element_type=jnp.float32) + b1_ref[...]
    t_ref[...] = jnp.concatenate(
        [_pack_bf16_halves(h0), _pack_bf16_halves(h1)], axis=1)



def _msg_body(gm_ref, attr_ref, tabg_ref, m_ref, wg_ref, wv_ref, msg_ref):
    bf = jnp.bfloat16
    w = gm_ref[...]
    lo0, hi0 = _unpack_bf16_halves(w[:, :WIDTH // 2])
    lo1, hi1 = _unpack_bf16_halves(w[:, WIDTH // 2:])
    g = jnp.concatenate([lo0 + lo1, hi0 + hi1], axis=1)
    gb = g.astype(bf)
    m = m_ref[...]
    mu = jnp.dot(gb, m, preferred_element_type=jnp.float32)
    msq = jnp.dot(gb * gb, m, preferred_element_type=jnp.float32)
    r = lax.rsqrt(jnp.maximum(msq - mu * mu, 0.0) + EPS)
    xc = (g - mu).astype(bf)
    tg = jnp.dot(xc, wg_ref[...], preferred_element_type=jnp.float32)
    tv = jnp.dot(xc, wv_ref[...], preferred_element_type=jnp.float32)

    attr = attr_ref[...]
    ab = attr.astype(bf)
    laneb = lax.broadcasted_iota(jnp.int32, (_MSG_BLK, WIDTH), 1).astype(bf)
    c = jnp.zeros((_MSG_BLK, WIDTH), bf)
    for k in range(4):
        c = c + jnp.where(laneb == ab[:, k][:, None],
                          jnp.ones((), bf), jnp.zeros((), bf))
    bg = jnp.dot(c, tabg_ref[...], preferred_element_type=jnp.float32)
    cnt = jnp.sum((attr != 0).astype(jnp.float32), axis=1, keepdims=True)
    rc = 1.0 / jnp.maximum(cnt, 1.0)

    gate = jnp.maximum(tg * r + bg * rc, 0.0)
    msg_ref[...] = gate * (tv * r)



def _post_body(*refs):
    (a_refs, (wp_ref, bp_ref, deg_ref, dp_ref, xres_ref, out_ref)) = (
        refs[:-6], refs[-6:])
    agg = a_refs[0][...]
    for a in a_refs[1:]:
        agg = agg + a[...]
    out = jnp.dot(agg.astype(jnp.bfloat16), wp_ref[...],
                  preferred_element_type=jnp.float32) + bp_ref[...]
    scale = jnp.exp(dp_ref[...] * jnp.log(deg_ref[...]))
    out_ref[...] = scale * out + xres_ref[...]



_MESH = plsc.VectorSubcoreMesh(core_axis_name="core", subcore_axis_name="subcore")


_NCH = 2
_EC = E // _NCH
_NWINC = _EC // _WIN
_WPW = -(-_NWINC // 32)
_REM = _NWINC - (_NWINC // 32) * 32
_BASE_W = _NWINC // 32


def _gather(t, src_pad, dst_pad):
    half = WIDTH // 2

    @functools.partial(
        pl.kernel,
        out_type=jax.ShapeDtypeStruct((_EC, WIDTH), jnp.int32),
        mesh=_MESH,
        scratch_types=[pltpu.VMEM((_WPW * _WIN,), jnp.int32),
                       pltpu.VMEM((_WPW * _WIN,), jnp.int32),
                       pltpu.VMEM((2, _WIN, WIDTH), jnp.int32),
                       pltpu.VMEM((2, _WIN, WIDTH), jnp.int32),
                       pltpu.SemaphoreType.DMA,
                       pltpu.SemaphoreType.DMA,
                       pltpu.SemaphoreType.DMA])
    def k(t_hbm, src_hbm, dst_hbm, gm_hbm, i0v, i1v, s0, s1,
          sem0, sem1, wsem):
        cid = lax.axis_index("core")
        sid = lax.axis_index("subcore")
        w = sid * 2 + cid
        nwin = _BASE_W + jnp.where(w < _REM, 1, 0)
        base_win = w * _BASE_W + jnp.minimum(w, _REM)
        base_e = base_win * _WIN
        pltpu.sync_copy(src_hbm.at[0, pl.ds(base_e, _WPW * _WIN)], i0v)
        pltpu.sync_copy(dst_hbm.at[0, pl.ds(base_e, _WPW * _WIN)], i1v)

        def gather_cp(j, slot):
            cp0 = pltpu.make_async_copy(
                t_hbm.at[i0v.at[pl.ds(j * _WIN, _WIN)]], s0.at[slot], sem0)
            cp1 = pltpu.make_async_copy(
                t_hbm.at[i1v.at[pl.ds(j * _WIN, _WIN)]], s1.at[slot], sem1)
            return cp0, cp1

        def write_cp(j, slot):
            return pltpu.make_async_copy(
                s0.at[slot], gm_hbm.at[pl.ds(base_e + j * _WIN, _WIN)], wsem)

        def fire(j, slot):
            cp0, cp1 = gather_cp(j, slot)
            cp0.start()
            cp1.start()

        @pl.when(nwin > 0)
        def _():
            fire(0, 0)

        @pl.when(nwin > 1)
        def _():
            fire(1, 1)

        @pl.loop(0, _WPW)
        def _(j):
            slot = lax.rem(j, 2)

            @pl.when(j < nwin)
            def _():
                cp0, cp1 = gather_cp(j, slot)
                cp0.wait()
                cp1.wait()

                @pl.loop(0, _WIN)
                def _(row):
                    for cc in range(half // 16):
                        col = half + cc * 16
                        s0[slot, row, pl.ds(col, 16)] = (
                            s1[slot, row, pl.ds(col, 16)])

                cw = write_cp(j, slot)
                cw.start()
                cw.wait()

                @pl.when(j + 2 < nwin)
                def _():
                    fire(j + 2, slot)

    return k(t, src_pad, dst_pad)



_NPAD = 10240


def _scatter(msg, dst, zeros):
    rows = _NPAD // _SC_TILES

    @functools.partial(
        pl.kernel,
        out_type=jax.ShapeDtypeStruct((2, _NPAD, WIDTH), jnp.float32),
        mesh=_MESH,
        scratch_types=[pltpu.VMEM_SHARED((_NPAD, WIDTH), jnp.float32)])
    def k(msg_hbm, dst_hbm, z_hbm, out_hbm, acc):
        cid = lax.axis_index("core")
        sid = lax.axis_index("subcore")
        pltpu.sync_copy(z_hbm.at[pl.ds(sid * rows, rows)],
                        acc.at[pl.ds(sid * rows, rows)])
        plsc.subcore_barrier()

        def body(m_v, i_v):
            pltpu.sync_copy(m_v, acc.at[i_v.at[0]], add=True)

        pltpu.emit_pipeline(
            body,
            grid=(_EC // _WIN,),
            in_specs=[pl.BlockSpec((_WIN, WIDTH), lambda i: (i, 0)),
                      pl.BlockSpec((1, _WIN), lambda i: (0, i))],
            out_specs=[],
            core_axis_name=("core", "subcore"),
            dimension_semantics=(pltpu.PARALLEL,),
        )(msg_hbm, dst_hbm)
        plsc.subcore_barrier()
        pltpu.sync_copy(acc.at[pl.ds(sid * rows, rows)],
                        out_hbm.at[cid, pl.ds(sid * rows, rows)])

    return k(msg, dst, zeros)



def kernel(x, x_res, edge_index, edge_attr, node_deg, W_pre0, b_pre0, W_pre1,
           b_pre1, emb_table, W_gate, W_value, W_post, b_post, degree_param):
    f32 = jnp.float32
    src = edge_index[0].reshape(1, E)
    dst = edge_index[1].reshape(1, E)

    wp_specs = [
        pl.BlockSpec((_PRE_BLK, WIDTH), lambda i: (i, 0)),
        pl.BlockSpec((WIDTH, WIDTH), lambda i: (0, 0)),
        pl.BlockSpec((1, WIDTH), lambda i: (0, 0)),
        pl.BlockSpec((WIDTH, WIDTH), lambda i: (0, 0)),
        pl.BlockSpec((1, WIDTH), lambda i: (0, 0)),
    ]
    h01 = pl.pallas_call(
        _pre_body,
        grid=(N // _PRE_BLK,),
        in_specs=wp_specs,
        out_specs=pl.BlockSpec((_PRE_BLK, WIDTH), lambda i: (i, 0)),
        out_shape=jax.ShapeDtypeStruct((N, WIDTH), jnp.int32),
    )(x, W_pre0.T, b_pre0.reshape(1, WIDTH), W_pre1.T, b_pre1.reshape(1, WIDTH))

    eye8 = jnp.eye(NUM_HEAD, dtype=f32)
    wg_full = jnp.einsum(
        'goc,gh->gcho', W_gate.reshape(NUM_HEAD, GSIZE, GSIZE), eye8
    ).reshape(WIDTH, WIDTH)
    wv_full = jnp.einsum(
        'goc,gh->gcho', W_value.reshape(NUM_HEAD, GSIZE, GSIZE), eye8
    ).reshape(WIDTH, WIDTH)
    m_full = (jnp.einsum('gh,co->gcho', eye8, jnp.ones((GSIZE, GSIZE), f32))
              / GSIZE).reshape(WIDTH, WIDTH)
    tab_pad = jnp.zeros((WIDTH, WIDTH), f32).at[:BOND].set(emb_table).at[0].set(0.0)
    tabg = tab_pad @ wg_full
    wg_bf = wg_full.astype(jnp.bfloat16)
    wv_bf = wv_full.astype(jnp.bfloat16)
    m_bf = m_full.astype(jnp.bfloat16)
    tabg_bf = tabg.astype(jnp.bfloat16)
    wp_perm = W_post.T

    pad = jnp.zeros((1, _WIN), jnp.int32)
    src_pad = jnp.concatenate([src, pad], axis=1)
    dst_pad = jnp.concatenate([dst, pad], axis=1)
    zeros = jnp.zeros((_NPAD, WIDTH), f32)
    partials = []
    for ch in range(_NCH):
        e0 = ch * _EC
        gm = _gather(h01,
                     lax.slice(src_pad, (0, e0), (1, e0 + _EC + _WIN)),
                     lax.slice(dst_pad, (0, e0), (1, e0 + _EC + _WIN)))
        msg = pl.pallas_call(
            _msg_body,
            grid=(_EC // _MSG_BLK,),
            in_specs=[
                pl.BlockSpec((_MSG_BLK, WIDTH), lambda i: (i, 0)),
                pl.BlockSpec((_MSG_BLK, 4), lambda i: (i, 0)),
                pl.BlockSpec((WIDTH, WIDTH), lambda i: (0, 0)),
                pl.BlockSpec((WIDTH, WIDTH), lambda i: (0, 0)),
                pl.BlockSpec((WIDTH, WIDTH), lambda i: (0, 0)),
                pl.BlockSpec((WIDTH, WIDTH), lambda i: (0, 0)),
            ],
            out_specs=pl.BlockSpec((_MSG_BLK, WIDTH), lambda i: (i, 0)),
            out_shape=jax.ShapeDtypeStruct((_EC, WIDTH), f32),
        )(gm, lax.slice(edge_attr, (e0, 0), (e0 + _EC, 4)),
          tabg_bf, m_bf, wg_bf, wv_bf)
        aggs = _scatter(msg, lax.slice(dst, (0, e0), (1, e0 + _EC)), zeros)
        partials.append(aggs[0])
        partials.append(aggs[1])

    nagg = 2 * _NCH
    out = pl.pallas_call(
        _post_body,
        grid=(N // _PRE_BLK,),
        in_specs=(
            [pl.BlockSpec((_PRE_BLK, WIDTH), lambda i: (i, 0))] * nagg
            + [
                pl.BlockSpec((WIDTH, WIDTH), lambda i: (0, 0)),
                pl.BlockSpec((1, WIDTH), lambda i: (0, 0)),
                pl.BlockSpec((_PRE_BLK, 1), lambda i: (i, 0)),
                pl.BlockSpec((1, WIDTH), lambda i: (0, 0)),
                pl.BlockSpec((_PRE_BLK, WIDTH), lambda i: (i, 0)),
            ]
        ),
        out_specs=pl.BlockSpec((_PRE_BLK, WIDTH), lambda i: (i, 0)),
        out_shape=jax.ShapeDtypeStruct((N, WIDTH), f32),
    )(*partials, wp_perm, b_post.reshape(1, WIDTH),
      node_deg.reshape(N, 1), degree_param.reshape(1, WIDTH), x_res)

    return out

# --- scband reference (transcript-rebuilt; emitter-appended) ---
"""Pipeline reference for scband-conv-kernel-60009283059903 (READ-ONLY COPY).

The authoritative reference and input builder live on the scoring server;
editing this copy changes nothing except your own understanding.
"""

import jax, jax.numpy as jnp
import numpy as np

N = 10000
E = 320000
WIDTH = 128
NUM_HEAD = 8
L_BOND = 4
BOND_SIZE = 33
EPS = 1e-5


def group_norm(x, groups, eps=EPS):
    m, c = x.shape
    xg = x.reshape(m, groups, c // groups)
    mu = xg.mean(axis=-1, keepdims=True)
    var = xg.var(axis=-1, keepdims=True)
    return ((xg - mu) / jnp.sqrt(var + eps)).reshape(m, c)


def grouped_linear(x, w, groups):
    # w is torch Conv1d(groups=G) weight [C_out, C_in//G] (kernel dim squeezed)
    m, c = x.shape
    cg = c // groups
    xg = x.reshape(m, groups, cg)
    wg = w.reshape(groups, cg, cg)
    return jnp.einsum('mgc,goc->mgo', xg, wg).reshape(m, c)


def embedding_bag_mean(table, idx):
    # nn.EmbeddingBag(mode='mean', padding_idx=0): padding entries excluded from sum and count
    emb = table[idx]
    mask = (idx != 0).astype(emb.dtype)[..., None]
    s = (emb * mask).sum(axis=1)
    cnt = jnp.maximum(mask.sum(axis=1), 1.0)
    return s / cnt


def setup_inputs(seed: int = 0):
    key = jax.random.key(seed)
    ks = jax.random.split(key, 12)
    s = 0.05
    x = jax.random.normal(ks[0], (N, WIDTH), dtype=jnp.float32)
    x_res = jax.random.normal(ks[1], (N, WIDTH), dtype=jnp.float32)
    edge_index = jax.random.randint(ks[2], (2, E), 0, N, dtype=jnp.int32)
    edge_attr = jax.random.randint(ks[3], (E, L_BOND), 0, BOND_SIZE, dtype=jnp.int32)
    node_deg = jax.random.uniform(ks[4], (N,), dtype=jnp.float32) * 63.0 + 1.0
    W_pre0 = jax.random.normal(ks[5], (WIDTH, WIDTH), dtype=jnp.float32) * s
    b_pre0 = jnp.zeros((WIDTH,), dtype=jnp.float32)
    W_pre1 = jax.random.normal(ks[6], (WIDTH, WIDTH), dtype=jnp.float32) * s
    b_pre1 = jnp.zeros((WIDTH,), dtype=jnp.float32)
    emb_table = (jax.random.normal(ks[7], (BOND_SIZE, WIDTH), dtype=jnp.float32) * s).at[0].set(0.0)
    W_gate = jax.random.normal(ks[8], (WIDTH, WIDTH // NUM_HEAD), dtype=jnp.float32) * s
    W_value = jax.random.normal(ks[9], (WIDTH, WIDTH // NUM_HEAD), dtype=jnp.float32) * s
    W_post = jax.random.normal(ks[10], (WIDTH, WIDTH), dtype=jnp.float32) * s
    b_post = jnp.zeros((WIDTH,), dtype=jnp.float32)
    degree_param = jnp.full((WIDTH,), -0.01, dtype=jnp.float32)
    return dict(x=x, x_res=x_res, edge_index=edge_index, edge_attr=edge_attr,
                node_deg=node_deg, W_pre0=W_pre0, b_pre0=b_pre0, W_pre1=W_pre1,
                b_pre1=b_pre1, emb_table=emb_table, W_gate=W_gate, W_value=W_value,
                W_post=W_post, b_post=b_post, degree_param=degree_param)


def reference(x, x_res, edge_index, edge_attr, node_deg, W_pre0, b_pre0, W_pre1,
              b_pre1, emb_table, W_gate, W_value, W_post, b_post, degree_param):
    # ConvKernel with kernel=1, hop=1: one ConvBlock, dropout in eval mode (identity)
    src = edge_index[0]
    dst = edge_index[1]
    h0 = x @ W_pre0.T + b_pre0
    h1 = x @ W_pre1.T + b_pre1
    xx = group_norm(h0[src] + h1[dst], NUM_HEAD)
    bias = embedding_bag_mean(emb_table, edge_attr)
    gate = jax.nn.relu(grouped_linear(xx + bias, W_gate, NUM_HEAD))
    val = grouped_linear(xx, W_value, NUM_HEAD)
    msg = gate * val
    agg = jax.ops.segment_sum(msg, dst, num_segments=N)
    out = agg @ W_post.T + b_post
    out = jnp.power(node_deg[:, None], degree_param[None, :]) * out
    return out + x_res

if __name__ == "__main__":
    import jax
    _d = setup_inputs()
    print(jax.jit(kernel)(*tuple(_d.values())))

</pallas_src>

<mosaic_0001>
#map = affine_map<(d0, d1) -> (0, 0)>
module attributes {stable_mosaic.version = 14 : i64} {
  func.func @k(%arg0: i32, %arg1: i32, %arg2: memref<10000x128xi32, #tpu.memory_space<hbm>>, %arg3: memref<1x160128xi32, #tpu.memory_space<hbm>>, %arg4: memref<1x160128xi32, #tpu.memory_space<hbm>>, %arg5: memref<160000x128xi32, #tpu.memory_space<hbm>>, %arg6: memref<5120xi32, #tpu.memory_space<vmem>>, %arg7: memref<5120xi32, #tpu.memory_space<vmem>>, %arg8: memref<2x128x128xi32, #tpu.memory_space<vmem>>, %arg9: memref<2x128x128xi32, #tpu.memory_space<vmem>>, %arg10: memref<!tpu.dma_semaphore, #tpu.memory_space<semaphore_mem>>, %arg11: memref<!tpu.dma_semaphore, #tpu.memory_space<semaphore_mem>>, %arg12: memref<!tpu.dma_semaphore, #tpu.memory_space<semaphore_mem>>) attributes {dimension_semantics = [#tpu.dimension_semantics<core_parallel>, #tpu.dimension_semantics<subcore_parallel>], iteration_bounds = array<i64: 2, 16>, scalar_prefetch = 0 : i64, scratch_operands = 7 : i64, tpu.core_type = #tpu.core_type<sc_vector_subcore>, window_params = [{transform_indices = #map}, {transform_indices = #map}, {transform_indices = #map}, {transform_indices = #map}]} {
    %mul3A = arith.constant 2 : i32
    %mul3A_0 = arith.muli %arg1, %mul3A : i32
    %add3A = arith.addi %mul3A_0, %arg0 : i32
    %lt3A = arith.constant 2 : i32
    %lt3A_1 = arith.cmpi slt, %add3A, %lt3A : i32
    %jit3A = arith.constant 1 : i32
    %jit3A_2 = arith.constant 0 : i32
    %select_n3A = arith.select %lt3A_1, %jit3A, %jit3A_2 : i32
    %add3A_3 = arith.constant 39 : i32
    %add3A_4 = arith.addi %add3A_3, %select_n3A : i32
    %mul3A_5 = arith.constant 39 : i32
    %mul3A_6 = arith.muli %add3A, %mul3A_5 : i32
    %min3A = arith.constant 2 : i32
    %min3A_7 = arith.minsi %add3A, %min3A : i32
    %add3A_8 = arith.addi %mul3A_6, %min3A_7 : i32
    %mul3A_9 = arith.constant 128 : i32
    %mul3A_10 = arith.muli %add3A_8, %mul3A_9 : i32
    %run_scoped3A = arith.constant 0 : i32
    "tpu.region"() ({
      %run_scoped3A_23 = tpu.sem_alloc : memref<!tpu.dma_semaphore, #tpu.memory_space<semaphore_mem>>
      %dma_start3A = tpu.memref_slice %arg3[%run_scoped3A, %mul3A_10] : memref<1x160128xi32, #tpu.memory_space<hbm>> -> memref<1x5120xi32, #tpu.memory_space<hbm>>
      %dma_start3A_24 = tpu.memref_squeeze %dma_start3A : memref<1x5120xi32, #tpu.memory_space<hbm>> -> memref<5120xi32, #tpu.memory_space<hbm>>
      %dma_start3A_25 = tpu.memref_slice %arg3[%run_scoped3A, %mul3A_10] : memref<1x160128xi32, #tpu.memory_space<hbm>> -> memref<1x5120xi32, #tpu.memory_space<hbm>>
      %dma_start3A_26 = tpu.memref_squeeze %dma_start3A_25 : memref<1x5120xi32, #tpu.memory_space<hbm>> -> memref<5120xi32, #tpu.memory_space<hbm>>
      tpu.enqueue_dma source(%dma_start3A_26 : memref<5120xi32, #tpu.memory_space<hbm>>) target(%arg6 : memref<5120xi32, #tpu.memory_space<vmem>>) target_semaphore(%run_scoped3A_23 : memref<!tpu.dma_semaphore, #tpu.memory_space<semaphore_mem>>)
      %dma_wait3A = tpu.memref_slice %arg3[%run_scoped3A, %mul3A_10] : memref<1x160128xi32, #tpu.memory_space<hbm>> -> memref<1x5120xi32, #tpu.memory_space<hbm>>
      %dma_wait3A_27 = tpu.memref_squeeze %dma_wait3A : memref<1x5120xi32, #tpu.memory_space<hbm>> -> memref<5120xi32, #tpu.memory_space<hbm>>
      %dma_wait3A_28 = tpu.memref_slice %arg3[%run_scoped3A, %mul3A_10] : memref<1x160128xi32, #tpu.memory_space<hbm>> -> memref<1x5120xi32, #tpu.memory_space<hbm>>
      %dma_wait3A_29 = tpu.memref_squeeze %dma_wait3A_28 : memref<1x5120xi32, #tpu.memory_space<hbm>> -> memref<5120xi32, #tpu.memory_space<hbm>>
      tpu.wait_dma2 semaphore(%run_scoped3A_23 : memref<!tpu.dma_semaphore, #tpu.memory_space<semaphore_mem>>) src(%dma_wait3A_29 : memref<5120xi32, #tpu.memory_space<hbm>>) dst(%arg6 : memref<5120xi32, #tpu.memory_space<vmem>>)
      tpu.yield
    }) : () -> ()
    %run_scoped3A_11 = arith.constant 0 : i32
    "tpu.region"() ({
      %run_scoped3A_23 = tpu.sem_alloc : memref<!tpu.dma_semaphore, #tpu.memory_space<semaphore_mem>>
      %dma_start3A = tpu.memref_slice %arg4[%run_scoped3A_11, %mul3A_10] : memref<1x160128xi32, #tpu.memory_space<hbm>> -> memref<1x5120xi32, #tpu.memory_space<hbm>>
      %dma_start3A_24 = tpu.memref_squeeze %dma_start3A : memref<1x5120xi32, #tpu.memory_space<hbm>> -> memref<5120xi32, #tpu.memory_space<hbm>>
      %dma_start3A_25 = tpu.memref_slice %arg4[%run_scoped3A_11, %mul3A_10] : memref<1x160128xi32, #tpu.memory_space<hbm>> -> memref<1x5120xi32, #tpu.memory_space<hbm>>
      %dma_start3A_26 = tpu.memref_squeeze %dma_start3A_25 : memref<1x5120xi32, #tpu.memory_space<hbm>> -> memref<5120xi32, #tpu.memory_space<hbm>>
      tpu.enqueue_dma source(%dma_start3A_26 : memref<5120xi32, #tpu.memory_space<hbm>>) target(%arg7 : memref<5120xi32, #tpu.memory_space<vmem>>) target_semaphore(%run_scoped3A_23 : memref<!tpu.dma_semaphore, #tpu.memory_space<semaphore_mem>>)
      %dma_wait3A = tpu.memref_slice %arg4[%run_scoped3A_11, %mul3A_10] : memref<1x160128xi32, #tpu.memory_space<hbm>> -> memref<1x5120xi32, #tpu.memory_space<hbm>>
      %dma_wait3A_27 = tpu.memref_squeeze %dma_wait3A : memref<1x5120xi32, #tpu.memory_space<hbm>> -> memref<5120xi32, #tpu.memory_space<hbm>>
      %dma_wait3A_28 = tpu.memref_slice %arg4[%run_scoped3A_11, %mul3A_10] : memref<1x160128xi32, #tpu.memory_space<hbm>> -> memref<1x5120xi32, #tpu.memory_space<hbm>>
      %dma_wait3A_29 = tpu.memref_squeeze %dma_wait3A_28 : memref<1x5120xi32, #tpu.memory_space<hbm>> -> memref<5120xi32, #tpu.memory_space<hbm>>
      tpu.wait_dma2 semaphore(%run_scoped3A_23 : memref<!tpu.dma_semaphore, #tpu.memory_space<semaphore_mem>>) src(%dma_wait3A_29 : memref<5120xi32, #tpu.memory_space<hbm>>) dst(%arg7 : memref<5120xi32, #tpu.memory_space<vmem>>)
      tpu.yield
    }) : () -> ()
    %gt3A = arith.constant 0 : i32
    %gt3A_12 = arith.cmpi sgt, %add3A_4, %gt3A : i32
    %convert_element_type3A = arith.extui %gt3A_12 : i1 to i32
    %cond3A = arith.constant 0 : i32
    %cond3A_13 = arith.cmpi ne, %convert_element_type3A, %cond3A : i32
    scf.if %cond3A_13 {
      %dma_start3A = arith.constant 0 : i32
      %dma_start3A_23 = arith.constant 0 : i32
      %dma_start3A_24 = arith.constant 0 : i32
      %dma_start3A_25 = tpu.memref_slice %arg8[%dma_start3A, %dma_start3A_23, %dma_start3A_24] : memref<2x128x128xi32, #tpu.memory_space<vmem>> -> memref<1x128x128xi32, #tpu.memory_space<vmem>>
      %dma_start3A_26 = tpu.memref_squeeze %dma_start3A_25 : memref<1x128x128xi32, #tpu.memory_space<vmem>> -> memref<128x128xi32, #tpu.memory_space<vmem>>
      %dma_start3A_27 = arith.constant 0 : i32
      %dma_start3A_28 = tpu.memref_slice %arg6[%dma_start3A_27] : memref<5120xi32, #tpu.memory_space<vmem>> -> memref<128xi32, #tpu.memory_space<vmem>>
      %dma_start3A_29 = arith.constant 0 : i32
      %dma_start3A_30 = arith.constant 0 : i32
      %dma_start3A_31 = tpu.memref_slice %arg2[%dma_start3A_29, %dma_start3A_30] : memref<10000x128xi32, #tpu.memory_space<hbm>> -> memref<10000x128xi32, #tpu.memory_space<hbm>>
      tpu.enqueue_indirect_dma source(%dma_start3A_31 : memref<10000x128xi32, #tpu.memory_space<hbm>>) target(%dma_start3A_26 : memref<128x128xi32, #tpu.memory_space<vmem>>) offsets(%dma_start3A_28 : memref<128xi32, #tpu.memory_space<vmem>>) semaphore(%arg10 : memref<!tpu.dma_semaphore, #tpu.memory_space<semaphore_mem>>)
      %dma_start3A_32 = arith.constant 0 : i32
      %dma_start3A_33 = arith.constant 0 : i32
      %dma_start3A_34 = arith.constant 0 : i32
      %dma_start3A_35 = tpu.memref_slice %arg9[%dma_start3A_32, %dma_start3A_33, %dma_start3A_34] : memref<2x128x128xi32, #tpu.memory_space<vmem>> -> memref<1x128x128xi32, #tpu.memory_space<vmem>>
      %dma_start3A_36 = tpu.memref_squeeze %dma_start3A_35 : memref<1x128x128xi32, #tpu.memory_space<vmem>> -> memref<128x128xi32, #tpu.memory_space<vmem>>
      %dma_start3A_37 = arith.constant 0 : i32
      %dma_start3A_38 = tpu.memref_slice %arg7[%dma_start3A_37] : memref<5120xi32, #tpu.memory_space<vmem>> -> memref<128xi32, #tpu.memory_space<vmem>>
      %dma_start3A_39 = arith.constant 0 : i32
      %dma_start3A_40 = arith.constant 0 : i32
      %dma_start3A_41 = tpu.memref_slice %arg2[%dma_start3A_39, %dma_start3A_40] : memref<10000x128xi32, #tpu.memory_space<hbm>> -> memref<10000x128xi32, #tpu.memory_space<hbm>>
      tpu.enqueue_indirect_dma source(%dma_start3A_41 : memref<10000x128xi32, #tpu.memory_space<hbm>>) target(%dma_start3A_36 : memref<128x128xi32, #tpu.memory_space<vmem>>) offsets(%dma_start3A_38 : memref<128xi32, #tpu.memory_space<vmem>>) semaphore(%arg11 : memref<!tpu.dma_semaphore, #tpu.memory_space<semaphore_mem>>)
    } else {
    }
    %gt3A_14 = arith.constant 1 : i32
    %gt3A_15 = arith.cmpi sgt, %add3A_4, %gt3A_14 : i32
    %convert_element_type3A_16 = arith.extui %gt3A_15 : i1 to i32
    %cond3A_17 = arith.constant 0 : i32
    %cond3A_18 = arith.cmpi ne, %convert_element_type3A_16, %cond3A_17 : i32
    scf.if %cond3A_18 {
      %dma_start3A = arith.constant 1 : i32
      %dma_start3A_23 = arith.constant 0 : i32
      %dma_start3A_24 = arith.constant 0 : i32
      %dma_start3A_25 = tpu.memref_slice %arg8[%dma_start3A, %dma_start3A_23, %dma_start3A_24] : memref<2x128x128xi32, #tpu.memory_space<vmem>> -> memref<1x128x128xi32, #tpu.memory_space<vmem>>
      %dma_start3A_26 = tpu.memref_squeeze %dma_start3A_25 : memref<1x128x128xi32, #tpu.memory_space<vmem>> -> memref<128x128xi32, #tpu.memory_space<vmem>>
      %dma_start3A_27 = arith.constant 128 : i32
      %dma_start3A_28 = tpu.memref_slice %arg6[%dma_start3A_27] : memref<5120xi32, #tpu.memory_space<vmem>> -> memref<128xi32, #tpu.memory_space<vmem>>
      %dma_start3A_29 = arith.constant 0 : i32
      %dma_start3A_30 = arith.constant 0 : i32
      %dma_start3A_31 = tpu.memref_slice %arg2[%dma_start3A_29, %dma_start3A_30] : memref<10000x128xi32, #tpu.memory_space<hbm>> -> memref<10000x128xi32, #tpu.memory_space<hbm>>
      tpu.enqueue_indirect_dma source(%dma_start3A_31 : memref<10000x128xi32, #tpu.memory_space<hbm>>) target(%dma_start3A_26 : memref<128x128xi32, #tpu.memory_space<vmem>>) offsets(%dma_start3A_28 : memref<128xi32, #tpu.memory_space<vmem>>) semaphore(%arg10 : memref<!tpu.dma_semaphore, #tpu.memory_space<semaphore_mem>>)
      %dma_start3A_32 = arith.constant 1 : i32
      %dma_start3A_33 = arith.constant 0 : i32
      %dma_start3A_34 = arith.constant 0 : i32
      %dma_start3A_35 = tpu.memref_slice %arg9[%dma_start3A_32, %dma_start3A_33, %dma_start3A_34] : memref<2x128x128xi32, #tpu.memory_space<vmem>> -> memref<1x128x128xi32, #tpu.memory_space<vmem>>
      %dma_start3A_36 = tpu.memref_squeeze %dma_start3A_35 : memref<1x128x128xi32, #tpu.memory_space<vmem>> -> memref<128x128xi32, #tpu.memory_space<vmem>>
      %dma_start3A_37 = arith.constant 128 : i32
      %dma_start3A_38 = tpu.memref_slice %arg7[%dma_start3A_37] : memref<5120xi32, #tpu.memory_space<vmem>> -> memref<128xi32, #tpu.memory_space<vmem>>
      %dma_start3A_39 = arith.constant 0 : i32
      %dma_start3A_40 = arith.constant 0 : i32
      %dma_start3A_41 = tpu.memref_slice %arg2[%dma_start3A_39, %dma_start3A_40] : memref<10000x128xi32, #tpu.memory_space<hbm>> -> memref<10000x128xi32, #tpu.memory_space<hbm>>
      tpu.enqueue_indirect_dma source(%dma_start3A_41 : memref<10000x128xi32, #tpu.memory_space<hbm>>) target(%dma_start3A_36 : memref<128x128xi32, #tpu.memory_space<vmem>>) offsets(%dma_start3A_38 : memref<128xi32, #tpu.memory_space<vmem>>) semaphore(%arg11 : memref<!tpu.dma_semaphore, #tpu.memory_space<semaphore_mem>>)
    } else {
    }
    %scan3A = arith.constant 0 : i32
    %scan3A_19 = arith.constant 40 : i32
    %scan3A_20 = arith.addi %scan3A, %scan3A_19 : i32
    %scan3A_21 = arith.constant 1 : i32
    scf.for %scan3A_23 = %scan3A to %scan3A_20 step %scan3A_21  : i32 {
      %mul3A_24 = arith.constant 1 : i32
      %mul3A_25 = arith.muli %scan3A_23, %mul3A_24 : i32
      %add3A_26 = arith.constant 0 : i32
      %add3A_27 = arith.addi %add3A_26, %mul3A_25 : i32
      %rem3A = arith.constant 2 : i32
      %rem3A_28 = arith.remsi %add3A_27, %rem3A : i32
      %lt3A_29 = arith.cmpi slt, %add3A_27, %add3A_4 : i32
      %convert_element_type3A_30 = arith.extui %lt3A_29 : i1 to i32
      %cond3A_31 = arith.constant 0 : i32
      %cond3A_32 = arith.cmpi ne, %convert_element_type3A_30, %cond3A_31 : i32
      scf.if %cond3A_32 {
        %mul3A_33 = arith.constant 128 : i32
        %mul3A_34 = arith.muli %add3A_27, %mul3A_33 : i32
        %mul3A_35 = arith.constant 128 : i32
        %mul3A_36 = arith.muli %add3A_27, %mul3A_35 : i32
        %dma_wait3A = arith.constant 0 : i32
        %dma_wait3A_37 = arith.constant 0 : i32
        %dma_wait3A_38 = tpu.memref_slice %arg8[%rem3A_28, %dma_wait3A, %dma_wait3A_37] : memref<2x128x128xi32, #tpu.memory_space<vmem>> -> memref<1x128x128xi32, #tpu.memory_space<vmem>>
        %dma_wait3A_39 = tpu.memref_squeeze %dma_wait3A_38 : memref<1x128x128xi32, #tpu.memory_space<vmem>> -> memref<128x128xi32, #tpu.memory_space<vmem>>
        %dma_wait3A_40 = tpu.memref_slice %arg6[%mul3A_34] : memref<5120xi32, #tpu.memory_space<vmem>> -> memref<128xi32, #tpu.memory_space<vmem>>
        %dma_wait3A_41 = arith.constant 0 : i32
        %dma_wait3A_42 = arith.constant 0 : i32
        %dma_wait3A_43 = tpu.memref_slice %arg2[%dma_wait3A_41, %dma_wait3A_42] : memref<10000x128xi32, #tpu.memory_space<hbm>> -> memref<10000x128xi32, #tpu.memory_space<hbm>>
        tpu.wait_indirect_dma semaphore(%arg10 : memref<!tpu.dma_semaphore, #tpu.memory_space<semaphore_mem>>) src(%dma_wait3A_43 : memref<10000x128xi32, #tpu.memory_space<hbm>>) dst(%dma_wait3A_39 : memref<128x128xi32, #tpu.memory_space<vmem>>)
        %dma_wait3A_44 = arith.constant 0 : i32
        %dma_wait3A_45 = arith.constant 0 : i32
        %dma_wait3A_46 = tpu.memref_slice %arg9[%rem3A_28, %dma_wait3A_44, %dma_wait3A_45] : memref<2x128x128xi32, #tpu.memory_space<vmem>> -> memref<1x128x128xi32, #tpu.memory_space<vmem>>
        %dma_wait3A_47 = tpu.memref_squeeze %dma_wait3A_46 : memref<1x128x128xi32, #tpu.memory_space<vmem>> -> memref<128x128xi32, #tpu.memory_space<vmem>>
        %dma_wait3A_48 = tpu.memref_slice %arg7[%mul3A_36] : memref<5120xi32, #tpu.memory_space<vmem>> -> memref<128xi32, #tpu.memory_space<vmem>>
        %dma_wait3A_49 = arith.constant 0 : i32
        %dma_wait3A_50 = arith.constant 0 : i32
        %dma_wait3A_51 = tpu.memref_slice %arg2[%dma_wait3A_49, %dma_wait3A_50] : memref<10000x128xi32, #tpu.memory_space<hbm>> -> memref<10000x128xi32, #tpu.memory_space<hbm>>
        tpu.wait_indirect_dma semaphore(%arg11 : memref<!tpu.dma_semaphore, #tpu.memory_space<semaphore_mem>>) src(%dma_wait3A_51 : memref<10000x128xi32, #tpu.memory_space<hbm>>) dst(%dma_wait3A_47 : memref<128x128xi32, #tpu.memory_space<vmem>>)
        %scan3A_52 = arith.constant 0 : i32
        %scan3A_53 = arith.constant 128 : i32
        %scan3A_54 = arith.addi %scan3A_52, %scan3A_53 : i32
        %scan3A_55 = arith.constant 1 : i32
        scf.for %scan3A_89 = %scan3A_52 to %scan3A_54 step %scan3A_55  : i32 {
          %mul3A_90 = arith.constant 1 : i32
          %mul3A_91 = arith.muli %scan3A_89, %mul3A_90 : i32
          %add3A_92 = arith.constant 0 : i32
          %add3A_93 = arith.addi %add3A_92, %mul3A_91 : i32
          %get3A = arith.index_cast %rem3A_28 : i32 to index
          %get3A_94 = arith.index_cast %add3A_93 : i32 to index
          %get3A_95 = arith.constant 64 : index
          %get3A_96 = tpu.vector_load %arg9[%get3A, %get3A_94, %get3A_95] {strides = array<i32>} : memref<2x128x128xi32, #tpu.memory_space<vmem>>, vector<1x1x16xi32>,
          %get3A_97 = vector.shape_cast %get3A_96 : vector<1x1x16xi32> to vector<16xi32>
          %swap3A = arith.index_cast %rem3A_28 : i32 to index
          %swap3A_98 = arith.index_cast %add3A_93 : i32 to index
          %swap3A_99 = arith.constant 64 : index
          %swap3A_100 = tpu.vector_load %arg8[%swap3A, %swap3A_98, %swap3A_99] {strides = array<i32>} : memref<2x128x128xi32, #tpu.memory_space<vmem>>, vector<1x1x16xi32>,
          %swap3A_101 = vector.shape_cast %swap3A_100 : vector<1x1x16xi32> to vector<16xi32>
          %swap3A_102 = vector.shape_cast %get3A_97 : vector<16xi32> to vector<1x1x16xi32>
          tpu.vector_store %arg8[%swap3A, %swap3A_98, %swap3A_99], %swap3A_102 {strides = array<i32>} : memref<2x128x128xi32, #tpu.memory_space<vmem>>, vector<1x1x16xi32>,
          %get3A_103 = arith.index_cast %rem3A_28 : i32 to index
          %get3A_104 = arith.index_cast %add3A_93 : i32 to index
          %get3A_105 = arith.constant 80 : index
          %get3A_106 = tpu.vector_load %arg9[%get3A_103, %get3A_104, %get3A_105] {strides = array<i32>} : memref<2x128x128xi32, #tpu.memory_space<vmem>>, vector<1x1x16xi32>,
          %get3A_107 = vector.shape_cast %get3A_106 : vector<1x1x16xi32> to vector<16xi32>
          %swap3A_108 = arith.index_cast %rem3A_28 : i32 to index
          %swap3A_109 = arith.index_cast %add3A_93 : i32 to index
          %swap3A_110 = arith.constant 80 : index
          %swap3A_111 = tpu.vector_load %arg8[%swap3A_108, %swap3A_109, %swap3A_110] {strides = array<i32>} : memref<2x128x128xi32, #tpu.memory_space<vmem>>, vector<1x1x16xi32>,
          %swap3A_112 = vector.shape_cast %swap3A_111 : vector<1x1x16xi32> to vector<16xi32>
          %swap3A_113 = vector.shape_cast %get3A_107 : vector<16xi32> to vector<1x1x16xi32>
          tpu.vector_store %arg8[%swap3A_108, %swap3A_109, %swap3A_110], %swap3A_113 {strides = array<i32>} : memref<2x128x128xi32, #tpu.memory_space<vmem>>, vector<1x1x16xi32>,
          %get3A_114 = arith.index_cast %rem3A_28 : i32 to index
          %get3A_115 = arith.index_cast %add3A_93 : i32 to index
          %get3A_116 = arith.constant 96 : index
          %get3A_117 = tpu.vector_load %arg9[%get3A_114, %get3A_115, %get3A_116] {strides = array<i32>} : memref<2x128x128xi32, #tpu.memory_space<vmem>>, vector<1x1x16xi32>,
          %get3A_118 = vector.shape_cast %get3A_117 : vector<1x1x16xi32> to vector<16xi32>
          %swap3A_119 = arith.index_cast %rem3A_28 : i32 to index
          %swap3A_120 = arith.index_cast %add3A_93 : i32 to index
          %swap3A_121 = arith.constant 96 : index
          %swap3A_122 = tpu.vector_load %arg8[%swap3A_119, %swap3A_120, %swap3A_121] {strides = array<i32>} : memref<2x128x128xi32, #tpu.memory_space<vmem>>, vector<1x1x16xi32>,
          %swap3A_123 = vector.shape_cast %swap3A_122 : vector<1x1x16xi32> to vector<16xi32>
          %swap3A_124 = vector.shape_cast %get3A_118 : vector<16xi32> to vector<1x1x16xi32>
          tpu.vector_store %arg8[%swap3A_119, %swap3A_120, %swap3A_121], %swap3A_124 {strides = array<i32>} : memref<2x128x128xi32, #tpu.memory_space<vmem>>, vector<1x1x16xi32>,
          %get3A_125 = arith.index_cast %rem3A_28 : i32 to index
          %get3A_126 = arith.index_cast %add3A_93 : i32 to index
          %get3A_127 = arith.constant 112 : index
          %get3A_128 = tpu.vector_load %arg9[%get3A_125, %get3A_126, %get3A_127] {strides = array<i32>} : memref<2x128x128xi32, #tpu.memory_space<vmem>>, vector<1x1x16xi32>,
          %get3A_129 = vector.shape_cast %get3A_128 : vector<1x1x16xi32> to vector<16xi32>
          %swap3A_130 = arith.index_cast %rem3A_28 : i32 to index
          %swap3A_131 = arith.index_cast %add3A_93 : i32 to index
          %swap3A_132 = arith.constant 112 : index
          %swap3A_133 = tpu.vector_load %arg8[%swap3A_130, %swap3A_131, %swap3A_132] {strides = array<i32>} : memref<2x128x128xi32, #tpu.memory_space<vmem>>, vector<1x1x16xi32>,
          %swap3A_134 = vector.shape_cast %swap3A_133 : vector<1x1x16xi32> to vector<16xi32>
          %swap3A_135 = vector.shape_cast %get3A_129 : vector<16xi32> to vector<1x1x16xi32>
          tpu.vector_store %arg8[%swap3A_130, %swap3A_131, %swap3A_132], %swap3A_135 {strides = array<i32>} : memref<2x128x128xi32, #tpu.memory_space<vmem>>, vector<1x1x16xi32>,
        }
        %scan3A_56 = arith.constant 128 : i32
        %mul3A_57 = arith.constant 128 : i32
        %mul3A_58 = arith.muli %add3A_27, %mul3A_57 : i32
        %add3A_59 = arith.addi %mul3A_10, %mul3A_58 : i32
        %dma_start3A = arith.constant 0 : i32
        %dma_start3A_60 = arith.constant 0 : i32
        %dma_start3A_61 = tpu.memref_slice %arg8[%rem3A_28, %dma_start3A, %dma_start3A_60] : memref<2x128x128xi32, #tpu.memory_space<vmem>> -> memref<1x128x128xi32, #tpu.memory_space<vmem>>
        %dma_start3A_62 = tpu.memref_squeeze %dma_start3A_61 : memref<1x128x128xi32, #tpu.memory_space<vmem>> -> memref<128x128xi32, #tpu.memory_space<vmem>>
        %dma_start3A_63 = arith.constant 0 : i32
        %dma_start3A_64 = tpu.memref_slice %arg5[%add3A_59, %dma_start3A_63] : memref<160000x128xi32, #tpu.memory_space<hbm>> -> memref<128x128xi32, #tpu.memory_space<hbm>>
        %dma_start3A_65 = arith.constant 0 : i32
        %dma_start3A_66 = tpu.memref_slice %arg5[%add3A_59, %dma_start3A_65] : memref<160000x128xi32, #tpu.memory_space<hbm>> -> memref<128x128xi32, #tpu.memory_space<hbm>>
        %dma_start3A_67 = arith.constant 0 : i32
        %dma_start3A_68 = arith.constant 0 : i32
        %dma_start3A_69 = tpu.memref_slice %arg8[%rem3A_28, %dma_start3A_67, %dma_start3A_68] : memref<2x128x128xi32, #tpu.memory_space<vmem>> -> memref<1x128x128xi32, #tpu.memory_space<vmem>>
        %dma_start3A_70 = tpu.memref_squeeze %dma_start3A_69 : memref<1x128x128xi32, #tpu.memory_space<vmem>> -> memref<128x128xi32, #tpu.memory_space<vmem>>
        tpu.enqueue_dma source(%dma_start3A_70 : memref<128x128xi32, #tpu.memory_space<vmem>>) target(%dma_start3A_66 : memref<128x128xi32, #tpu.memory_space<hbm>>) target_semaphore(%arg12 : memref<!tpu.dma_semaphore, #tpu.memory_space<semaphore_mem>>)
        %dma_wait3A_71 = arith.constant 0 : i32
        %dma_wait3A_72 = arith.constant 0 : i32
        %dma_wait3A_73 = tpu.memref_slice %arg8[%rem3A_28, %dma_wait3A_71, %dma_wait3A_72] : memref<2x128x128xi32, #tpu.memory_space<vmem>> -> memref<1x128x128xi32, #tpu.memory_space<vmem>>
        %dma_wait3A_74 = tpu.memref_squeeze %dma_wait3A_73 : memref<1x128x128xi32, #tpu.memory_space<vmem>> -> memref<128x128xi32, #tpu.memory_space<vmem>>
        %dma_wait3A_75 = arith.constant 0 : i32
        %dma_wait3A_76 = tpu.memref_slice %arg5[%add3A_59, %dma_wait3A_75] : memref<160000x128xi32, #tpu.memory_space<hbm>> -> memref<128x128xi32, #tpu.memory_space<hbm>>
        %dma_wait3A_77 = arith.constant 0 : i32
        %dma_wait3A_78 = tpu.memref_slice %arg5[%add3A_59, %dma_wait3A_77] : memref<160000x128xi32, #tpu.memory_space<hbm>> -> memref<128x128xi32, #tpu.memory_space<hbm>>
        %dma_wait3A_79 = arith.constant 0 : i32
        %dma_wait3A_80 = arith.constant 0 : i32
        %dma_wait3A_81 = tpu.memref_slice %arg8[%rem3A_28, %dma_wait3A_79, %dma_wait3A_80] : memref<2x128x128xi32, #tpu.memory_space<vmem>> -> memref<1x128x128xi32, #tpu.memory_space<vmem>>
        %dma_wait3A_82 = tpu.memref_squeeze %dma_wait3A_81 : memref<1x128x128xi32, #tpu.memory_space<vmem>> -> memref<128x128xi32, #tpu.memory_space<vmem>>
        tpu.wait_dma2 semaphore(%arg12 : memref<!tpu.dma_semaphore, #tpu.memory_space<semaphore_mem>>) src(%dma_wait3A_82 : memref<128x128xi32, #tpu.memory_space<vmem>>) dst(%dma_wait3A_78 : memref<128x128xi32, #tpu.memory_space<hbm>>)
        %add3A_83 = arith.constant 2 : i32
        %add3A_84 = arith.addi %add3A_27, %add3A_83 : i32
        %lt3A_85 = arith.cmpi slt, %add3A_84, %add3A_4 : i32
        %convert_element_type3A_86 = arith.extui %lt3A_85 : i1 to i32
        %cond3A_87 = arith.constant 0 : i32
        %cond3A_88 = arith.cmpi ne, %convert_element_type3A_86, %cond3A_87 : i32
        scf.if %cond3A_88 {
          %add3A_89 = arith.constant 2 : i32
          %add3A_90 = arith.addi %add3A_27, %add3A_89 : i32
          %mul3A_91 = arith.constant 128 : i32
          %mul3A_92 = arith.muli %add3A_90, %mul3A_91 : i32
          %mul3A_93 = arith.constant 128 : i32
          %mul3A_94 = arith.muli %add3A_90, %mul3A_93 : i32
          %dma_start3A_95 = arith.constant 0 : i32
          %dma_start3A_96 = arith.constant 0 : i32
          %dma_start3A_97 = tpu.memref_slice %arg8[%rem3A_28, %dma_start3A_95, %dma_start3A_96] : memref<2x128x128xi32, #tpu.memory_space<vmem>> -> memref<1x128x128xi32, #tpu.memory_space<vmem>>
          %dma_start3A_98 = tpu.memref_squeeze %dma_start3A_97 : memref<1x128x128xi32, #tpu.memory_space<vmem>> -> memref<128x128xi32, #tpu.memory_space<vmem>>
          %dma_start3A_99 = tpu.memref_slice %arg6[%mul3A_92] : memref<5120xi32, #tpu.memory_space<vmem>> -> memref<128xi32, #tpu.memory_space<vmem>>
          %dma_start3A_100 = arith.constant 0 : i32
          %dma_start3A_101 = arith.constant 0 : i32
          %dma_start3A_102 = tpu.memref_slice %arg2[%dma_start3A_100, %dma_start3A_101] : memref<10000x128xi32, #tpu.memory_space<hbm>> -> memref<10000x128xi32, #tpu.memory_space<hbm>>
          tpu.enqueue_indirect_dma source(%dma_start3A_102 : memref<10000x128xi32, #tpu.memory_space<hbm>>) target(%dma_start3A_98 : memref<128x128xi32, #tpu.memory_space<vmem>>) offsets(%dma_start3A_99 : memref<128xi32, #tpu.memory_space<vmem>>) semaphore(%arg10 : memref<!tpu.dma_semaphore, #tpu.memory_space<semaphore_mem>>)
          %dma_start3A_103 = arith.constant 0 : i32
          %dma_start3A_104 = arith.constant 0 : i32
          %dma_start3A_105 = tpu.memref_slice %arg9[%rem3A_28, %dma_start3A_103, %dma_start3A_104] : memref<2x128x128xi32, #tpu.memory_space<vmem>> -> memref<1x128x128xi32, #tpu.memory_space<vmem>>
          %dma_start3A_106 = tpu.memref_squeeze %dma_start3A_105 : memref<1x128x128xi32, #tpu.memory_space<vmem>> -> memref<128x128xi32, #tpu.memory_space<vmem>>
          %dma_start3A_107 = tpu.memref_slice %arg7[%mul3A_94] : memref<5120xi32, #tpu.memory_space<vmem>> -> memref<128xi32, #tpu.memory_space<vmem>>
          %dma_start3A_108 = arith.constant 0 : i32
          %dma_start3A_109 = arith.constant 0 : i32
          %dma_start3A_110 = tpu.memref_slice %arg2[%dma_start3A_108, %dma_start3A_109] : memref<10000x128xi32, #tpu.memory_space<hbm>> -> memref<10000x128xi32, #tpu.memory_space<hbm>>
          tpu.enqueue_indirect_dma source(%dma_start3A_110 : memref<10000x128xi32, #tpu.memory_space<hbm>>) target(%dma_start3A_106 : memref<128x128xi32, #tpu.memory_space<vmem>>) offsets(%dma_start3A_107 : memref<128xi32, #tpu.memory_space<vmem>>) semaphore(%arg11 : memref<!tpu.dma_semaphore, #tpu.memory_space<semaphore_mem>>)
        } else {
        }
      } else {
      }
    }
    %scan3A_22 = arith.constant 40 : i32
    return
  }
}

#map = affine_map<(d0, d1) -> (0, 0)>
#map1 = affine_map<(d0, d1) -> (0, 0, 0)>
module attributes {stable_mosaic.version = 14 : i64} {
  func.func @k(%arg0: i32, %arg1: i32, %arg2: memref<160000x128xf32, #tpu.memory_space<hbm>>, %arg3: memref<1x160000xi32, #tpu.memory_space<hbm>>, %arg4: memref<10240x128xf32, #tpu.memory_space<hbm>>, %arg5: memref<2x10240x128xf32, #tpu.memory_space<hbm>>, %arg6: memref<10240x128xf32, #tpu.memory_space<vmem_shared>>) attributes {dimension_semantics = [#tpu.dimension_semantics<core_parallel>, #tpu.dimension_semantics<subcore_parallel>], iteration_bounds = array<i64: 2, 16>, scalar_prefetch = 0 : i64, scratch_operands = 1 : i64, tpu.core_type = #tpu.core_type<sc_vector_subcore>, window_params = [{transform_indices = #map}, {transform_indices = #map}, {transform_indices = #map}, {transform_indices = #map1}]} {
    %mul3A = arith.constant 640 : i32
    %mul3A_0 = arith.muli %arg1, %mul3A : i32
    %mul3A_1 = arith.constant 640 : i32
    %mul3A_2 = arith.muli %arg1, %mul3A_1 : i32
    "tpu.region"() ({
      %run_scoped3A = tpu.sem_alloc : memref<!tpu.dma_semaphore, #tpu.memory_space<semaphore_mem>>
      %dma_start3A = arith.constant 0 : i32
      %dma_start3A_26 = tpu.memref_slice %arg6[%mul3A_2, %dma_start3A] : memref<10240x128xf32, #tpu.memory_space<vmem_shared>> -> memref<640x128xf32, #tpu.memory_space<vmem_shared>>
      %dma_start3A_27 = arith.constant 0 : i32
      %dma_start3A_28 = tpu.memref_slice %arg4[%mul3A_0, %dma_start3A_27] : memref<10240x128xf32, #tpu.memory_space<hbm>> -> memref<640x128xf32, #tpu.memory_space<hbm>>
      tpu.enqueue_dma source(%dma_start3A_28 : memref<640x128xf32, #tpu.memory_space<hbm>>) target(%dma_start3A_26 : memref<640x128xf32, #tpu.memory_space<vmem_shared>>) target_semaphore(%run_scoped3A : memref<!tpu.dma_semaphore, #tpu.memory_space<semaphore_mem>>)
      %dma_wait3A = arith.constant 0 : i32
      %dma_wait3A_29 = tpu.memref_slice %arg6[%mul3A_2, %dma_wait3A] : memref<10240x128xf32, #tpu.memory_space<vmem_shared>> -> memref<640x128xf32, #tpu.memory_space<vmem_shared>>
      %dma_wait3A_30 = arith.constant 0 : i32
      %dma_wait3A_31 = tpu.memref_slice %arg4[%mul3A_0, %dma_wait3A_30] : memref<10240x128xf32, #tpu.memory_space<hbm>> -> memref<640x128xf32, #tpu.memory_space<hbm>>
      tpu.wait_dma2 semaphore(%run_scoped3A : memref<!tpu.dma_semaphore, #tpu.memory_space<semaphore_mem>>) src(%dma_wait3A_31 : memref<640x128xf32, #tpu.memory_space<hbm>>) dst(%dma_wait3A_29 : memref<640x128xf32, #tpu.memory_space<vmem_shared>>)
      tpu.yield
    }) : () -> ()
    %barrier3A = arith.constant 0 : index
    tpu.barrier barrier_id(%barrier3A)
    %mul3A_3 = arith.constant 1 : i32
    %mul3A_4 = arith.muli %arg1, %mul3A_3 : i32
    %add3A = arith.constant 0 : i32
    %add3A_5 = arith.addi %add3A, %mul3A_4 : i32
    %mul3A_6 = arith.constant 16 : i32
    %mul3A_7 = arith.muli %arg0, %mul3A_6 : i32
    %add3A_8 = arith.addi %add3A_5, %mul3A_7 : i32
    %lt3A = arith.constant 2 : i32
    %lt3A_9 = arith.cmpi slt, %add3A_8, %lt3A : i32
    %jit3A = arith.constant 40 : i32
    %jit3A_10 = arith.constant 39 : i32
    %select_n3A = arith.select %lt3A_9, %jit3A, %jit3A_10 : i32
    %lt3A_11 = arith.constant 2 : i32
    %lt3A_12 = arith.cmpi slt, %add3A_8, %lt3A_11 : i32
    %mul3A_13 = arith.muli %add3A_8, %select_n3A : i32
    %mul3A_14 = arith.constant 39 : i32
    %mul3A_15 = arith.muli %add3A_8, %mul3A_14 : i32
    %add3A_16 = arith.constant 2 : i32
    %add3A_17 = arith.addi %mul3A_15, %add3A_16 : i32
    %select_n3A_18 = arith.select %lt3A_12, %mul3A_13, %add3A_17 : i32
    %mul3A_19 = arith.constant 1 : i32
    %mul3A_20 = arith.muli %mul3A_19, %select_n3A : i32
    "tpu.region"() ({
      %run_scoped3A = memref.alloca() : memref<2x128x128xf32, #tpu.memory_space<vmem>>
      %run_scoped3A_26 = tpu.sem_alloc : memref<2x!tpu.dma_semaphore, #tpu.memory_space<semaphore_mem>>
      %run_scoped3A_27 = memref.alloca() : memref<2x1x128xi32, #tpu.memory_space<vmem>>
      %run_scoped3A_28 = tpu.sem_alloc : memref<2x!tpu.dma_semaphore, #tpu.memory_space<semaphore_mem>>
      %gt3A = arith.constant 0 : i32
      %gt3A_29 = arith.cmpi sgt, %mul3A_20, %gt3A : i32
      %convert_element_type3A = arith.extui %gt3A_29 : i1 to i32
      %cond3A = arith.constant 0 : i32
      %cond3A_30 = arith.cmpi ne, %convert_element_type3A, %cond3A : i32
      scf.if %cond3A_30 {
        %mul3A_31 = arith.constant 1 : i32
        %mul3A_32 = arith.muli %mul3A_31, %select_n3A : i32
        %sub3A = arith.constant 1 : i32
        %sub3A_33 = arith.subi %mul3A_32, %sub3A : i32
        %eq3A = arith.constant 0 : i32
        %eq3A_34 = arith.cmpi eq, %sub3A_33, %eq3A : i32
        %add3A_35 = arith.constant 0 : i32
        %add3A_36 = arith.addi %add3A_35, %select_n3A_18 : i32
        %select_n3A_37 = arith.constant true
        %select_n3A_38 = arith.constant 0 : i32
        %select_n3A_39 = arith.constant -1 : i32
        %select_n3A_40 = arith.select %select_n3A_37, %select_n3A_39, %select_n3A_38 : i32
        %eq3A_41 = arith.constant -1 : i32
        %eq3A_42 = arith.cmpi eq, %select_n3A_40, %eq3A_41 : i32
        %sub3A_43 = arith.constant 1 : i32
        %sub3A_44 = arith.subi %select_n3A, %sub3A_43 : i32
        %select_n3A_45 = arith.select %eq3A_42, %sub3A_44, %select_n3A_40 : i32
        %add3A_46 = arith.addi %select_n3A_45, %select_n3A_18 : i32
        %select_n3A_47 = arith.constant true
        %select_n3A_48 = arith.constant 0 : i32
        %select_n3A_49 = arith.constant 1 : i32
        %select_n3A_50 = arith.select %select_n3A_47, %select_n3A_49, %select_n3A_48 : i32
        %eq3A_51 = arith.cmpi eq, %select_n3A_50, %select_n3A : i32
        %select_n3A_52 = arith.constant 0 : i32
        %select_n3A_53 = arith.select %eq3A_51, %select_n3A_52, %select_n3A_50 : i32
        %add3A_54 = arith.addi %select_n3A_53, %select_n3A_18 : i32
        %add3A_55 = arith.constant 1 : i32
        %add3A_56 = arith.addi %select_n3A_53, %add3A_55 : i32
        %select_n3A_57 = arith.constant true
        %select_n3A_58 = arith.select %select_n3A_57, %add3A_56, %select_n3A_53 : i32
        %eq3A_59 = arith.cmpi eq, %select_n3A_58, %select_n3A : i32
        %select_n3A_60 = arith.constant 0 : i32
        %select_n3A_61 = arith.select %eq3A_59, %select_n3A_60, %select_n3A_58 : i32
        %add3A_62 = arith.addi %select_n3A_61, %select_n3A_18 : i32
        "tpu.trace_start"() <{level = 10 : i32, message = "ep_initialize_0"}> : () -> ()
        %rem3A = arith.constant 0 : i32
        %rem3A_63 = arith.constant 2 : i32
        %rem3A_64 = arith.remui %rem3A, %rem3A_63 : i32
        %mul3A_65 = arith.constant 128 : i32
        %mul3A_66 = arith.muli %mul3A_65, %add3A_36 : i32
        %dma_start3A = arith.constant 0 : i32
        %dma_start3A_67 = arith.constant 0 : i32
        %dma_start3A_68 = tpu.memref_slice %run_scoped3A[%rem3A_64, %dma_start3A, %dma_start3A_67] : memref<2x128x128xf32, #tpu.memory_space<vmem>> -> memref<1x128x128xf32, #tpu.memory_space<vmem>>
        %dma_start3A_69 = tpu.memref_squeeze %dma_start3A_68 : memref<1x128x128xf32, #tpu.memory_space<vmem>> -> memref<128x128xf32, #tpu.memory_space<vmem>>
        %dma_start3A_70 = arith.constant 0 : i32
        %dma_start3A_71 = tpu.memref_slice %arg2[%mul3A_66, %dma_start3A_70] : memref<160000x128xf32, #tpu.memory_space<hbm>> -> memref<128x128xf32, #tpu.memory_space<hbm>>
        %dma_start3A_72 = tpu.memref_slice %run_scoped3A_26[%rem3A_64] : memref<2x!tpu.dma_semaphore, #tpu.memory_space<semaphore_mem>> -> memref<1x!tpu.dma_semaphore, #tpu.memory_space<semaphore_mem>>
        %dma_start3A_73 = tpu.memref_squeeze %dma_start3A_72 : memref<1x!tpu.dma_semaphore, #tpu.memory_space<semaphore_mem>> -> memref<!tpu.dma_semaphore, #tpu.memory_space<semaphore_mem>>
        %dma_start3A_74 = arith.constant 0 : i32
        %dma_start3A_75 = arith.constant 0 : i32
        %dma_start3A_76 = tpu.memref_slice %run_scoped3A[%rem3A_64, %dma_start3A_74, %dma_start3A_75] : memref<2x128x128xf32, #tpu.memory_space<vmem>> -> memref<1x128x128xf32, #tpu.memory_space<vmem>>
        %dma_start3A_77 = tpu.memref_squeeze %dma_start3A_76 : memref<1x128x128xf32, #tpu.memory_space<vmem>> -> memref<128x128xf32, #tpu.memory_space<vmem>>
        %dma_start3A_78 = arith.constant 0 : i32
        %dma_start3A_79 = tpu.memref_slice %arg2[%mul3A_66, %dma_start3A_78] : memref<160000x128xf32, #tpu.memory_space<hbm>> -> memref<128x128xf32, #tpu.memory_space<hbm>>
        tpu.enqueue_dma source(%dma_start3A_79 : memref<128x128xf32, #tpu.memory_space<hbm>>) target(%dma_start3A_77 : memref<128x128xf32, #tpu.memory_space<vmem>>) target_semaphore(%dma_start3A_73 : memref<!tpu.dma_semaphore, #tpu.memory_space<semaphore_mem>>)
        %add3A_80 = arith.constant 0 : i32
        %add3A_81 = arith.constant 1 : i32
        %add3A_82 = arith.addi %add3A_80, %add3A_81 : i32
        %select_n3A_83 = arith.constant true
        %select_n3A_84 = arith.constant 0 : i32
        %select_n3A_85 = arith.select %select_n3A_83, %add3A_82, %select_n3A_84 : i32
        %rem3A_86 = arith.constant 0 : i32
        %rem3A_87 = arith.constant 2 : i32
        %rem3A_88 = arith.remui %rem3A_86, %rem3A_87 : i32
        %mul3A_89 = arith.constant 128 : i32
        %mul3A_90 = arith.muli %mul3A_89, %add3A_36 : i32
        %dma_start3A_91 = arith.constant 0 : i32
        %dma_start3A_92 = arith.constant 0 : i32
        %dma_start3A_93 = tpu.memref_slice %run_scoped3A_27[%rem3A_88, %dma_start3A_91, %dma_start3A_92] : memref<2x1x128xi32, #tpu.memory_space<vmem>> -> memref<1x1x128xi32, #tpu.memory_space<vmem>>
        %dma_start3A_94 = tpu.memref_squeeze %dma_start3A_93 : memref<1x1x128xi32, #tpu.memory_space<vmem>> -> memref<1x128xi32, #tpu.memory_space<vmem>>
        %dma_start3A_95 = arith.constant 0 : i32
        %dma_start3A_96 = tpu.memref_slice %arg3[%dma_start3A_95, %mul3A_90] : memref<1x160000xi32, #tpu.memory_space<hbm>> -> memref<1x128xi32, #tpu.memory_space<hbm>>
        %dma_start3A_97 = tpu.memref_slice %run_scoped3A_28[%rem3A_88] : memref<2x!tpu.dma_semaphore, #tpu.memory_space<semaphore_mem>> -> memref<1x!tpu.dma_semaphore, #tpu.memory_space<semaphore_mem>>
        %dma_start3A_98 = tpu.memref_squeeze %dma_start3A_97 : memref<1x!tpu.dma_semaphore, #tpu.memory_space<semaphore_mem>> -> memref<!tpu.dma_semaphore, #tpu.memory_space<semaphore_mem>>
        %dma_start3A_99 = arith.constant 0 : i32
        %dma_start3A_100 = arith.constant 0 : i32
        %dma_start3A_101 = tpu.memref_slice %run_scoped3A_27[%rem3A_88, %dma_start3A_99, %dma_start3A_100] : memref<2x1x128xi32, #tpu.memory_space<vmem>> -> memref<1x1x128xi32, #tpu.memory_space<vmem>>
        %dma_start3A_102 = tpu.memref_squeeze %dma_start3A_101 : memref<1x1x128xi32, #tpu.memory_space<vmem>> -> memref<1x128xi32, #tpu.memory_space<vmem>>
        %dma_start3A_103 = arith.constant 0 : i32
        %dma_start3A_104 = tpu.memref_slice %arg3[%dma_start3A_103, %mul3A_90] : memref<1x160000xi32, #tpu.memory_space<hbm>> -> memref<1x128xi32, #tpu.memory_space<hbm>>
        tpu.enqueue_dma source(%dma_start3A_104 : memref<1x128xi32, #tpu.memory_space<hbm>>) target(%dma_start3A_102 : memref<1x128xi32, #tpu.memory_space<vmem>>) target_semaphore(%dma_start3A_98 : memref<!tpu.dma_semaphore, #tpu.memory_space<semaphore_mem>>)
        %add3A_105 = arith.constant 0 : i32
        %add3A_106 = arith.constant 1 : i32
        %add3A_107 = arith.addi %add3A_105, %add3A_106 : i32
        %select_n3A_108 = arith.constant true
        %select_n3A_109 = arith.constant 0 : i32
        %select_n3A_110 = arith.select %select_n3A_108, %add3A_107, %select_n3A_109 : i32
        %while3A = arith.constant 0 : i32
        %while3A_111 = arith.constant 0 : i32
        %while3A_112 = arith.constant 0 : i32
        %while3A_113 = arith.constant 0 : i32
        "tpu.trace_stop"() : () -> ()
        %while3A_114 = arith.subi %mul3A_20, %while3A : i32
        %while3A_115 = arith.addi %while3A, %while3A_114 : i32
        %while3A_116 = arith.constant 1 : i32
        %while3A_117 = arith.divsi %while3A_114, %while3A_116 : i32
        %while3A_118 = arith.muli %while3A_117, %while3A_116 : i32
        %while3A_119 = arith.addi %while3A, %while3A_118 : i32
        %while3A_120 = arith.constant 1 : i32
        %while3A_121:5 = scf.for %while3A_175 = %while3A to %while3A_119 step %while3A_120 iter_args(%while3A_176 = %select_n3A_85, %while3A_177 = %while3A_111, %while3A_178 = %select_n3A_110, %while3A_179 = %while3A_112, %while3A_180 = %while3A_113) -> (i32, i32, i32, i32, i32)  : i32 {
          %mul3A_181 = arith.constant 1 : i32
          %mul3A_182 = arith.muli %mul3A_181, %select_n3A : i32
          %eq3A_183 = arith.constant 0 : i32
          %eq3A_184 = arith.cmpi eq, %while3A_175, %eq3A_183 : i32
          %sub3A_185 = arith.constant 1 : i32
          %sub3A_186 = arith.subi %mul3A_182, %sub3A_185 : i32
          %eq3A_187 = arith.cmpi eq, %while3A_175, %sub3A_186 : i32
          %add3A_188 = arith.addi %while3A_180, %select_n3A_18 : i32
          %sub3A_189 = arith.constant 1 : i32
          %sub3A_190 = arith.subi %while3A_180, %sub3A_189 : i32
          %select_n3A_191 = arith.constant true
          %select_n3A_192 = arith.select %select_n3A_191, %sub3A_190, %while3A_180 : i32
          %eq3A_193 = arith.constant -1 : i32
          %eq3A_194 = arith.cmpi eq, %select_n3A_192, %eq3A_193 : i32
          %sub3A_195 = arith.constant 1 : i32
          %sub3A_196 = arith.subi %select_n3A, %sub3A_195 : i32
          %select_n3A_197 = arith.select %eq3A_194, %sub3A_196, %select_n3A_192 : i32
          %add3A_198 = arith.addi %select_n3A_197, %select_n3A_18 : i32
          %add3A_199 = arith.constant 1 : i32
          %add3A_200 = arith.addi %while3A_180, %add3A_199 : i32
          %select_n3A_201 = arith.constant true
          %select_n3A_202 = arith.select %select_n3A_201, %add3A_200, %while3A_180 : i32
          %eq3A_203 = arith.cmpi eq, %select_n3A_202, %select_n3A : i32
          %select_n3A_204 = arith.constant 0 : i32
          %select_n3A_205 = arith.select %eq3A_203, %select_n3A_204, %select_n3A_202 : i32
          %add3A_206 = arith.addi %select_n3A_205, %select_n3A_18 : i32
          %add3A_207 = arith.constant 1 : i32
          %add3A_208 = arith.addi %select_n3A_205, %add3A_207 : i32
          %select_n3A_209 = arith.constant true
          %select_n3A_210 = arith.select %select_n3A_209, %add3A_208, %select_n3A_205 : i32
          %eq3A_211 = arith.cmpi eq, %select_n3A_210, %select_n3A : i32
          %select_n3A_212 = arith.constant 0 : i32
          %select_n3A_213 = arith.select %eq3A_211, %select_n3A_212, %select_n3A_210 : i32
          %add3A_214 = arith.addi %select_n3A_213, %select_n3A_18 : i32
          %ne3A = arith.cmpi ne, %add3A_188, %add3A_206 : i32
          %or3A = arith.constant false
          %or3A_215 = arith.ori %or3A, %ne3A : i1
          %or3A_216 = arith.constant false
          %or3A_217 = arith.ori %or3A_215, %or3A_216 : i1
          %sub3A_218 = arith.constant 2 : i32
          %sub3A_219 = arith.subi %mul3A_182, %sub3A_218 : i32
          %add3A_220 = arith.constant 1 : i32
          %add3A_221 = arith.addi %sub3A_219, %add3A_220 : i32
          %ge3A = arith.cmpi sge, %while3A_175, %add3A_221 : i32
          %not3A = arith.constant true
          %not3A_222 = arith.xori %ge3A, %not3A : i1
          %and3A = arith.andi %or3A_217, %not3A_222 : i1
          %convert_element_type3A_223 = arith.extui %and3A : i1 to i32
          %cond3A_224 = arith.constant 0 : i32
          %cond3A_225 = arith.cmpi ne, %convert_element_type3A_223, %cond3A_224 : i32
          scf.if %cond3A_225 {
            "tpu.trace_start"() <{level = 10 : i32, message = "ep_copy_in"}> : () -> ()
            %rem3A_338 = arith.constant 2 : i32
            %rem3A_339 = arith.remui %while3A_176, %rem3A_338 : i32
            %mul3A_340 = arith.constant 128 : i32
            %mul3A_341 = arith.muli %mul3A_340, %add3A_206 : i32
            %dma_start3A_342 = arith.constant 0 : i32
            %dma_start3A_343 = arith.constant 0 : i32
            %dma_start3A_344 = tpu.memref_slice %run_scoped3A[%rem3A_339, %dma_start3A_342, %dma_start3A_343] : memref<2x128x128xf32, #tpu.memory_space<vmem>> -> memref<1x128x128xf32, #tpu.memory_space<vmem>>
            %dma_start3A_345 = tpu.memref_squeeze %dma_start3A_344 : memref<1x128x128xf32, #tpu.memory_space<vmem>> -> memref<128x128xf32, #tpu.memory_space<vmem>>
            %dma_start3A_346 = arith.constant 0 : i32
            %dma_start3A_347 = tpu.memref_slice %arg2[%mul3A_341, %dma_start3A_346] : memref<160000x128xf32, #tpu.memory_space<hbm>> -> memref<128x128xf32, #tpu.memory_space<hbm>>
            %dma_start3A_348 = tpu.memref_slice %run_scoped3A_26[%rem3A_339] : memref<2x!tpu.dma_semaphore, #tpu.memory_space<semaphore_mem>> -> memref<1x!tpu.dma_semaphore, #tpu.memory_space<semaphore_mem>>
            %dma_start3A_349 = tpu.memref_squeeze %dma_start3A_348 : memref<1x!tpu.dma_semaphore, #tpu.memory_space<semaphore_mem>> -> memref<!tpu.dma_semaphore, #tpu.memory_space<semaphore_mem>>
            %dma_start3A_350 = arith.constant 0 : i32
            %dma_start3A_351 = arith.constant 0 : i32
            %dma_start3A_352 = tpu.memref_slice %run_scoped3A[%rem3A_339, %dma_start3A_350, %dma_start3A_351] : memref<2x128x128xf32, #tpu.memory_space<vmem>> -> memref<1x128x128xf32, #tpu.memory_space<vmem>>
            %dma_start3A_353 = tpu.memref_squeeze %dma_start3A_352 : memref<1x128x128xf32, #tpu.memory_space<vmem>> -> memref<128x128xf32, #tpu.memory_space<vmem>>
            %dma_start3A_354 = arith.constant 0 : i32
            %dma_start3A_355 = tpu.memref_slice %arg2[%mul3A_341, %dma_start3A_354] : memref<160000x128xf32, #tpu.memory_space<hbm>> -> memref<128x128xf32, #tpu.memory_space<hbm>>
            tpu.enqueue_dma source(%dma_start3A_355 : memref<128x128xf32, #tpu.memory_space<hbm>>) target(%dma_start3A_353 : memref<128x128xf32, #tpu.memory_space<vmem>>) target_semaphore(%dma_start3A_349 : memref<!tpu.dma_semaphore, #tpu.memory_space<semaphore_mem>>)
            "tpu.trace_stop"() : () -> ()
          } else {
          }
          %and3A_226 = arith.constant true
          %and3A_227 = arith.andi %and3A, %and3A_226 : i1
          %add3A_228 = arith.constant 1 : i32
          %add3A_229 = arith.addi %while3A_176, %add3A_228 : i32
          %select_n3A_230 = arith.select %and3A_227, %add3A_229, %while3A_176 : i32
          %ne3A_231 = arith.cmpi ne, %add3A_188, %add3A_206 : i32
          %or3A_232 = arith.constant false
          %or3A_233 = arith.ori %or3A_232, %ne3A_231 : i1
          %sub3A_234 = arith.constant 2 : i32
          %sub3A_235 = arith.subi %mul3A_182, %sub3A_234 : i32
          %add3A_236 = arith.constant 1 : i32
          %add3A_237 = arith.addi %sub3A_235, %add3A_236 : i32
          %ge3A_238 = arith.cmpi sge, %while3A_175, %add3A_237 : i32
          %not3A_239 = arith.constant true
          %not3A_240 = arith.xori %ge3A_238, %not3A_239 : i1
          %and3A_241 = arith.andi %or3A_233, %not3A_240 : i1
          %convert_element_type3A_242 = arith.extui %and3A_241 : i1 to i32
          %cond3A_243 = arith.constant 0 : i32
          %cond3A_244 = arith.cmpi ne, %convert_element_type3A_242, %cond3A_243 : i32
          scf.if %cond3A_244 {
            "tpu.trace_start"() <{level = 10 : i32, message = "ep_copy_in"}> : () -> ()
            %rem3A_338 = arith.constant 2 : i32
            %rem3A_339 = arith.remui %while3A_178, %rem3A_338 : i32
            %mul3A_340 = arith.constant 128 : i32
            %mul3A_341 = arith.muli %mul3A_340, %add3A_206 : i32
            %dma_start3A_342 = arith.constant 0 : i32
            %dma_start3A_343 = arith.constant 0 : i32
            %dma_start3A_344 = tpu.memref_slice %run_scoped3A_27[%rem3A_339, %dma_start3A_342, %dma_start3A_343] : memref<2x1x128xi32, #tpu.memory_space<vmem>> -> memref<1x1x128xi32, #tpu.memory_space<vmem>>
            %dma_start3A_345 = tpu.memref_squeeze %dma_start3A_344 : memref<1x1x128xi32, #tpu.memory_space<vmem>> -> memref<1x128xi32, #tpu.memory_space<vmem>>
            %dma_start3A_346 = arith.constant 0 : i32
            %dma_start3A_347 = tpu.memref_slice %arg3[%dma_start3A_346, %mul3A_341] : memref<1x160000xi32, #tpu.memory_space<hbm>> -> memref<1x128xi32, #tpu.memory_space<hbm>>
            %dma_start3A_348 = tpu.memref_slice %run_scoped3A_28[%rem3A_339] : memref<2x!tpu.dma_semaphore, #tpu.memory_space<semaphore_mem>> -> memref<1x!tpu.dma_semaphore, #tpu.memory_space<semaphore_mem>>
            %dma_start3A_349 = tpu.memref_squeeze %dma_start3A_348 : memref<1x!tpu.dma_semaphore, #tpu.memory_space<semaphore_mem>> -> memref<!tpu.dma_semaphore, #tpu.memory_space<semaphore_mem>>
            %dma_start3A_350 = arith.constant 0 : i32
            %dma_start3A_351 = arith.constant 0 : i32
            %dma_start3A_352 = tpu.memref_slice %run_scoped3A_27[%rem3A_339, %dma_start3A_350, %dma_start3A_351] : memref<2x1x128xi32, #tpu.memory_space<vmem>> -> memref<1x1x128xi32, #tpu.memory_space<vmem>>
            %dma_start3A_353 = tpu.memref_squeeze %dma_start3A_352 : memref<1x1x128xi32, #tpu.memory_space<vmem>> -> memref<1x128xi32, #tpu.memory_space<vmem>>
            %dma_start3A_354 = arith.constant 0 : i32
            %dma_start3A_355 = tpu.memref_slice %arg3[%dma_start3A_354, %mul3A_341] : memref<1x160000xi32, #tpu.memory_space<hbm>> -> memref<1x128xi32, #tpu.memory_space<hbm>>
            tpu.enqueue_dma source(%dma_start3A_355 : memref<1x128xi32, #tpu.memory_space<hbm>>) target(%dma_start3A_353 : memref<1x128xi32, #tpu.memory_space<vmem>>) target_semaphore(%dma_start3A_349 : memref<!tpu.dma_semaphore, #tpu.memory_space<semaphore_mem>>)
            "tpu.trace_stop"() : () -> ()
          } else {
          }
          %and3A_245 = arith.constant true
          %and3A_246 = arith.andi %and3A_241, %and3A_245 : i1
          %add3A_247 = arith.constant 1 : i32
          %add3A_248 = arith.addi %while3A_178, %add3A_247 : i32
          %select_n3A_249 = arith.select %and3A_246, %add3A_248, %while3A_178 : i32
          %ne3A_250 = arith.cmpi ne, %add3A_188, %add3A_198 : i32
          %or3A_251 = arith.constant false
          %or3A_252 = arith.ori %or3A_251, %ne3A_250 : i1
          %or3A_253 = arith.constant false
          %or3A_254 = arith.ori %or3A_252, %or3A_253 : i1
          %or3A_255 = arith.ori %or3A_254, %eq3A_184 : i1
          %convert_element_type3A_256 = arith.extui %or3A_255 : i1 to i32
          %cond3A_257 = arith.constant 0 : i32
          %cond3A_258 = arith.cmpi ne, %convert_element_type3A_256, %cond3A_257 : i32
          scf.if %cond3A_258 {
            "tpu.trace_start"() <{level = 10 : i32, message = "ep_wait_in"}> : () -> ()
            %mul3A_338 = arith.constant 128 : i32
            %mul3A_339 = arith.muli %mul3A_338, %add3A_188 : i32
            %rem3A_340 = arith.constant 2 : i32
            %rem3A_341 = arith.remui %while3A_177, %rem3A_340 : i32
            %dma_wait3A = arith.constant 0 : i32
            %dma_wait3A_342 = arith.constant 0 : i32
            %dma_wait3A_343 = tpu.memref_slice %run_scoped3A[%rem3A_341, %dma_wait3A, %dma_wait3A_342] : memref<2x128x128xf32, #tpu.memory_space<vmem>> -> memref<1x128x128xf32, #tpu.memory_space<vmem>>
            %dma_wait3A_344 = tpu.memref_squeeze %dma_wait3A_343 : memref<1x128x128xf32, #tpu.memory_space<vmem>> -> memref<128x128xf32, #tpu.memory_space<vmem>>
            %dma_wait3A_345 = arith.constant 0 : i32
            %dma_wait3A_346 = tpu.memref_slice %arg2[%mul3A_339, %dma_wait3A_345] : memref<160000x128xf32, #tpu.memory_space<hbm>> -> memref<128x128xf32, #tpu.memory_space<hbm>>
            %dma_wait3A_347 = tpu.memref_slice %run_scoped3A_26[%rem3A_341] : memref<2x!tpu.dma_semaphore, #tpu.memory_space<semaphore_mem>> -> memref<1x!tpu.dma_semaphore, #tpu.memory_space<semaphore_mem>>
            %dma_wait3A_348 = tpu.memref_squeeze %dma_wait3A_347 : memref<1x!tpu.dma_semaphore, #tpu.memory_space<semaphore_mem>> -> memref<!tpu.dma_semaphore, #tpu.memory_space<semaphore_mem>>
            %dma_wait3A_349 = arith.constant 0 : i32
            %dma_wait3A_350 = arith.constant 0 : i32
            %dma_wait3A_351 = tpu.memref_slice %run_scoped3A[%rem3A_341, %dma_wait3A_349, %dma_wait3A_350] : memref<2x128x128xf32, #tpu.memory_space<vmem>> -> memref<1x128x128xf32, #tpu.memory_space<vmem>>
            %dma_wait3A_352 = tpu.memref_squeeze %dma_wait3A_351 : memref<1x128x128xf32, #tpu.memory_space<vmem>> -> memref<128x128xf32, #tpu.memory_space<vmem>>
            %dma_wait3A_353 = arith.constant 0 : i32
            %dma_wait3A_354 = tpu.memref_slice %arg2[%mul3A_339, %dma_wait3A_353] : memref<160000x128xf32, #tpu.memory_space<hbm>> -> memref<128x128xf32, #tpu.memory_space<hbm>>
            tpu.wait_dma2 semaphore(%dma_wait3A_348 : memref<!tpu.dma_semaphore, #tpu.memory_space<semaphore_mem>>) src(%dma_wait3A_354 : memref<128x128xf32, #tpu.memory_space<hbm>>) dst(%dma_wait3A_352 : memref<128x128xf32, #tpu.memory_space<vmem>>)
            "tpu.trace_stop"() : () -> ()
          } else {
          }
          %ne3A_259 = arith.cmpi ne, %add3A_188, %add3A_198 : i32
          %or3A_260 = arith.constant false
          %or3A_261 = arith.ori %or3A_260, %ne3A_259 : i1
          %or3A_262 = arith.ori %or3A_261, %eq3A_184 : i1
          %convert_element_type3A_263 = arith.extui %or3A_262 : i1 to i32
          %cond3A_264 = arith.constant 0 : i32
          %cond3A_265 = arith.cmpi ne, %convert_element_type3A_263, %cond3A_264 : i32
          scf.if %cond3A_265 {
            "tpu.trace_start"() <{level = 10 : i32, message = "ep_wait_in"}> : () -> ()
            %mul3A_338 = arith.constant 128 : i32
            %mul3A_339 = arith.muli %mul3A_338, %add3A_188 : i32
            %rem3A_340 = arith.constant 2 : i32
            %rem3A_341 = arith.remui %while3A_179, %rem3A_340 : i32
            %dma_wait3A = arith.constant 0 : i32
            %dma_wait3A_342 = arith.constant 0 : i32
            %dma_wait3A_343 = tpu.memref_slice %run_scoped3A_27[%rem3A_341, %dma_wait3A, %dma_wait3A_342] : memref<2x1x128xi32, #tpu.memory_space<vmem>> -> memref<1x1x128xi32, #tpu.memory_space<vmem>>
            %dma_wait3A_344 = tpu.memref_squeeze %dma_wait3A_343 : memref<1x1x128xi32, #tpu.memory_space<vmem>> -> memref<1x128xi32, #tpu.memory_space<vmem>>
            %dma_wait3A_345 = arith.constant 0 : i32
            %dma_wait3A_346 = tpu.memref_slice %arg3[%dma_wait3A_345, %mul3A_339] : memref<1x160000xi32, #tpu.memory_space<hbm>> -> memref<1x128xi32, #tpu.memory_space<hbm>>
            %dma_wait3A_347 = tpu.memref_slice %run_scoped3A_28[%rem3A_341] : memref<2x!tpu.dma_semaphore, #tpu.memory_space<semaphore_mem>> -> memref<1x!tpu.dma_semaphore, #tpu.memory_space<semaphore_mem>>
            %dma_wait3A_348 = tpu.memref_squeeze %dma_wait3A_347 : memref<1x!tpu.dma_semaphore, #tpu.memory_space<semaphore_mem>> -> memref<!tpu.dma_semaphore, #tpu.memory_space<semaphore_mem>>
            %dma_wait3A_349 = arith.constant 0 : i32
            %dma_wait3A_350 = arith.constant 0 : i32
            %dma_wait3A_351 = tpu.memref_slice %run_scoped3A_27[%rem3A_341, %dma_wait3A_349, %dma_wait3A_350] : memref<2x1x128xi32, #tpu.memory_space<vmem>> -> memref<1x1x128xi32, #tpu.memory_space<vmem>>
            %dma_wait3A_352 = tpu.memref_squeeze %dma_wait3A_351 : memref<1x1x128xi32, #tpu.memory_space<vmem>> -> memref<1x128xi32, #tpu.memory_space<vmem>>
            %dma_wait3A_353 = arith.constant 0 : i32
            %dma_wait3A_354 = tpu.memref_slice %arg3[%dma_wait3A_353, %mul3A_339] : memref<1x160000xi32, #tpu.memory_space<hbm>> -> memref<1x128xi32, #tpu.memory_space<hbm>>
            tpu.wait_dma2 semaphore(%dma_wait3A_348 : memref<!tpu.dma_semaphore, #tpu.memory_space<semaphore_mem>>) src(%dma_wait3A_354 : memref<1x128xi32, #tpu.memory_space<hbm>>) dst(%dma_wait3A_352 : memref<1x128xi32, #tpu.memory_space<vmem>>)
            "tpu.trace_stop"() : () -> ()
          } else {
          }
          %rem3A_266 = arith.constant 2 : i32
          %rem3A_267 = arith.remui %while3A_177, %rem3A_266 : i32
          %rem3A_268 = arith.constant 2 : i32
          %rem3A_269 = arith.remui %while3A_179, %rem3A_268 : i32
          %run_scoped3A_270 = arith.constant 0 : i32
          "tpu.trace_start"() <{level = 10 : i32, message = "ep_run_kernel"}> : () -> ()
          "tpu.region"() ({
            %run_scoped3A_338 = tpu.sem_alloc : memref<!tpu.dma_semaphore, #tpu.memory_space<semaphore_mem>>
            %dma_start3A_339 = arith.constant 0 : i32
            %dma_start3A_340 = arith.constant 0 : i32
            %dma_start3A_341 = tpu.memref_slice %run_scoped3A[%rem3A_267, %dma_start3A_339, %dma_start3A_340] : memref<2x128x128xf32, #tpu.memory_space<vmem>> -> memref<1x128x128xf32, #tpu.memory_space<vmem>>
            %dma_start3A_342 = tpu.memref_squeeze %dma_start3A_341 : memref<1x128x128xf32, #tpu.memory_space<vmem>> -> memref<128x128xf32, #tpu.memory_space<vmem>>
            %dma_start3A_343 = arith.constant 0 : i32
            %dma_start3A_344 = arith.constant 0 : i32
            %dma_start3A_345 = tpu.memref_slice %run_scoped3A_27[%rem3A_269, %dma_start3A_343, %dma_start3A_344] : memref<2x1x128xi32, #tpu.memory_space<vmem>> -> memref<1x1x128xi32, #tpu.memory_space<vmem>>
            %dma_start3A_346 = tpu.memref_squeeze %dma_start3A_345 : memref<1x1x128xi32, #tpu.memory_space<vmem>> -> memref<1x128xi32, #tpu.memory_space<vmem>>
            %dma_start3A_347 = arith.constant 0 : i32
            %dma_start3A_348 = tpu.memref_slice %dma_start3A_346[%run_scoped3A_270, %dma_start3A_347] : memref<1x128xi32, #tpu.memory_space<vmem>> -> memref<1x128xi32, #tpu.memory_space<vmem>>
            %dma_start3A_349 = tpu.memref_squeeze %dma_start3A_348 : memref<1x128xi32, #tpu.memory_space<vmem>> -> memref<128xi32, #tpu.memory_space<vmem>>
            %dma_start3A_350 = arith.constant 0 : i32
            %dma_start3A_351 = arith.constant 0 : i32
            %dma_start3A_352 = tpu.memref_slice %arg6[%dma_start3A_350, %dma_start3A_351] : memref<10240x128xf32, #tpu.memory_space<vmem_shared>> -> memref<10240x128xf32, #tpu.memory_space<vmem_shared>>
            tpu.enqueue_indirect_dma source(%dma_start3A_342 : memref<128x128xf32, #tpu.memory_space<vmem>>) target(%dma_start3A_352 : memref<10240x128xf32, #tpu.memory_space<vmem_shared>>) offsets(%dma_start3A_349 : memref<128xi32, #tpu.memory_space<vmem>>) semaphore(%run_scoped3A_338 : memref<!tpu.dma_semaphore, #tpu.memory_space<semaphore_mem>>) {add = true}
            %dma_wait3A = arith.constant 0 : i32
            %dma_wait3A_353 = arith.constant 0 : i32
            %dma_wait3A_354 = tpu.memref_slice %run_scoped3A[%rem3A_267, %dma_wait3A, %dma_wait3A_353] : memref<2x128x128xf32, #tpu.memory_space<vmem>> -> memref<1x128x128xf32, #tpu.memory_space<vmem>>
            %dma_wait3A_355 = tpu.memref_squeeze %dma_wait3A_354 : memref<1x128x128xf32, #tpu.memory_space<vmem>> -> memref<128x128xf32, #tpu.memory_space<vmem>>
            %dma_wait3A_356 = arith.constant 0 : i32
            %dma_wait3A_357 = arith.constant 0 : i32
            %dma_wait3A_358 = tpu.memref_slice %run_scoped3A_27[%rem3A_269, %dma_wait3A_356, %dma_wait3A_357] : memref<2x1x128xi32, #tpu.memory_space<vmem>> -> memref<1x1x128xi32, #tpu.memory_space<vmem>>
            %dma_wait3A_359 = tpu.memref_squeeze %dma_wait3A_358 : memref<1x1x128xi32, #tpu.memory_space<vmem>> -> memref<1x128xi32, #tpu.memory_space<vmem>>
            %dma_wait3A_360 = arith.constant 0 : i32
            %dma_wait3A_361 = tpu.memref_slice %dma_wait3A_359[%run_scoped3A_270, %dma_wait3A_360] : memref<1x128xi32, #tpu.memory_space<vmem>> -> memref<1x128xi32, #tpu.memory_space<vmem>>
            %dma_wait3A_362 = tpu.memref_squeeze %dma_wait3A_361 : memref<1x128xi32, #tpu.memory_space<vmem>> -> memref<128xi32, #tpu.memory_space<vmem>>
            %dma_wait3A_363 = arith.constant 0 : i32
            %dma_wait3A_364 = arith.constant 0 : i32
            %dma_wait3A_365 = tpu.memref_slice %arg6[%dma_wait3A_363, %dma_wait3A_364] : memref<10240x128xf32, #tpu.memory_space<vmem_shared>> -> memref<10240x128xf32, #tpu.memory_space<vmem_shared>>
            tpu.wait_indirect_dma semaphore(%run_scoped3A_338 : memref<!tpu.dma_semaphore, #tpu.memory_space<semaphore_mem>>) src(%dma_wait3A_355 : memref<128x128xf32, #tpu.memory_space<vmem>>) dst(%dma_wait3A_365 : memref<10240x128xf32, #tpu.memory_space<vmem_shared>>)
            tpu.yield
          }) : () -> ()
          "tpu.trace_stop"() : () -> ()
          %ne3A_271 = arith.cmpi ne, %add3A_188, %add3A_206 : i32
          %or3A_272 = arith.constant false
          %or3A_273 = arith.ori %or3A_272, %ne3A_271 : i1
          %or3A_274 = arith.constant false
          %or3A_275 = arith.ori %or3A_273, %or3A_274 : i1
          %or3A_276 = arith.ori %or3A_275, %eq3A_187 : i1
          %convert_element_type3A_277 = arith.extui %or3A_276 : i1 to i32
          %cond3A_278 = arith.constant 0 : i32
          %cond3A_279 = arith.cmpi ne, %convert_element_type3A_277, %cond3A_278 : i32
          scf.if %cond3A_279 {
          } else {
          }
          %and3A_280 = arith.constant false
          %and3A_281 = arith.andi %or3A_276, %and3A_280 : i1
          %ne3A_282 = arith.cmpi ne, %add3A_188, %add3A_206 : i32
          %or3A_283 = arith.constant false
          %or3A_284 = arith.ori %or3A_283, %ne3A_282 : i1
          %or3A_285 = arith.ori %or3A_284, %eq3A_187 : i1
          %convert_element_type3A_286 = arith.extui %or3A_285 : i1 to i32
          %cond3A_287 = arith.constant 0 : i32
          %cond3A_288 = arith.cmpi ne, %convert_element_type3A_286, %cond3A_287 : i32
          scf.if %cond3A_288 {
          } else {
          }
          %and3A_289 = arith.constant false
          %and3A_290 = arith.andi %or3A_285, %and3A_289 : i1
          %ne3A_291 = arith.cmpi ne, %add3A_188, %add3A_198 : i32
          %or3A_292 = arith.constant false
          %or3A_293 = arith.ori %or3A_292, %ne3A_291 : i1
          %or3A_294 = arith.constant false
          %or3A_295 = arith.ori %or3A_293, %or3A_294 : i1
          %not3A_296 = arith.constant true
          %not3A_297 = arith.xori %eq3A_184, %not3A_296 : i1
          %and3A_298 = arith.andi %or3A_295, %not3A_297 : i1
          %convert_element_type3A_299 = arith.extui %and3A_298 : i1 to i32
          %cond3A_300 = arith.constant 0 : i32
          %cond3A_301 = arith.cmpi ne, %convert_element_type3A_299, %cond3A_300 : i32
          scf.if %cond3A_301 {
          } else {
          }
          %and3A_302 = arith.constant false
          %and3A_303 = arith.andi %and3A_298, %and3A_302 : i1
          %ne3A_304 = arith.cmpi ne, %add3A_188, %add3A_198 : i32
          %or3A_305 = arith.constant false
          %or3A_306 = arith.ori %or3A_305, %ne3A_304 : i1
          %not3A_307 = arith.constant true
          %not3A_308 = arith.xori %eq3A_184, %not3A_307 : i1
          %and3A_309 = arith.andi %or3A_306, %not3A_308 : i1
          %convert_element_type3A_310 = arith.extui %and3A_309 : i1 to i32
          %cond3A_311 = arith.constant 0 : i32
          %cond3A_312 = arith.cmpi ne, %convert_element_type3A_310, %cond3A_311 : i32
          scf.if %cond3A_312 {
          } else {
          }
          %and3A_313 = arith.constant false
          %and3A_314 = arith.andi %and3A_309, %and3A_313 : i1
          %ne3A_315 = arith.cmpi ne, %add3A_188, %add3A_206 : i32
          %or3A_316 = arith.constant false
          %or3A_317 = arith.ori %or3A_316, %ne3A_315 : i1
          %or3A_318 = arith.constant false
          %or3A_319 = arith.ori %or3A_317, %or3A_318 : i1
          %or3A_320 = arith.ori %or3A_319, %eq3A_187 : i1
          %add3A_321 = arith.constant 1 : i32
          %add3A_322 = arith.addi %while3A_177, %add3A_321 : i32
          %select_n3A_323 = arith.select %or3A_320, %add3A_322, %while3A_177 : i32
          %ne3A_324 = arith.cmpi ne, %add3A_188, %add3A_206 : i32
          %or3A_325 = arith.constant false
          %or3A_326 = arith.ori %or3A_325, %ne3A_324 : i1
          %or3A_327 = arith.ori %or3A_326, %eq3A_187 : i1
          %add3A_328 = arith.constant 1 : i32
          %add3A_329 = arith.addi %while3A_179, %add3A_328 : i32
          %select_n3A_330 = arith.select %or3A_327, %add3A_329, %while3A_179 : i32
          %add3A_331 = arith.constant 1 : i32
          %add3A_332 = arith.addi %while3A_180, %add3A_331 : i32
          %select_n3A_333 = arith.constant true
          %select_n3A_334 = arith.select %select_n3A_333, %add3A_332, %while3A_180 : i32
          %eq3A_335 = arith.cmpi eq, %select_n3A_334, %select_n3A : i32
          %select_n3A_336 = arith.constant 0 : i32
          %select_n3A_337 = arith.select %eq3A_335, %select_n3A_336, %select_n3A_334 : i32
          scf.yield %select_n3A_230, %select_n3A_323, %select_n3A_249, %select_n3A_330, %select_n3A_337 : i32, i32, i32, i32, i32
        }
        %while3A_122 = arith.constant 1 : i32
        %while3A_123:5 = scf.for %while3A_175 = %while3A_119 to %while3A_115 step %while3A_122 iter_args(%while3A_176 = %while3A_121#0, %while3A_177 = %while3A_121#1, %while3A_178 = %while3A_121#2, %while3A_179 = %while3A_121#3, %while3A_180 = %while3A_121#4) -> (i32, i32, i32, i32, i32)  : i32 {
          %mul3A_181 = arith.constant 1 : i32
          %mul3A_182 = arith.muli %mul3A_181, %select_n3A : i32
          %eq3A_183 = arith.constant 0 : i32
          %eq3A_184 = arith.cmpi eq, %while3A_175, %eq3A_183 : i32
          %sub3A_185 = arith.constant 1 : i32
          %sub3A_186 = arith.subi %mul3A_182, %sub3A_185 : i32
          %eq3A_187 = arith.cmpi eq, %while3A_175, %sub3A_186 : i32
          %add3A_188 = arith.addi %while3A_180, %select_n3A_18 : i32
          %sub3A_189 = arith.constant 1 : i32
          %sub3A_190 = arith.subi %while3A_180, %sub3A_189 : i32
          %select_n3A_191 = arith.constant true
          %select_n3A_192 = arith.select %select_n3A_191, %sub3A_190, %while3A_180 : i32
          %eq3A_193 = arith.constant -1 : i32
          %eq3A_194 = arith.cmpi eq, %select_n3A_192, %eq3A_193 : i32
          %sub3A_195 = arith.constant 1 : i32
          %sub3A_196 = arith.subi %select_n3A, %sub3A_195 : i32
          %select_n3A_197 = arith.select %eq3A_194, %sub3A_196, %select_n3A_192 : i32
          %add3A_198 = arith.addi %select_n3A_197, %select_n3A_18 : i32
          %add3A_199 = arith.constant 1 : i32
          %add3A_200 = arith.addi %while3A_180, %add3A_199 : i32
          %select_n3A_201 = arith.constant true
          %select_n3A_202 = arith.select %select_n3A_201, %add3A_200, %while3A_180 : i32
          %eq3A_203 = arith.cmpi eq, %select_n3A_202, %select_n3A : i32
          %select_n3A_204 = arith.constant 0 : i32
          %select_n3A_205 = arith.select %eq3A_203, %select_n3A_204, %select_n3A_202 : i32
          %add3A_206 = arith.addi %select_n3A_205, %select_n3A_18 : i32
          %add3A_207 = arith.constant 1 : i32
          %add3A_208 = arith.addi %select_n3A_205, %add3A_207 : i32
          %select_n3A_209 = arith.constant true
          %select_n3A_210 = arith.select %select_n3A_209, %add3A_208, %select_n3A_205 : i32
          %eq3A_211 = arith.cmpi eq, %select_n3A_210, %select_n3A : i32
          %select_n3A_212 = arith.constant 0 : i32
          %select_n3A_213 = arith.select %eq3A_211, %select_n3A_212, %select_n3A_210 : i32
          %add3A_214 = arith.addi %select_n3A_213, %select_n3A_18 : i32
          %ne3A = arith.cmpi ne, %add3A_188, %add3A_206 : i32
          %or3A = arith.constant false
          %or3A_215 = arith.ori %or3A, %ne3A : i1
          %or3A_216 = arith.constant false
          %or3A_217 = arith.ori %or3A_215, %or3A_216 : i1
          %sub3A_218 = arith.constant 2 : i32
          %sub3A_219 = arith.subi %mul3A_182, %sub3A_218 : i32
          %add3A_220 = arith.constant 1 : i32
          %add3A_221 = arith.addi %sub3A_219, %add3A_220 : i32
          %ge3A = arith.cmpi sge, %while3A_175, %add3A_221 : i32
          %not3A = arith.constant true
          %not3A_222 = arith.xori %ge3A, %not3A : i1
          %and3A = arith.andi %or3A_217, %not3A_222 : i1
          %convert_element_type3A_223 = arith.extui %and3A : i1 to i32
          %cond3A_224 = arith.constant 0 : i32
          %cond3A_225 = arith.cmpi ne, %convert_element_type3A_223, %cond3A_224 : i32
          scf.if %cond3A_225 {
            "tpu.trace_start"() <{level = 10 : i32, message = "ep_copy_in"}> : () -> ()
            %rem3A_338 = arith.constant 2 : i32
            %rem3A_339 = arith.remui %while3A_176, %rem3A_338 : i32
            %mul3A_340 = arith.constant 128 : i32
            %mul3A_341 = arith.muli %mul3A_340, %add3A_206 : i32
            %dma_start3A_342 = arith.constant 0 : i32
            %dma_start3A_343 = arith.constant 0 : i32
            %dma_start3A_344 = tpu.memref_slice %run_scoped3A[%rem3A_339, %dma_start3A_342, %dma_start3A_343] : memref<2x128x128xf32, #tpu.memory_space<vmem>> -> memref<1x128x128xf32, #tpu.memory_space<vmem>>
            %dma_start3A_345 = tpu.memref_squeeze %dma_start3A_344 : memref<1x128x128xf32, #tpu.memory_space<vmem>> -> memref<128x128xf32, #tpu.memory_space<vmem>>
            %dma_start3A_346 = arith.constant 0 : i32
            %dma_start3A_347 = tpu.memref_slice %arg2[%mul3A_341, %dma_start3A_346] : memref<160000x128xf32, #tpu.memory_space<hbm>> -> memref<128x128xf32, #tpu.memory_space<hbm>>
            %dma_start3A_348 = tpu.memref_slice %run_scoped3A_26[%rem3A_339] : memref<2x!tpu.dma_semaphore, #tpu.memory_space<semaphore_mem>> -> memref<1x!tpu.dma_semaphore, #tpu.memory_space<semaphore_mem>>
            %dma_start3A_349 = tpu.memref_squeeze %dma_start3A_348 : memref<1x!tpu.dma_semaphore, #tpu.memory_space<semaphore_mem>> -> memref<!tpu.dma_semaphore, #tpu.memory_space<semaphore_mem>>
            %dma_start3A_350 = arith.constant 0 : i32
            %dma_start3A_351 = arith.constant 0 : i32
            %dma_start3A_352 = tpu.memref_slice %run_scoped3A[%rem3A_339, %dma_start3A_350, %dma_start3A_351] : memref<2x128x128xf32, #tpu.memory_space<vmem>> -> memref<1x128x128xf32, #tpu.memory_space<vmem>>
            %dma_start3A_353 = tpu.memref_squeeze %dma_start3A_352 : memref<1x128x128xf32, #tpu.memory_space<vmem>> -> memref<128x128xf32, #tpu.memory_space<vmem>>
            %dma_start3A_354 = arith.constant 0 : i32
            %dma_start3A_355 = tpu.memref_slice %arg2[%mul3A_341, %dma_start3A_354] : memref<160000x128xf32, #tpu.memory_space<hbm>> -> memref<128x128xf32, #tpu.memory_space<hbm>>
            tpu.enqueue_dma source(%dma_start3A_355 : memref<128x128xf32, #tpu.memory_space<hbm>>) target(%dma_start3A_353 : memref<128x128xf32, #tpu.memory_space<vmem>>) target_semaphore(%dma_start3A_349 : memref<!tpu.dma_semaphore, #tpu.memory_space<semaphore_mem>>)
            "tpu.trace_stop"() : () -> ()
          } else {
          }
          %and3A_226 = arith.constant true
          %and3A_227 = arith.andi %and3A, %and3A_226 : i1
          %add3A_228 = arith.constant 1 : i32
          %add3A_229 = arith.addi %while3A_176, %add3A_228 : i32
          %select_n3A_230 = arith.select %and3A_227, %add3A_229, %while3A_176 : i32
          %ne3A_231 = arith.cmpi ne, %add3A_188, %add3A_206 : i32
          %or3A_232 = arith.constant false
          %or3A_233 = arith.ori %or3A_232, %ne3A_231 : i1
          %sub3A_234 = arith.constant 2 : i32
          %sub3A_235 = arith.subi %mul3A_182, %sub3A_234 : i32
          %add3A_236 = arith.constant 1 : i32
          %add3A_237 = arith.addi %sub3A_235, %add3A_236 : i32
          %ge3A_238 = arith.cmpi sge, %while3A_175, %add3A_237 : i32
          %not3A_239 = arith.constant true
          %not3A_240 = arith.xori %ge3A_238, %not3A_239 : i1
          %and3A_241 = arith.andi %or3A_233, %not3A_240 : i1
          %convert_element_type3A_242 = arith.extui %and3A_241 : i1 to i32
          %cond3A_243 = arith.constant 0 : i32
          %cond3A_244 = arith.cmpi ne, %convert_element_type3A_242, %cond3A_243 : i32
          scf.if %cond3A_244 {
            "tpu.trace_start"() <{level = 10 : i32, message = "ep_copy_in"}> : () -> ()
            %rem3A_338 = arith.constant 2 : i32
            %rem3A_339 = arith.remui %while3A_178, %rem3A_338 : i32
            %mul3A_340 = arith.constant 128 : i32
            %mul3A_341 = arith.muli %mul3A_340, %add3A_206 : i32
            %dma_start3A_342 = arith.constant 0 : i32
            %dma_start3A_343 = arith.constant 0 : i32
            %dma_start3A_344 = tpu.memref_slice %run_scoped3A_27[%rem3A_339, %dma_start3A_342, %dma_start3A_343] : memref<2x1x128xi32, #tpu.memory_space<vmem>> -> memref<1x1x128xi32, #tpu.memory_space<vmem>>
            %dma_start3A_345 = tpu.memref_squeeze %dma_start3A_344 : memref<1x1x128xi32, #tpu.memory_space<vmem>> -> memref<1x128xi32, #tpu.memory_space<vmem>>
            %dma_start3A_346 = arith.constant 0 : i32
            %dma_start3A_347 = tpu.memref_slice %arg3[%dma_start3A_346, %mul3A_341] : memref<1x160000xi32, #tpu.memory_space<hbm>> -> memref<1x128xi32, #tpu.memory_space<hbm>>
            %dma_start3A_348 = tpu.memref_slice %run_scoped3A_28[%rem3A_339] : memref<2x!tpu.dma_semaphore, #tpu.memory_space<semaphore_mem>> -> memref<1x!tpu.dma_semaphore, #tpu.memory_space<semaphore_mem>>
            %dma_start3A_349 = tpu.memref_squeeze %dma_start3A_348 : memref<1x!tpu.dma_semaphore, #tpu.memory_space<semaphore_mem>> -> memref<!tpu.dma_semaphore, #tpu.memory_space<semaphore_mem>>
            %dma_start3A_350 = arith.constant 0 : i32
            %dma_start3A_351 = arith.constant 0 : i32
            %dma_start3A_352 = tpu.memref_slice %run_scoped3A_27[%rem3A_339, %dma_start3A_350, %dma_start3A_351] : memref<2x1x128xi32, #tpu.memory_space<vmem>> -> memref<1x1x128xi32, #tpu.memory_space<vmem>>
            %dma_start3A_353 = tpu.memref_squeeze %dma_start3A_352 : memref<1x1x128xi32, #tpu.memory_space<vmem>> -> memref<1x128xi32, #tpu.memory_space<vmem>>
            %dma_start3A_354 = arith.constant 0 : i32
            %dma_start3A_355 = tpu.memref_slice %arg3[%dma_start3A_354, %mul3A_341] : memref<1x160000xi32, #tpu.memory_space<hbm>> -> memref<1x128xi32, #tpu.memory_space<hbm>>
            tpu.enqueue_dma source(%dma_start3A_355 : memref<1x128xi32, #tpu.memory_space<hbm>>) target(%dma_start3A_353 : memref<1x128xi32, #tpu.memory_space<vmem>>) target_semaphore(%dma_start3A_349 : memref<!tpu.dma_semaphore, #tpu.memory_space<semaphore_mem>>)
            "tpu.trace_stop"() : () -> ()
          } else {
          }
          %and3A_245 = arith.constant true
          %and3A_246 = arith.andi %and3A_241, %and3A_245 : i1
          %add3A_247 = arith.constant 1 : i32
          %add3A_248 = arith.addi %while3A_178, %add3A_247 : i32
          %select_n3A_249 = arith.select %and3A_246, %add3A_248, %while3A_178 : i32
          %ne3A_250 = arith.cmpi ne, %add3A_188, %add3A_198 : i32
          %or3A_251 = arith.constant false
          %or3A_252 = arith.ori %or3A_251, %ne3A_250 : i1
          %or3A_253 = arith.constant false
          %or3A_254 = arith.ori %or3A_252, %or3A_253 : i1
          %or3A_255 = arith.ori %or3A_254, %eq3A_184 : i1
          %convert_element_type3A_256 = arith.extui %or3A_255 : i1 to i32
          %cond3A_257 = arith.constant 0 : i32
          %cond3A_258 = arith.cmpi ne, %convert_element_type3A_256, %cond3A_257 : i32
          scf.if %cond3A_258 {
            "tpu.trace_start"() <{level = 10 : i32, message = "ep_wait_in"}> : () -> ()
            %mul3A_338 = arith.constant 128 : i32
            %mul3A_339 = arith.muli %mul3A_338, %add3A_188 : i32
            %rem3A_340 = arith.constant 2 : i32
            %rem3A_341 = arith.remui %while3A_177, %rem3A_340 : i32
            %dma_wait3A = arith.constant 0 : i32
            %dma_wait3A_342 = arith.constant 0 : i32
            %dma_wait3A_343 = tpu.memref_slice %run_scoped3A[%rem3A_341, %dma_wait3A, %dma_wait3A_342] : memref<2x128x128xf32, #tpu.memory_space<vmem>> -> memref<1x128x128xf32, #tpu.memory_space<vmem>>
            %dma_wait3A_344 = tpu.memref_squeeze %dma_wait3A_343 : memref<1x128x128xf32, #tpu.memory_space<vmem>> -> memref<128x128xf32, #tpu.memory_space<vmem>>
            %dma_wait3A_345 = arith.constant 0 : i32
            %dma_wait3A_346 = tpu.memref_slice %arg2[%mul3A_339, %dma_wait3A_345] : memref<160000x128xf32, #tpu.memory_space<hbm>> -> memref<128x128xf32, #tpu.memory_space<hbm>>
            %dma_wait3A_347 = tpu.memref_slice %run_scoped3A_26[%rem3A_341] : memref<2x!tpu.dma_semaphore, #tpu.memory_space<semaphore_mem>> -> memref<1x!tpu.dma_semaphore, #tpu.memory_space<semaphore_mem>>
            %dma_wait3A_348 = tpu.memref_squeeze %dma_wait3A_347 : memref<1x!tpu.dma_semaphore, #tpu.memory_space<semaphore_mem>> -> memref<!tpu.dma_semaphore, #tpu.memory_space<semaphore_mem>>
            %dma_wait3A_349 = arith.constant 0 : i32
            %dma_wait3A_350 = arith.constant 0 : i32
            %dma_wait3A_351 = tpu.memref_slice %run_scoped3A[%rem3A_341, %dma_wait3A_349, %dma_wait3A_350] : memref<2x128x128xf32, #tpu.memory_space<vmem>> -> memref<1x128x128xf32, #tpu.memory_space<vmem>>
            %dma_wait3A_352 = tpu.memref_squeeze %dma_wait3A_351 : memref<1x128x128xf32, #tpu.memory_space<vmem>> -> memref<128x128xf32, #tpu.memory_space<vmem>>
            %dma_wait3A_353 = arith.constant 0 : i32
            %dma_wait3A_354 = tpu.memref_slice %arg2[%mul3A_339, %dma_wait3A_353] : memref<160000x128xf32, #tpu.memory_space<hbm>> -> memref<128x128xf32, #tpu.memory_space<hbm>>
            tpu.wait_dma2 semaphore(%dma_wait3A_348 : memref<!tpu.dma_semaphore, #tpu.memory_space<semaphore_mem>>) src(%dma_wait3A_354 : memref<128x128xf32, #tpu.memory_space<hbm>>) dst(%dma_wait3A_352 : memref<128x128xf32, #tpu.memory_space<vmem>>)
            "tpu.trace_stop"() : () -> ()
          } else {
          }
          %ne3A_259 = arith.cmpi ne, %add3A_188, %add3A_198 : i32
          %or3A_260 = arith.constant false
          %or3A_261 = arith.ori %or3A_260, %ne3A_259 : i1
          %or3A_262 = arith.ori %or3A_261, %eq3A_184 : i1
          %convert_element_type3A_263 = arith.extui %or3A_262 : i1 to i32
          %cond3A_264 = arith.constant 0 : i32
          %cond3A_265 = arith.cmpi ne, %convert_element_type3A_263, %cond3A_264 : i32
          scf.if %cond3A_265 {
            "tpu.trace_start"() <{level = 10 : i32, message = "ep_wait_in"}> : () -> ()
            %mul3A_338 = arith.constant 128 : i32
            %mul3A_339 = arith.muli %mul3A_338, %add3A_188 : i32
            %rem3A_340 = arith.constant 2 : i32
            %rem3A_341 = arith.remui %while3A_179, %rem3A_340 : i32
            %dma_wait3A = arith.constant 0 : i32
            %dma_wait3A_342 = arith.constant 0 : i32
            %dma_wait3A_343 = tpu.memref_slice %run_scoped3A_27[%rem3A_341, %dma_wait3A, %dma_wait3A_342] : memref<2x1x128xi32, #tpu.memory_space<vmem>> -> memref<1x1x128xi32, #tpu.memory_space<vmem>>
            %dma_wait3A_344 = tpu.memref_squeeze %dma_wait3A_343 : memref<1x1x128xi32, #tpu.memory_space<vmem>> -> memref<1x128xi32, #tpu.memory_space<vmem>>
            %dma_wait3A_345 = arith.constant 0 : i32
            %dma_wait3A_346 = tpu.memref_slice %arg3[%dma_wait3A_345, %mul3A_339] : memref<1x160000xi32, #tpu.memory_space<hbm>> -> memref<1x128xi32, #tpu.memory_space<hbm>>
            %dma_wait3A_347 = tpu.memref_slice %run_scoped3A_28[%rem3A_341] : memref<2x!tpu.dma_semaphore, #tpu.memory_space<semaphore_mem>> -> memref<1x!tpu.dma_semaphore, #tpu.memory_space<semaphore_mem>>
            %dma_wait3A_348 = tpu.memref_squeeze %dma_wait3A_347 : memref<1x!tpu.dma_semaphore, #tpu.memory_space<semaphore_mem>> -> memref<!tpu.dma_semaphore, #tpu.memory_space<semaphore_mem>>
            %dma_wait3A_349 = arith.constant 0 : i32
            %dma_wait3A_350 = arith.constant 0 : i32
            %dma_wait3A_351 = tpu.memref_slice %run_scoped3A_27[%rem3A_341, %dma_wait3A_349, %dma_wait3A_350] : memref<2x1x128xi32, #tpu.memory_space<vmem>> -> memref<1x1x128xi32, #tpu.memory_space<vmem>>
            %dma_wait3A_352 = tpu.memref_squeeze %dma_wait3A_351 : memref<1x1x128xi32, #tpu.memory_space<vmem>> -> memref<1x128xi32, #tpu.memory_space<vmem>>
            %dma_wait3A_353 = arith.constant 0 : i32
            %dma_wait3A_354 = tpu.memref_slice %arg3[%dma_wait3A_353, %mul3A_339] : memref<1x160000xi32, #tpu.memory_space<hbm>> -> memref<1x128xi32, #tpu.memory_space<hbm>>
            tpu.wait_dma2 semaphore(%dma_wait3A_348 : memref<!tpu.dma_semaphore, #tpu.memory_space<semaphore_mem>>) src(%dma_wait3A_354 : memref<1x128xi32, #tpu.memory_space<hbm>>) dst(%dma_wait3A_352 : memref<1x128xi32, #tpu.memory_space<vmem>>)
            "tpu.trace_stop"() : () -> ()
          } else {
          }
          %rem3A_266 = arith.constant 2 : i32
          %rem3A_267 = arith.remui %while3A_177, %rem3A_266 : i32
          %rem3A_268 = arith.constant 2 : i32
          %rem3A_269 = arith.remui %while3A_179, %rem3A_268 : i32
          %run_scoped3A_270 = arith.constant 0 : i32
          "tpu.trace_start"() <{level = 10 : i32, message = "ep_run_kernel"}> : () -> ()
          "tpu.region"() ({
            %run_scoped3A_338 = tpu.sem_alloc : memref<!tpu.dma_semaphore, #tpu.memory_space<semaphore_mem>>
            %dma_start3A_339 = arith.constant 0 : i32
            %dma_start3A_340 = arith.constant 0 : i32
            %dma_start3A_341 = tpu.memref_slice %run_scoped3A[%rem3A_267, %dma_start3A_339, %dma_start3A_340] : memref<2x128x128xf32, #tpu.memory_space<vmem>> -> memref<1x128x128xf32, #tpu.memory_space<vmem>>
            %dma_start3A_342 = tpu.memref_squeeze %dma_start3A_341 : memref<1x128x128xf32, #tpu.memory_space<vmem>> -> memref<128x128xf32, #tpu.memory_space<vmem>>
            %dma_start3A_343 = arith.constant 0 : i32
            %dma_start3A_344 = arith.constant 0 : i32
            %dma_start3A_345 = tpu.memref_slice %run_scoped3A_27[%rem3A_269, %dma_start3A_343, %dma_start3A_344] : memref<2x1x128xi32, #tpu.memory_space<vmem>> -> memref<1x1x128xi32, #tpu.memory_space<vmem>>
            %dma_start3A_346 = tpu.memref_squeeze %dma_start3A_345 : memref<1x1x128xi32, #tpu.memory_space<vmem>> -> memref<1x128xi32, #tpu.memory_space<vmem>>
            %dma_start3A_347 = arith.constant 0 : i32
            %dma_start3A_348 = tpu.memref_slice %dma_start3A_346[%run_scoped3A_270, %dma_start3A_347] : memref<1x128xi32, #tpu.memory_space<vmem>> -> memref<1x128xi32, #tpu.memory_space<vmem>>
            %dma_start3A_349 = tpu.memref_squeeze %dma_start3A_348 : memref<1x128xi32, #tpu.memory_space<vmem>> -> memref<128xi32, #tpu.memory_space<vmem>>
            %dma_start3A_350 = arith.constant 0 : i32
            %dma_start3A_351 = arith.constant 0 : i32
            %dma_start3A_352 = tpu.memref_slice %arg6[%dma_start3A_350, %dma_start3A_351] : memref<10240x128xf32, #tpu.memory_space<vmem_shared>> -> memref<10240x128xf32, #tpu.memory_space<vmem_shared>>
            tpu.enqueue_indirect_dma source(%dma_start3A_342 : memref<128x128xf32, #tpu.memory_space<vmem>>) target(%dma_start3A_352 : memref<10240x128xf32, #tpu.memory_space<vmem_shared>>) offsets(%dma_start3A_349 : memref<128xi32, #tpu.memory_space<vmem>>) semaphore(%run_scoped3A_338 : memref<!tpu.dma_semaphore, #tpu.memory_space<semaphore_mem>>) {add = true}
            %dma_wait3A = arith.constant 0 : i32
            %dma_wait3A_353 = arith.constant 0 : i32
            %dma_wait3A_354 = tpu.memref_slice %run_scoped3A[%rem3A_267, %dma_wait3A, %dma_wait3A_353] : memref<2x128x128xf32, #tpu.memory_space<vmem>> -> memref<1x128x128xf32, #tpu.memory_space<vmem>>
            %dma_wait3A_355 = tpu.memref_squeeze %dma_wait3A_354 : memref<1x128x128xf32, #tpu.memory_space<vmem>> -> memref<128x128xf32, #tpu.memory_space<vmem>>
            %dma_wait3A_356 = arith.constant 0 : i32
            %dma_wait3A_357 = arith.constant 0 : i32
            %dma_wait3A_358 = tpu.memref_slice %run_scoped3A_27[%rem3A_269, %dma_wait3A_356, %dma_wait3A_357] : memref<2x1x128xi32, #tpu.memory_space<vmem>> -> memref<1x1x128xi32, #tpu.memory_space<vmem>>
            %dma_wait3A_359 = tpu.memref_squeeze %dma_wait3A_358 : memref<1x1x128xi32, #tpu.memory_space<vmem>> -> memref<1x128xi32, #tpu.memory_space<vmem>>
            %dma_wait3A_360 = arith.constant 0 : i32
            %dma_wait3A_361 = tpu.memref_slice %dma_wait3A_359[%run_scoped3A_270, %dma_wait3A_360] : memref<1x128xi32, #tpu.memory_space<vmem>> -> memref<1x128xi32, #tpu.memory_space<vmem>>
            %dma_wait3A_362 = tpu.memref_squeeze %dma_wait3A_361 : memref<1x128xi32, #tpu.memory_space<vmem>> -> memref<128xi32, #tpu.memory_space<vmem>>
            %dma_wait3A_363 = arith.constant 0 : i32
            %dma_wait3A_364 = arith.constant 0 : i32
            %dma_wait3A_365 = tpu.memref_slice %arg6[%dma_wait3A_363, %dma_wait3A_364] : memref<10240x128xf32, #tpu.memory_space<vmem_shared>> -> memref<10240x128xf32, #tpu.memory_space<vmem_shared>>
            tpu.wait_indirect_dma semaphore(%run_scoped3A_338 : memref<!tpu.dma_semaphore, #tpu.memory_space<semaphore_mem>>) src(%dma_wait3A_355 : memref<128x128xf32, #tpu.memory_space<vmem>>) dst(%dma_wait3A_365 : memref<10240x128xf32, #tpu.memory_space<vmem_shared>>)
            tpu.yield
          }) : () -> ()
          "tpu.trace_stop"() : () -> ()
          %ne3A_271 = arith.cmpi ne, %add3A_188, %add3A_206 : i32
          %or3A_272 = arith.constant false
          %or3A_273 = arith.ori %or3A_272, %ne3A_271 : i1
          %or3A_274 = arith.constant false
          %or3A_275 = arith.ori %or3A_273, %or3A_274 : i1
          %or3A_276 = arith.ori %or3A_275, %eq3A_187 : i1
          %convert_element_type3A_277 = arith.extui %or3A_276 : i1 to i32
          %cond3A_278 = arith.constant 0 : i32
          %cond3A_279 = arith.cmpi ne, %convert_element_type3A_277, %cond3A_278 : i32
          scf.if %cond3A_279 {
          } else {
          }
          %and3A_280 = arith.constant false
          %and3A_281 = arith.andi %or3A_276, %and3A_280 : i1
          %ne3A_282 = arith.cmpi ne, %add3A_188, %add3A_206 : i32
          %or3A_283 = arith.constant false
          %or3A_284 = arith.ori %or3A_283, %ne3A_282 : i1
          %or3A_285 = arith.ori %or3A_284, %eq3A_187 : i1
          %convert_element_type3A_286 = arith.extui %or3A_285 : i1 to i32
          %cond3A_287 = arith.constant 0 : i32
          %cond3A_288 = arith.cmpi ne, %convert_element_type3A_286, %cond3A_287 : i32
          scf.if %cond3A_288 {
          } else {
          }
          %and3A_289 = arith.constant false
          %and3A_290 = arith.andi %or3A_285, %and3A_289 : i1
          %ne3A_291 = arith.cmpi ne, %add3A_188, %add3A_198 : i32
          %or3A_292 = arith.constant false
          %or3A_293 = arith.ori %or3A_292, %ne3A_291 : i1
          %or3A_294 = arith.constant false
          %or3A_295 = arith.ori %or3A_293, %or3A_294 : i1
          %not3A_296 = arith.constant true
          %not3A_297 = arith.xori %eq3A_184, %not3A_296 : i1
          %and3A_298 = arith.andi %or3A_295, %not3A_297 : i1
          %convert_element_type3A_299 = arith.extui %and3A_298 : i1 to i32
          %cond3A_300 = arith.constant 0 : i32
          %cond3A_301 = arith.cmpi ne, %convert_element_type3A_299, %cond3A_300 : i32
          scf.if %cond3A_301 {
          } else {
          }
          %and3A_302 = arith.constant false
          %and3A_303 = arith.andi %and3A_298, %and3A_302 : i1
          %ne3A_304 = arith.cmpi ne, %add3A_188, %add3A_198 : i32
          %or3A_305 = arith.constant false
          %or3A_306 = arith.ori %or3A_305, %ne3A_304 : i1
          %not3A_307 = arith.constant true
          %not3A_308 = arith.xori %eq3A_184, %not3A_307 : i1
          %and3A_309 = arith.andi %or3A_306, %not3A_308 : i1
          %convert_element_type3A_310 = arith.extui %and3A_309 : i1 to i32
          %cond3A_311 = arith.constant 0 : i32
          %cond3A_312 = arith.cmpi ne, %convert_element_type3A_310, %cond3A_311 : i32
          scf.if %cond3A_312 {
          } else {
          }
          %and3A_313 = arith.constant false
          %and3A_314 = arith.andi %and3A_309, %and3A_313 : i1
          %ne3A_315 = arith.cmpi ne, %add3A_188, %add3A_206 : i32
          %or3A_316 = arith.constant false
          %or3A_317 = arith.ori %or3A_316, %ne3A_315 : i1
          %or3A_318 = arith.constant false
          %or3A_319 = arith.ori %or3A_317, %or3A_318 : i1
          %or3A_320 = arith.ori %or3A_319, %eq3A_187 : i1
          %add3A_321 = arith.constant 1 : i32
          %add3A_322 = arith.addi %while3A_177, %add3A_321 : i32
          %select_n3A_323 = arith.select %or3A_320, %add3A_322, %while3A_177 : i32
          %ne3A_324 = arith.cmpi ne, %add3A_188, %add3A_206 : i32
          %or3A_325 = arith.constant false
          %or3A_326 = arith.ori %or3A_325, %ne3A_324 : i1
          %or3A_327 = arith.ori %or3A_326, %eq3A_187 : i1
          %add3A_328 = arith.constant 1 : i32
          %add3A_329 = arith.addi %while3A_179, %add3A_328 : i32
          %select_n3A_330 = arith.select %or3A_327, %add3A_329, %while3A_179 : i32
          %add3A_331 = arith.constant 1 : i32
          %add3A_332 = arith.addi %while3A_180, %add3A_331 : i32
          %select_n3A_333 = arith.constant true
          %select_n3A_334 = arith.select %select_n3A_333, %add3A_332, %while3A_180 : i32
          %eq3A_335 = arith.cmpi eq, %select_n3A_334, %select_n3A : i32
          %select_n3A_336 = arith.constant 0 : i32
          %select_n3A_337 = arith.select %eq3A_335, %select_n3A_336, %select_n3A_334 : i32
          scf.yield %select_n3A_230, %select_n3A_323, %select_n3A_249, %select_n3A_330, %select_n3A_337 : i32, i32, i32, i32, i32
        }
        %sub3A_124 = arith.constant 1 : i32
        %sub3A_125 = arith.subi %while3A_123#4, %sub3A_124 : i32
        %select_n3A_126 = arith.constant true
        %select_n3A_127 = arith.select %select_n3A_126, %sub3A_125, %while3A_123#4 : i32
        %eq3A_128 = arith.constant -1 : i32
        %eq3A_129 = arith.cmpi eq, %select_n3A_127, %eq3A_128 : i32
        %sub3A_130 = arith.constant 1 : i32
        %sub3A_131 = arith.subi %select_n3A, %sub3A_130 : i32
        %select_n3A_132 = arith.select %eq3A_129, %sub3A_131, %select_n3A_127 : i32
        %sub3A_133 = arith.constant 1 : i32
        %sub3A_134 = arith.subi %mul3A_20, %sub3A_133 : i32
        %mul3A_135 = arith.constant 1 : i32
        %mul3A_136 = arith.muli %mul3A_135, %select_n3A : i32
        %eq3A_137 = arith.constant 0 : i32
        %eq3A_138 = arith.cmpi eq, %sub3A_134, %eq3A_137 : i32
        %sub3A_139 = arith.constant 1 : i32
        %sub3A_140 = arith.subi %mul3A_136, %sub3A_139 : i32
        %eq3A_141 = arith.cmpi eq, %sub3A_134, %sub3A_140 : i32
        %add3A_142 = arith.addi %select_n3A_132, %select_n3A_18 : i32
        %sub3A_143 = arith.constant 1 : i32
        %sub3A_144 = arith.subi %select_n3A_132, %sub3A_143 : i32
        %select_n3A_145 = arith.constant true
        %select_n3A_146 = arith.select %select_n3A_145, %sub3A_144, %select_n3A_132 : i32
        %eq3A_147 = arith.constant -1 : i32
        %eq3A_148 = arith.cmpi eq, %select_n3A_146, %eq3A_147 : i32
        %sub3A_149 = arith.constant 1 : i32
        %sub3A_150 = arith.subi %select_n3A, %sub3A_149 : i32
        %select_n3A_151 = arith.select %eq3A_148, %sub3A_150, %select_n3A_146 : i32
        %add3A_152 = arith.addi %select_n3A_151, %select_n3A_18 : i32
        %add3A_153 = arith.constant 1 : i32
        %add3A_154 = arith.addi %select_n3A_132, %add3A_153 : i32
        %select_n3A_155 = arith.constant true
        %select_n3A_156 = arith.select %select_n3A_155, %add3A_154, %select_n3A_132 : i32
        %eq3A_157 = arith.cmpi eq, %select_n3A_156, %select_n3A : i32
        %select_n3A_158 = arith.constant 0 : i32
        %select_n3A_159 = arith.select %eq3A_157, %select_n3A_158, %select_n3A_156 : i32
        %add3A_160 = arith.addi %select_n3A_159, %select_n3A_18 : i32
        %add3A_161 = arith.constant 1 : i32
        %add3A_162 = arith.addi %select_n3A_159, %add3A_161 : i32
        %select_n3A_163 = arith.constant true
        %select_n3A_164 = arith.select %select_n3A_163, %add3A_162, %select_n3A_159 : i32
        %eq3A_165 = arith.cmpi eq, %select_n3A_164, %select_n3A : i32
        %select_n3A_166 = arith.constant 0 : i32
        %select_n3A_167 = arith.select %eq3A_165, %select_n3A_166, %select_n3A_164 : i32
        %add3A_168 = arith.addi %select_n3A_167, %select_n3A_18 : i32
        %convert_element_type3A_169 = arith.extui %eq3A_141 : i1 to i32
        %cond3A_170 = arith.constant 0 : i32
        %cond3A_171 = arith.cmpi ne, %convert_element_type3A_169, %cond3A_170 : i32
        scf.if %cond3A_171 {
        } else {
        }
        %convert_element_type3A_172 = arith.extui %eq3A_141 : i1 to i32
        %cond3A_173 = arith.constant 0 : i32
        %cond3A_174 = arith.cmpi ne, %convert_element_type3A_172, %cond3A_173 : i32
        scf.if %cond3A_174 {
        } else {
        }
      } else {
      }
      tpu.yield
    }) : () -> ()
    %barrier3A_21 = arith.constant 0 : index
    tpu.barrier barrier_id(%barrier3A_21)
    %mul3A_22 = arith.constant 640 : i32
    %mul3A_23 = arith.muli %arg1, %mul3A_22 : i32
    %mul3A_24 = arith.constant 640 : i32
    %mul3A_25 = arith.muli %arg1, %mul3A_24 : i32
    "tpu.region"() ({
      %run_scoped3A = tpu.sem_alloc : memref<!tpu.dma_semaphore, #tpu.memory_space<semaphore_mem>>
      %dma_start3A = arith.constant 0 : i32
      %dma_start3A_26 = tpu.memref_slice %arg5[%arg0, %mul3A_25, %dma_start3A] : memref<2x10240x128xf32, #tpu.memory_space<hbm>> -> memref<1x640x128xf32, #tpu.memory_space<hbm>>
      %dma_start3A_27 = tpu.memref_squeeze %dma_start3A_26 : memref<1x640x128xf32, #tpu.memory_space<hbm>> -> memref<640x128xf32, #tpu.memory_space<hbm>>
      %dma_start3A_28 = arith.constant 0 : i32
      %dma_start3A_29 = tpu.memref_slice %arg6[%mul3A_23, %dma_start3A_28] : memref<10240x128xf32, #tpu.memory_space<vmem_shared>> -> memref<640x128xf32, #tpu.memory_space<vmem_shared>>
      tpu.enqueue_dma source(%dma_start3A_29 : memref<640x128xf32, #tpu.memory_space<vmem_shared>>) target(%dma_start3A_27 : memref<640x128xf32, #tpu.memory_space<hbm>>) target_semaphore(%run_scoped3A : memref<!tpu.dma_semaphore, #tpu.memory_space<semaphore_mem>>)
      %dma_wait3A = arith.constant 0 : i32
      %dma_wait3A_30 = tpu.memref_slice %arg5[%arg0, %mul3A_25, %dma_wait3A] : memref<2x10240x128xf32, #tpu.memory_space<hbm>> -> memref<1x640x128xf32, #tpu.memory_space<hbm>>
      %dma_wait3A_31 = tpu.memref_squeeze %dma_wait3A_30 : memref<1x640x128xf32, #tpu.memory_space<hbm>> -> memref<640x128xf32, #tpu.memory_space<hbm>>
      %dma_wait3A_32 = arith.constant 0 : i32
      %dma_wait3A_33 = tpu.memref_slice %arg6[%mul3A_23, %dma_wait3A_32] : memref<10240x128xf32, #tpu.memory_space<vmem_shared>> -> memref<640x128xf32, #tpu.memory_space<vmem_shared>>
      tpu.wait_dma2 semaphore(%run_scoped3A : memref<!tpu.dma_semaphore, #tpu.memory_space<semaphore_mem>>) src(%dma_wait3A_33 : memref<640x128xf32, #tpu.memory_space<vmem_shared>>) dst(%dma_wait3A_31 : memref<640x128xf32, #tpu.memory_space<hbm>>)
      tpu.yield
    }) : () -> ()
    return
  }
}

#map = affine_map<(d0, d1) -> (0, 0)>
#map1 = affine_map<(d0, d1) -> (0, 0, 0)>
module attributes {stable_mosaic.version = 14 : i64} {
  func.func @k(%arg0: i32, %arg1: i32, %arg2: memref<160000x128xf32, #tpu.memory_space<hbm>>, %arg3: memref<1x160000xi32, #tpu.memory_space<hbm>>, %arg4: memref<10240x128xf32, #tpu.memory_space<hbm>>, %arg5: memref<2x10240x128xf32, #tpu.memory_space<hbm>>, %arg6: memref<10240x128xf32, #tpu.memory_space<vmem_shared>>) attributes {dimension_semantics = [#tpu.dimension_semantics<core_parallel>, #tpu.dimension_semantics<subcore_parallel>], iteration_bounds = array<i64: 2, 16>, scalar_prefetch = 0 : i64, scratch_operands = 1 : i64, tpu.core_type = #tpu.core_type<sc_vector_subcore>, window_params = [{transform_indices = #map}, {transform_indices = #map}, {transform_indices = #map}, {transform_indices = #map1}]} {
    %mul3A = arith.constant 640 : i32
    %mul3A_0 = arith.muli %arg1, %mul3A : i32
    %mul3A_1 = arith.constant 640 : i32
    %mul3A_2 = arith.muli %arg1, %mul3A_1 : i32
    "tpu.region"() ({
      %run_scoped3A = tpu.sem_alloc : memref<!tpu.dma_semaphore, #tpu.memory_space<semaphore_mem>>
      %dma_start3A = arith.constant 0 : i32
      %dma_start3A_26 = tpu.memref_slice %arg6[%mul3A_2, %dma_start3A] : memref<10240x128xf32, #tpu.memory_space<vmem_shared>> -> memref<640x128xf32, #tpu.memory_space<vmem_shared>>
      %dma_start3A_27 = arith.constant 0 : i32
      %dma_start3A_28 = tpu.memref_slice %arg4[%mul3A_0, %dma_start3A_27] : memref<10240x128xf32, #tpu.memory_space<hbm>> -> memref<640x128xf32, #tpu.memory_space<hbm>>
      tpu.enqueue_dma source(%dma_start3A_28 : memref<640x128xf32, #tpu.memory_space<hbm>>) target(%dma_start3A_26 : memref<640x128xf32, #tpu.memory_space<vmem_shared>>) target_semaphore(%run_scoped3A : memref<!tpu.dma_semaphore, #tpu.memory_space<semaphore_mem>>)
      %dma_wait3A = arith.constant 0 : i32
      %dma_wait3A_29 = tpu.memref_slice %arg6[%mul3A_2, %dma_wait3A] : memref<10240x128xf32, #tpu.memory_space<vmem_shared>> -> memref<640x128xf32, #tpu.memory_space<vmem_shared>>
      %dma_wait3A_30 = arith.constant 0 : i32
      %dma_wait3A_31 = tpu.memref_slice %arg4[%mul3A_0, %dma_wait3A_30] : memref<10240x128xf32, #tpu.memory_space<hbm>> -> memref<640x128xf32, #tpu.memory_space<hbm>>
      tpu.wait_dma2 semaphore(%run_scoped3A : memref<!tpu.dma_semaphore, #tpu.memory_space<semaphore_mem>>) src(%dma_wait3A_31 : memref<640x128xf32, #tpu.memory_space<hbm>>) dst(%dma_wait3A_29 : memref<640x128xf32, #tpu.memory_space<vmem_shared>>)
      tpu.yield
    }) : () -> ()
    %barrier3A = arith.constant 0 : index
    tpu.barrier barrier_id(%barrier3A)
    %mul3A_3 = arith.constant 1 : i32
    %mul3A_4 = arith.muli %arg1, %mul3A_3 : i32
    %add3A = arith.constant 0 : i32
    %add3A_5 = arith.addi %add3A, %mul3A_4 : i32
    %mul3A_6 = arith.constant 16 : i32
    %mul3A_7 = arith.muli %arg0, %mul3A_6 : i32
    %add3A_8 = arith.addi %add3A_5, %mul3A_7 : i32
    %lt3A = arith.constant 2 : i32
    %lt3A_9 = arith.cmpi slt, %add3A_8, %lt3A : i32
    %jit3A = arith.constant 40 : i32
    %jit3A_10 = arith.constant 39 : i32
    %select_n3A = arith.select %lt3A_9, %jit3A, %jit3A_10 : i32
    %lt3A_11 = arith.constant 2 : i32
    %lt3A_12 = arith.cmpi slt, %add3A_8, %lt3A_11 : i32
    %mul3A_13 = arith.muli %add3A_8, %select_n3A : i32
    %mul3A_14 = arith.constant 39 : i32
    %mul3A_15 = arith.muli %add3A_8, %mul3A_14 : i32
    %add3A_16 = arith.constant 2 : i32
    %add3A_17 = arith.addi %mul3A_15, %add3A_16 : i32
    %select_n3A_18 = arith.select %lt3A_12, %mul3A_13, %add3A_17 : i32
    %mul3A_19 = arith.constant 1 : i32
    %mul3A_20 = arith.muli %mul3A_19, %select_n3A : i32
    "tpu.region"() ({
      %run_scoped3A = memref.alloca() : memref<2x128x128xf32, #tpu.memory_space<vmem>>
      %run_scoped3A_26 = tpu.sem_alloc : memref<2x!tpu.dma_semaphore, #tpu.memory_space<semaphore_mem>>
      %run_scoped3A_27 = memref.alloca() : memref<2x1x128xi32, #tpu.memory_space<vmem>>
      %run_scoped3A_28 = tpu.sem_alloc : memref<2x!tpu.dma_semaphore, #tpu.memory_space<semaphore_mem>>
      %gt3A = arith.constant 0 : i32
      %gt3A_29 = arith.cmpi sgt, %mul3A_20, %gt3A : i32
      %convert_element_type3A = arith.extui %gt3A_29 : i1 to i32
      %cond3A = arith.constant 0 : i32
      %cond3A_30 = arith.cmpi ne, %convert_element_type3A, %cond3A : i32
      scf.if %cond3A_30 {
        %mul3A_31 = arith.constant 1 : i32
        %mul3A_32 = arith.muli %mul3A_31, %select_n3A : i32
        %sub3A = arith.constant 1 : i32
        %sub3A_33 = arith.subi %mul3A_32, %sub3A : i32
        %eq3A = arith.constant 0 : i32
        %eq3A_34 = arith.cmpi eq, %sub3A_33, %eq3A : i32
        %add3A_35 = arith.constant 0 : i32
        %add3A_36 = arith.addi %add3A_35, %select_n3A_18 : i32
        %select_n3A_37 = arith.constant true
        %select_n3A_38 = arith.constant 0 : i32
        %select_n3A_39 = arith.constant -1 : i32
        %select_n3A_40 = arith.select %select_n3A_37, %select_n3A_39, %select_n3A_38 : i32
        %eq3A_41 = arith.constant -1 : i32
        %eq3A_42 = arith.cmpi eq, %select_n3A_40, %eq3A_41 : i32
        %sub3A_43 = arith.constant 1 : i32
        %sub3A_44 = arith.subi %select_n3A, %sub3A_43 : i32
        %select_n3A_45 = arith.select %eq3A_42, %sub3A_44, %select_n3A_40 : i32
        %add3A_46 = arith.addi %select_n3A_45, %select_n3A_18 : i32
        %select_n3A_47 = arith.constant true
        %select_n3A_48 = arith.constant 0 : i32
        %select_n3A_49 = arith.constant 1 : i32
        %select_n3A_50 = arith.select %select_n3A_47, %select_n3A_49, %select_n3A_48 : i32
        %eq3A_51 = arith.cmpi eq, %select_n3A_50, %select_n3A : i32
        %select_n3A_52 = arith.constant 0 : i32
        %select_n3A_53 = arith.select %eq3A_51, %select_n3A_52, %select_n3A_50 : i32
        %add3A_54 = arith.addi %select_n3A_53, %select_n3A_18 : i32
        %add3A_55 = arith.constant 1 : i32
        %add3A_56 = arith.addi %select_n3A_53, %add3A_55 : i32
        %select_n3A_57 = arith.constant true
        %select_n3A_58 = arith.select %select_n3A_57, %add3A_56, %select_n3A_53 : i32
        %eq3A_59 = arith.cmpi eq, %select_n3A_58, %select_n3A : i32
        %select_n3A_60 = arith.constant 0 : i32
        %select_n3A_61 = arith.select %eq3A_59, %select_n3A_60, %select_n3A_58 : i32
        %add3A_62 = arith.addi %select_n3A_61, %select_n3A_18 : i32
        "tpu.trace_start"() <{level = 10 : i32, message = "ep_initialize_0"}> : () -> ()
        %rem3A = arith.constant 0 : i32
        %rem3A_63 = arith.constant 2 : i32
        %rem3A_64 = arith.remui %rem3A, %rem3A_63 : i32
        %mul3A_65 = arith.constant 128 : i32
        %mul3A_66 = arith.muli %mul3A_65, %add3A_36 : i32
        %dma_start3A = arith.constant 0 : i32
        %dma_start3A_67 = arith.constant 0 : i32
        %dma_start3A_68 = tpu.memref_slice %run_scoped3A[%rem3A_64, %dma_start3A, %dma_start3A_67] : memref<2x128x128xf32, #tpu.memory_space<vmem>> -> memref<1x128x128xf32, #tpu.memory_space<vmem>>
        %dma_start3A_69 = tpu.memref_squeeze %dma_start3A_68 : memref<1x128x128xf32, #tpu.memory_space<vmem>> -> memref<128x128xf32, #tpu.memory_space<vmem>>
        %dma_start3A_70 = arith.constant 0 : i32
        %dma_start3A_71 = tpu.memref_slice %arg2[%mul3A_66, %dma_start3A_70] : memref<160000x128xf32, #tpu.memory_space<hbm>> -> memref<128x128xf32, #tpu.memory_space<hbm>>
        %dma_start3A_72 = tpu.memref_slice %run_scoped3A_26[%rem3A_64] : memref<2x!tpu.dma_semaphore, #tpu.memory_space<semaphore_mem>> -> memref<1x!tpu.dma_semaphore, #tpu.memory_space<semaphore_mem>>
        %dma_start3A_73 = tpu.memref_squeeze %dma_start3A_72 : memref<1x!tpu.dma_semaphore, #tpu.memory_space<semaphore_mem>> -> memref<!tpu.dma_semaphore, #tpu.memory_space<semaphore_mem>>
        %dma_start3A_74 = arith.constant 0 : i32
        %dma_start3A_75 = arith.constant 0 : i32
        %dma_start3A_76 = tpu.memref_slice %run_scoped3A[%rem3A_64, %dma_start3A_74, %dma_start3A_75] : memref<2x128x128xf32, #tpu.memory_space<vmem>> -> memref<1x128x128xf32, #tpu.memory_space<vmem>>
        %dma_start3A_77 = tpu.memref_squeeze %dma_start3A_76 : memref<1x128x128xf32, #tpu.memory_space<vmem>> -> memref<128x128xf32, #tpu.memory_space<vmem>>
        %dma_start3A_78 = arith.constant 0 : i32
        %dma_start3A_79 = tpu.memref_slice %arg2[%mul3A_66, %dma_start3A_78] : memref<160000x128xf32, #tpu.memory_space<hbm>> -> memref<128x128xf32, #tpu.memory_space<hbm>>
        tpu.enqueue_dma source(%dma_start3A_79 : memref<128x128xf32, #tpu.memory_space<hbm>>) target(%dma_start3A_77 : memref<128x128xf32, #tpu.memory_space<vmem>>) target_semaphore(%dma_start3A_73 : memref<!tpu.dma_semaphore, #tpu.memory_space<semaphore_mem>>)
        %add3A_80 = arith.constant 0 : i32
        %add3A_81 = arith.constant 1 : i32
        %add3A_82 = arith.addi %add3A_80, %add3A_81 : i32
        %select_n3A_83 = arith.constant true
        %select_n3A_84 = arith.constant 0 : i32
        %select_n3A_85 = arith.select %select_n3A_83, %add3A_82, %select_n3A_84 : i32
        %rem3A_86 = arith.constant 0 : i32
        %rem3A_87 = arith.constant 2 : i32
        %rem3A_88 = arith.remui %rem3A_86, %rem3A_87 : i32
        %mul3A_89 = arith.constant 128 : i32
        %mul3A_90 = arith.muli %mul3A_89, %add3A_36 : i32
        %dma_start3A_91 = arith.constant 0 : i32
        %dma_start3A_92 = arith.constant 0 : i32
        %dma_start3A_93 = tpu.memref_slice %run_scoped3A_27[%rem3A_88, %dma_start3A_91, %dma_start3A_92] : memref<2x1x128xi32, #tpu.memory_space<vmem>> -> memref<1x1x128xi32, #tpu.memory_space<vmem>>
        %dma_start3A_94 = tpu.memref_squeeze %dma_start3A_93 : memref<1x1x128xi32, #tpu.memory_space<vmem>> -> memref<1x128xi32, #tpu.memory_space<vmem>>
        %dma_start3A_95 = arith.constant 0 : i32
        %dma_start3A_96 = tpu.memref_slice %arg3[%dma_start3A_95, %mul3A_90] : memref<1x160000xi32, #tpu.memory_space<hbm>> -> memref<1x128xi32, #tpu.memory_space<hbm>>
        %dma_start3A_97 = tpu.memref_slice %run_scoped3A_28[%rem3A_88] : memref<2x!tpu.dma_semaphore, #tpu.memory_space<semaphore_mem>> -> memref<1x!tpu.dma_semaphore, #tpu.memory_space<semaphore_mem>>
        %dma_start3A_98 = tpu.memref_squeeze %dma_start3A_97 : memref<1x!tpu.dma_semaphore, #tpu.memory_space<semaphore_mem>> -> memref<!tpu.dma_semaphore, #tpu.memory_space<semaphore_mem>>
        %dma_start3A_99 = arith.constant 0 : i32
        %dma_start3A_100 = arith.constant 0 : i32
        %dma_start3A_101 = tpu.memref_slice %run_scoped3A_27[%rem3A_88, %dma_start3A_99, %dma_start3A_100] : memref<2x1x128xi32, #tpu.memory_space<vmem>> -> memref<1x1x128xi32, #tpu.memory_space<vmem>>
        %dma_start3A_102 = tpu.memref_squeeze %dma_start3A_101 : memref<1x1x128xi32, #tpu.memory_space<vmem>> -> memref<1x128xi32, #tpu.memory_space<vmem>>
        %dma_start3A_103 = arith.constant 0 : i32
        %dma_start3A_104 = tpu.memref_slice %arg3[%dma_start3A_103, %mul3A_90] : memref<1x160000xi32, #tpu.memory_space<hbm>> -> memref<1x128xi32, #tpu.memory_space<hbm>>
        tpu.enqueue_dma source(%dma_start3A_104 : memref<1x128xi32, #tpu.memory_space<hbm>>) target(%dma_start3A_102 : memref<1x128xi32, #tpu.memory_space<vmem>>) target_semaphore(%dma_start3A_98 : memref<!tpu.dma_semaphore, #tpu.memory_space<semaphore_mem>>)
        %add3A_105 = arith.constant 0 : i32
        %add3A_106 = arith.constant 1 : i32
        %add3A_107 = arith.addi %add3A_105, %add3A_106 : i32
        %select_n3A_108 = arith.constant true
        %select_n3A_109 = arith.constant 0 : i32
        %select_n3A_110 = arith.select %select_n3A_108, %add3A_107, %select_n3A_109 : i32
        %while3A = arith.constant 0 : i32
        %while3A_111 = arith.constant 0 : i32
        %while3A_112 = arith.constant 0 : i32
        %while3A_113 = arith.constant 0 : i32
        "tpu.trace_stop"() : () -> ()
        %while3A_114 = arith.subi %mul3A_20, %while3A : i32
        %while3A_115 = arith.addi %while3A, %while3A_114 : i32
        %while3A_116 = arith.constant 1 : i32
        %while3A_117 = arith.divsi %while3A_114, %while3A_116 : i32
        %while3A_118 = arith.muli %while3A_117, %while3A_116 : i32
        %while3A_119 = arith.addi %while3A, %while3A_118 : i32
        %while3A_120 = arith.constant 1 : i32
        %while3A_121:5 = scf.for %while3A_175 = %while3A to %while3A_119 step %while3A_120 iter_args(%while3A_176 = %select_n3A_85, %while3A_177 = %while3A_111, %while3A_178 = %select_n3A_110, %while3A_179 = %while3A_112, %while3A_180 = %while3A_113) -> (i32, i32, i32, i32, i32)  : i32 {
          %mul3A_181 = arith.constant 1 : i32
          %mul3A_182 = arith.muli %mul3A_181, %select_n3A : i32
          %eq3A_183 = arith.constant 0 : i32
          %eq3A_184 = arith.cmpi eq, %while3A_175, %eq3A_183 : i32
          %sub3A_185 = arith.constant 1 : i32
          %sub3A_186 = arith.subi %mul3A_182, %sub3A_185 : i32
          %eq3A_187 = arith.cmpi eq, %while3A_175, %sub3A_186 : i32
          %add3A_188 = arith.addi %while3A_180, %select_n3A_18 : i32
          %sub3A_189 = arith.constant 1 : i32
          %sub3A_190 = arith.subi %while3A_180, %sub3A_189 : i32
          %select_n3A_191 = arith.constant true
          %select_n3A_192 = arith.select %select_n3A_191, %sub3A_190, %while3A_180 : i32
          %eq3A_193 = arith.constant -1 : i32
          %eq3A_194 = arith.cmpi eq, %select_n3A_192, %eq3A_193 : i32
          %sub3A_195 = arith.constant 1 : i32
          %sub3A_196 = arith.subi %select_n3A, %sub3A_195 : i32
          %select_n3A_197 = arith.select %eq3A_194, %sub3A_196, %select_n3A_192 : i32
          %add3A_198 = arith.addi %select_n3A_197, %select_n3A_18 : i32
          %add3A_199 = arith.constant 1 : i32
          %add3A_200 = arith.addi %while3A_180, %add3A_199 : i32
          %select_n3A_201 = arith.constant true
          %select_n3A_202 = arith.select %select_n3A_201, %add3A_200, %while3A_180 : i32
          %eq3A_203 = arith.cmpi eq, %select_n3A_202, %select_n3A : i32
          %select_n3A_204 = arith.constant 0 : i32
          %select_n3A_205 = arith.select %eq3A_203, %select_n3A_204, %select_n3A_202 : i32
          %add3A_206 = arith.addi %select_n3A_205, %select_n3A_18 : i32
          %add3A_207 = arith.constant 1 : i32
          %add3A_208 = arith.addi %select_n3A_205, %add3A_207 : i32
          %select_n3A_209 = arith.constant true
          %select_n3A_210 = arith.select %select_n3A_209, %add3A_208, %select_n3A_205 : i32
          %eq3A_211 = arith.cmpi eq, %select_n3A_210, %select_n3A : i32
          %select_n3A_212 = arith.constant 0 : i32
          %select_n3A_213 = arith.select %eq3A_211, %select_n3A_212, %select_n3A_210 : i32
          %add3A_214 = arith.addi %select_n3A_213, %select_n3A_18 : i32
          %ne3A = arith.cmpi ne, %add3A_188, %add3A_206 : i32
          %or3A = arith.constant false
          %or3A_215 = arith.ori %or3A, %ne3A : i1
          %or3A_216 = arith.constant false
          %or3A_217 = arith.ori %or3A_215, %or3A_216 : i1
          %sub3A_218 = arith.constant 2 : i32
          %sub3A_219 = arith.subi %mul3A_182, %sub3A_218 : i32
          %add3A_220 = arith.constant 1 : i32
          %add3A_221 = arith.addi %sub3A_219, %add3A_220 : i32
          %ge3A = arith.cmpi sge, %while3A_175, %add3A_221 : i32
          %not3A = arith.constant true
          %not3A_222 = arith.xori %ge3A, %not3A : i1
          %and3A = arith.andi %or3A_217, %not3A_222 : i1
          %convert_element_type3A_223 = arith.extui %and3A : i1 to i32
          %cond3A_224 = arith.constant 0 : i32
          %cond3A_225 = arith.cmpi ne, %convert_element_type3A_223, %cond3A_224 : i32
          scf.if %cond3A_225 {
            "tpu.trace_start"() <{level = 10 : i32, message = "ep_copy_in"}> : () -> ()
            %rem3A_338 = arith.constant 2 : i32
            %rem3A_339 = arith.remui %while3A_176, %rem3A_338 : i32
            %mul3A_340 = arith.constant 128 : i32
            %mul3A_341 = arith.muli %mul3A_340, %add3A_206 : i32
            %dma_start3A_342 = arith.constant 0 : i32
            %dma_start3A_343 = arith.constant 0 : i32
            %dma_start3A_344 = tpu.memref_slice %run_scoped3A[%rem3A_339, %dma_start3A_342, %dma_start3A_343] : memref<2x128x128xf32, #tpu.memory_space<vmem>> -> memref<1x128x128xf32, #tpu.memory_space<vmem>>
            %dma_start3A_345 = tpu.memref_squeeze %dma_start3A_344 : memref<1x128x128xf32, #tpu.memory_space<vmem>> -> memref<128x128xf32, #tpu.memory_space<vmem>>
            %dma_start3A_346 = arith.constant 0 : i32
            %dma_start3A_347 = tpu.memref_slice %arg2[%mul3A_341, %dma_start3A_346] : memref<160000x128xf32, #tpu.memory_space<hbm>> -> memref<128x128xf32, #tpu.memory_space<hbm>>
            %dma_start3A_348 = tpu.memref_slice %run_scoped3A_26[%rem3A_339] : memref<2x!tpu.dma_semaphore, #tpu.memory_space<semaphore_mem>> -> memref<1x!tpu.dma_semaphore, #tpu.memory_space<semaphore_mem>>
            %dma_start3A_349 = tpu.memref_squeeze %dma_start3A_348 : memref<1x!tpu.dma_semaphore, #tpu.memory_space<semaphore_mem>> -> memref<!tpu.dma_semaphore, #tpu.memory_space<semaphore_mem>>
            %dma_start3A_350 = arith.constant 0 : i32
            %dma_start3A_351 = arith.constant 0 : i32
            %dma_start3A_352 = tpu.memref_slice %run_scoped3A[%rem3A_339, %dma_start3A_350, %dma_start3A_351] : memref<2x128x128xf32, #tpu.memory_space<vmem>> -> memref<1x128x128xf32, #tpu.memory_space<vmem>>
            %dma_start3A_353 = tpu.memref_squeeze %dma_start3A_352 : memref<1x128x128xf32, #tpu.memory_space<vmem>> -> memref<128x128xf32, #tpu.memory_space<vmem>>
            %dma_start3A_354 = arith.constant 0 : i32
            %dma_start3A_355 = tpu.memref_slice %arg2[%mul3A_341, %dma_start3A_354] : memref<160000x128xf32, #tpu.memory_space<hbm>> -> memref<128x128xf32, #tpu.memory_space<hbm>>
            tpu.enqueue_dma source(%dma_start3A_355 : memref<128x128xf32, #tpu.memory_space<hbm>>) target(%dma_start3A_353 : memref<128x128xf32, #tpu.memory_space<vmem>>) target_semaphore(%dma_start3A_349 : memref<!tpu.dma_semaphore, #tpu.memory_space<semaphore_mem>>)
            "tpu.trace_stop"() : () -> ()
          } else {
          }
          %and3A_226 = arith.constant true
          %and3A_227 = arith.andi %and3A, %and3A_226 : i1
          %add3A_228 = arith.constant 1 : i32
          %add3A_229 = arith.addi %while3A_176, %add3A_228 : i32
          %select_n3A_230 = arith.select %and3A_227, %add3A_229, %while3A_176 : i32
          %ne3A_231 = arith.cmpi ne, %add3A_188, %add3A_206 : i32
          %or3A_232 = arith.constant false
          %or3A_233 = arith.ori %or3A_232, %ne3A_231 : i1
          %sub3A_234 = arith.constant 2 : i32
          %sub3A_235 = arith.subi %mul3A_182, %sub3A_234 : i32
          %add3A_236 = arith.constant 1 : i32
          %add3A_237 = arith.addi %sub3A_235, %add3A_236 : i32
          %ge3A_238 = arith.cmpi sge, %while3A_175, %add3A_237 : i32
          %not3A_239 = arith.constant true
          %not3A_240 = arith.xori %ge3A_238, %not3A_239 : i1
          %and3A_241 = arith.andi %or3A_233, %not3A_240 : i1
          %convert_element_type3A_242 = arith.extui %and3A_241 : i1 to i32
          %cond3A_243 = arith.constant 0 : i32
          %cond3A_244 = arith.cmpi ne, %convert_element_type3A_242, %cond3A_243 : i32
          scf.if %cond3A_244 {
            "tpu.trace_start"() <{level = 10 : i32, message = "ep_copy_in"}> : () -> ()
            %rem3A_338 = arith.constant 2 : i32
            %rem3A_339 = arith.remui %while3A_178, %rem3A_338 : i32
            %mul3A_340 = arith.constant 128 : i32
            %mul3A_341 = arith.muli %mul3A_340, %add3A_206 : i32
            %dma_start3A_342 = arith.constant 0 : i32
            %dma_start3A_343 = arith.constant 0 : i32
            %dma_start3A_344 = tpu.memref_slice %run_scoped3A_27[%rem3A_339, %dma_start3A_342, %dma_start3A_343] : memref<2x1x128xi32, #tpu.memory_space<vmem>> -> memref<1x1x128xi32, #tpu.memory_space<vmem>>
            %dma_start3A_345 = tpu.memref_squeeze %dma_start3A_344 : memref<1x1x128xi32, #tpu.memory_space<vmem>> -> memref<1x128xi32, #tpu.memory_space<vmem>>
            %dma_start3A_346 = arith.constant 0 : i32
            %dma_start3A_347 = tpu.memref_slice %arg3[%dma_start3A_346, %mul3A_341] : memref<1x160000xi32, #tpu.memory_space<hbm>> -> memref<1x128xi32, #tpu.memory_space<hbm>>
            %dma_start3A_348 = tpu.memref_slice %run_scoped3A_28[%rem3A_339] : memref<2x!tpu.dma_semaphore, #tpu.memory_space<semaphore_mem>> -> memref<1x!tpu.dma_semaphore, #tpu.memory_space<semaphore_mem>>
            %dma_start3A_349 = tpu.memref_squeeze %dma_start3A_348 : memref<1x!tpu.dma_semaphore, #tpu.memory_space<semaphore_mem>> -> memref<!tpu.dma_semaphore, #tpu.memory_space<semaphore_mem>>
            %dma_start3A_350 = arith.constant 0 : i32
            %dma_start3A_351 = arith.constant 0 : i32
            %dma_start3A_352 = tpu.memref_slice %run_scoped3A_27[%rem3A_339, %dma_start3A_350, %dma_start3A_351] : memref<2x1x128xi32, #tpu.memory_space<vmem>> -> memref<1x1x128xi32, #tpu.memory_space<vmem>>
            %dma_start3A_353 = tpu.memref_squeeze %dma_start3A_352 : memref<1x1x128xi32, #tpu.memory_space<vmem>> -> memref<1x128xi32, #tpu.memory_space<vmem>>
            %dma_start3A_354 = arith.constant 0 : i32
            %dma_start3A_355 = tpu.memref_slice %arg3[%dma_start3A_354, %mul3A_341] : memref<1x160000xi32, #tpu.memory_space<hbm>> -> memref<1x128xi32, #tpu.memory_space<hbm>>
            tpu.enqueue_dma source(%dma_start3A_355 : memref<1x128xi32, #tpu.memory_space<hbm>>) target(%dma_start3A_353 : memref<1x128xi32, #tpu.memory_space<vmem>>) target_semaphore(%dma_start3A_349 : memref<!tpu.dma_semaphore, #tpu.memory_space<semaphore_mem>>)
            "tpu.trace_stop"() : () -> ()
          } else {
          }
          %and3A_245 = arith.constant true
          %and3A_246 = arith.andi %and3A_241, %and3A_245 : i1
          %add3A_247 = arith.constant 1 : i32
          %add3A_248 = arith.addi %while3A_178, %add3A_247 : i32
          %select_n3A_249 = arith.select %and3A_246, %add3A_248, %while3A_178 : i32
          %ne3A_250 = arith.cmpi ne, %add3A_188, %add3A_198 : i32
          %or3A_251 = arith.constant false
          %or3A_252 = arith.ori %or3A_251, %ne3A_250 : i1
          %or3A_253 = arith.constant false
          %or3A_254 = arith.ori %or3A_252, %or3A_253 : i1
          %or3A_255 = arith.ori %or3A_254, %eq3A_184 : i1
          %convert_element_type3A_256 = arith.extui %or3A_255 : i1 to i32
          %cond3A_257 = arith.constant 0 : i32
          %cond3A_258 = arith.cmpi ne, %convert_element_type3A_256, %cond3A_257 : i32
          scf.if %cond3A_258 {
            "tpu.trace_start"() <{level = 10 : i32, message = "ep_wait_in"}> : () -> ()
            %mul3A_338 = arith.constant 128 : i32
            %mul3A_339 = arith.muli %mul3A_338, %add3A_188 : i32
            %rem3A_340 = arith.constant 2 : i32
            %rem3A_341 = arith.remui %while3A_177, %rem3A_340 : i32
            %dma_wait3A = arith.constant 0 : i32
            %dma_wait3A_342 = arith.constant 0 : i32
            %dma_wait3A_343 = tpu.memref_slice %run_scoped3A[%rem3A_341, %dma_wait3A, %dma_wait3A_342] : memref<2x128x128xf32, #tpu.memory_space<vmem>> -> memref<1x128x128xf32, #tpu.memory_space<vmem>>
            %dma_wait3A_344 = tpu.memref_squeeze %dma_wait3A_343 : memref<1x128x128xf32, #tpu.memory_space<vmem>> -> memref<128x128xf32, #tpu.memory_space<vmem>>
            %dma_wait3A_345 = arith.constant 0 : i32
            %dma_wait3A_346 = tpu.memref_slice %arg2[%mul3A_339, %dma_wait3A_345] : memref<160000x128xf32, #tpu.memory_space<hbm>> -> memref<128x128xf32, #tpu.memory_space<hbm>>
            %dma_wait3A_347 = tpu.memref_slice %run_scoped3A_26[%rem3A_341] : memref<2x!tpu.dma_semaphore, #tpu.memory_space<semaphore_mem>> -> memref<1x!tpu.dma_semaphore, #tpu.memory_space<semaphore_mem>>
            %dma_wait3A_348 = tpu.memref_squeeze %dma_wait3A_347 : memref<1x!tpu.dma_semaphore, #tpu.memory_space<semaphore_mem>> -> memref<!tpu.dma_semaphore, #tpu.memory_space<semaphore_mem>>
            %dma_wait3A_349 = arith.constant 0 : i32
            %dma_wait3A_350 = arith.constant 0 : i32
            %dma_wait3A_351 = tpu.memref_slice %run_scoped3A[%rem3A_341, %dma_wait3A_349, %dma_wait3A_350] : memref<2x128x128xf32, #tpu.memory_space<vmem>> -> memref<1x128x128xf32, #tpu.memory_space<vmem>>
            %dma_wait3A_352 = tpu.memref_squeeze %dma_wait3A_351 : memref<1x128x128xf32, #tpu.memory_space<vmem>> -> memref<128x128xf32, #tpu.memory_space<vmem>>
            %dma_wait3A_353 = arith.constant 0 : i32
            %dma_wait3A_354 = tpu.memref_slice %arg2[%mul3A_339, %dma_wait3A_353] : memref<160000x128xf32, #tpu.memory_space<hbm>> -> memref<128x128xf32, #tpu.memory_space<hbm>>
            tpu.wait_dma2 semaphore(%dma_wait3A_348 : memref<!tpu.dma_semaphore, #tpu.memory_space<semaphore_mem>>) src(%dma_wait3A_354 : memref<128x128xf32, #tpu.memory_space<hbm>>) dst(%dma_wait3A_352 : memref<128x128xf32, #tpu.memory_space<vmem>>)
            "tpu.trace_stop"() : () -> ()
          } else {
          }
          %ne3A_259 = arith.cmpi ne, %add3A_188, %add3A_198 : i32
          %or3A_260 = arith.constant false
          %or3A_261 = arith.ori %or3A_260, %ne3A_259 : i1
          %or3A_262 = arith.ori %or3A_261, %eq3A_184 : i1
          %convert_element_type3A_263 = arith.extui %or3A_262 : i1 to i32
          %cond3A_264 = arith.constant 0 : i32
          %cond3A_265 = arith.cmpi ne, %convert_element_type3A_263, %cond3A_264 : i32
          scf.if %cond3A_265 {
            "tpu.trace_start"() <{level = 10 : i32, message = "ep_wait_in"}> : () -> ()
            %mul3A_338 = arith.constant 128 : i32
            %mul3A_339 = arith.muli %mul3A_338, %add3A_188 : i32
            %rem3A_340 = arith.constant 2 : i32
            %rem3A_341 = arith.remui %while3A_179, %rem3A_340 : i32
            %dma_wait3A = arith.constant 0 : i32
            %dma_wait3A_342 = arith.constant 0 : i32
            %dma_wait3A_343 = tpu.memref_slice %run_scoped3A_27[%rem3A_341, %dma_wait3A, %dma_wait3A_342] : memref<2x1x128xi32, #tpu.memory_space<vmem>> -> memref<1x1x128xi32, #tpu.memory_space<vmem>>
            %dma_wait3A_344 = tpu.memref_squeeze %dma_wait3A_343 : memref<1x1x128xi32, #tpu.memory_space<vmem>> -> memref<1x128xi32, #tpu.memory_space<vmem>>
            %dma_wait3A_345 = arith.constant 0 : i32
            %dma_wait3A_346 = tpu.memref_slice %arg3[%dma_wait3A_345, %mul3A_339] : memref<1x160000xi32, #tpu.memory_space<hbm>> -> memref<1x128xi32, #tpu.memory_space<hbm>>
            %dma_wait3A_347 = tpu.memref_slice %run_scoped3A_28[%rem3A_341] : memref<2x!tpu.dma_semaphore, #tpu.memory_space<semaphore_mem>> -> memref<1x!tpu.dma_semaphore, #tpu.memory_space<semaphore_mem>>
            %dma_wait3A_348 = tpu.memref_squeeze %dma_wait3A_347 : memref<1x!tpu.dma_semaphore, #tpu.memory_space<semaphore_mem>> -> memref<!tpu.dma_semaphore, #tpu.memory_space<semaphore_mem>>
            %dma_wait3A_349 = arith.constant 0 : i32
            %dma_wait3A_350 = arith.constant 0 : i32
            %dma_wait3A_351 = tpu.memref_slice %run_scoped3A_27[%rem3A_341, %dma_wait3A_349, %dma_wait3A_350] : memref<2x1x128xi32, #tpu.memory_space<vmem>> -> memref<1x1x128xi32, #tpu.memory_space<vmem>>
            %dma_wait3A_352 = tpu.memref_squeeze %dma_wait3A_351 : memref<1x1x128xi32, #tpu.memory_space<vmem>> -> memref<1x128xi32, #tpu.memory_space<vmem>>
            %dma_wait3A_353 = arith.constant 0 : i32
            %dma_wait3A_354 = tpu.memref_slice %arg3[%dma_wait3A_353, %mul3A_339] : memref<1x160000xi32, #tpu.memory_space<hbm>> -> memref<1x128xi32, #tpu.memory_space<hbm>>
            tpu.wait_dma2 semaphore(%dma_wait3A_348 : memref<!tpu.dma_semaphore, #tpu.memory_space<semaphore_mem>>) src(%dma_wait3A_354 : memref<1x128xi32, #tpu.memory_space<hbm>>) dst(%dma_wait3A_352 : memref<1x128xi32, #tpu.memory_space<vmem>>)
            "tpu.trace_stop"() : () -> ()
          } else {
          }
          %rem3A_266 = arith.constant 2 : i32
          %rem3A_267 = arith.remui %while3A_177, %rem3A_266 : i32
          %rem3A_268 = arith.constant 2 : i32
          %rem3A_269 = arith.remui %while3A_179, %rem3A_268 : i32
          %run_scoped3A_270 = arith.constant 0 : i32
          "tpu.trace_start"() <{level = 10 : i32, message = "ep_run_kernel"}> : () -> ()
          "tpu.region"() ({
            %run_scoped3A_338 = tpu.sem_alloc : memref<!tpu.dma_semaphore, #tpu.memory_space<semaphore_mem>>
            %dma_start3A_339 = arith.constant 0 : i32
            %dma_start3A_340 = arith.constant 0 : i32
            %dma_start3A_341 = tpu.memref_slice %run_scoped3A[%rem3A_267, %dma_start3A_339, %dma_start3A_340] : memref<2x128x128xf32, #tpu.memory_space<vmem>> -> memref<1x128x128xf32, #tpu.memory_space<vmem>>
            %dma_start3A_342 = tpu.memref_squeeze %dma_start3A_341 : memref<1x128x128xf32, #tpu.memory_space<vmem>> -> memref<128x128xf32, #tpu.memory_space<vmem>>
            %dma_start3A_343 = arith.constant 0 : i32
            %dma_start3A_344 = arith.constant 0 : i32
            %dma_start3A_345 = tpu.memref_slice %run_scoped3A_27[%rem3A_269, %dma_start3A_343, %dma_start3A_344] : memref<2x1x128xi32, #tpu.memory_space<vmem>> -> memref<1x1x128xi32, #tpu.memory_space<vmem>>
            %dma_start3A_346 = tpu.memref_squeeze %dma_start3A_345 : memref<1x1x128xi32, #tpu.memory_space<vmem>> -> memref<1x128xi32, #tpu.memory_space<vmem>>
            %dma_start3A_347 = arith.constant 0 : i32
            %dma_start3A_348 = tpu.memref_slice %dma_start3A_346[%run_scoped3A_270, %dma_start3A_347] : memref<1x128xi32, #tpu.memory_space<vmem>> -> memref<1x128xi32, #tpu.memory_space<vmem>>
            %dma_start3A_349 = tpu.memref_squeeze %dma_start3A_348 : memref<1x128xi32, #tpu.memory_space<vmem>> -> memref<128xi32, #tpu.memory_space<vmem>>
            %dma_start3A_350 = arith.constant 0 : i32
            %dma_start3A_351 = arith.constant 0 : i32
            %dma_start3A_352 = tpu.memref_slice %arg6[%dma_start3A_350, %dma_start3A_351] : memref<10240x128xf32, #tpu.memory_space<vmem_shared>> -> memref<10240x128xf32, #tpu.memory_space<vmem_shared>>
            tpu.enqueue_indirect_dma source(%dma_start3A_342 : memref<128x128xf32, #tpu.memory_space<vmem>>) target(%dma_start3A_352 : memref<10240x128xf32, #tpu.memory_space<vmem_shared>>) offsets(%dma_start3A_349 : memref<128xi32, #tpu.memory_space<vmem>>) semaphore(%run_scoped3A_338 : memref<!tpu.dma_semaphore, #tpu.memory_space<semaphore_mem>>) {add = true}
            %dma_wait3A = arith.constant 0 : i32
            %dma_wait3A_353 = arith.constant 0 : i32
            %dma_wait3A_354 = tpu.memref_slice %run_scoped3A[%rem3A_267, %dma_wait3A, %dma_wait3A_353] : memref<2x128x128xf32, #tpu.memory_space<vmem>> -> memref<1x128x128xf32, #tpu.memory_space<vmem>>
            %dma_wait3A_355 = tpu.memref_squeeze %dma_wait3A_354 : memref<1x128x128xf32, #tpu.memory_space<vmem>> -> memref<128x128xf32, #tpu.memory_space<vmem>>
            %dma_wait3A_356 = arith.constant 0 : i32
            %dma_wait3A_357 = arith.constant 0 : i32
            %dma_wait3A_358 = tpu.memref_slice %run_scoped3A_27[%rem3A_269, %dma_wait3A_356, %dma_wait3A_357] : memref<2x1x128xi32, #tpu.memory_space<vmem>> -> memref<1x1x128xi32, #tpu.memory_space<vmem>>
            %dma_wait3A_359 = tpu.memref_squeeze %dma_wait3A_358 : memref<1x1x128xi32, #tpu.memory_space<vmem>> -> memref<1x128xi32, #tpu.memory_space<vmem>>
            %dma_wait3A_360 = arith.constant 0 : i32
            %dma_wait3A_361 = tpu.memref_slice %dma_wait3A_359[%run_scoped3A_270, %dma_wait3A_360] : memref<1x128xi32, #tpu.memory_space<vmem>> -> memref<1x128xi32, #tpu.memory_space<vmem>>
            %dma_wait3A_362 = tpu.memref_squeeze %dma_wait3A_361 : memref<1x128xi32, #tpu.memory_space<vmem>> -> memref<128xi32, #tpu.memory_space<vmem>>
            %dma_wait3A_363 = arith.constant 0 : i32
            %dma_wait3A_364 = arith.constant 0 : i32
            %dma_wait3A_365 = tpu.memref_slice %arg6[%dma_wait3A_363, %dma_wait3A_364] : memref<10240x128xf32, #tpu.memory_space<vmem_shared>> -> memref<10240x128xf32, #tpu.memory_space<vmem_shared>>
            tpu.wait_indirect_dma semaphore(%run_scoped3A_338 : memref<!tpu.dma_semaphore, #tpu.memory_space<semaphore_mem>>) src(%dma_wait3A_355 : memref<128x128xf32, #tpu.memory_space<vmem>>) dst(%dma_wait3A_365 : memref<10240x128xf32, #tpu.memory_space<vmem_shared>>)
            tpu.yield
          }) : () -> ()
          "tpu.trace_stop"() : () -> ()
          %ne3A_271 = arith.cmpi ne, %add3A_188, %add3A_206 : i32
          %or3A_272 = arith.constant false
          %or3A_273 = arith.ori %or3A_272, %ne3A_271 : i1
          %or3A_274 = arith.constant false
          %or3A_275 = arith.ori %or3A_273, %or3A_274 : i1
          %or3A_276 = arith.ori %or3A_275, %eq3A_187 : i1
          %convert_element_type3A_277 = arith.extui %or3A_276 : i1 to i32
          %cond3A_278 = arith.constant 0 : i32
          %cond3A_279 = arith.cmpi ne, %convert_element_type3A_277, %cond3A_278 : i32
          scf.if %cond3A_279 {
          } else {
          }
          %and3A_280 = arith.constant false
          %and3A_281 = arith.andi %or3A_276, %and3A_280 : i1
          %ne3A_282 = arith.cmpi ne, %add3A_188, %add3A_206 : i32
          %or3A_283 = arith.constant false
          %or3A_284 = arith.ori %or3A_283, %ne3A_282 : i1
          %or3A_285 = arith.ori %or3A_284, %eq3A_187 : i1
          %convert_element_type3A_286 = arith.extui %or3A_285 : i1 to i32
          %cond3A_287 = arith.constant 0 : i32
          %cond3A_288 = arith.cmpi ne, %convert_element_type3A_286, %cond3A_287 : i32
          scf.if %cond3A_288 {
          } else {
          }
          %and3A_289 = arith.constant false
          %and3A_290 = arith.andi %or3A_285, %and3A_289 : i1
          %ne3A_291 = arith.cmpi ne, %add3A_188, %add3A_198 : i32
          %or3A_292 = arith.constant false
          %or3A_293 = arith.ori %or3A_292, %ne3A_291 : i1
          %or3A_294 = arith.constant false
          %or3A_295 = arith.ori %or3A_293, %or3A_294 : i1
          %not3A_296 = arith.constant true
          %not3A_297 = arith.xori %eq3A_184, %not3A_296 : i1
          %and3A_298 = arith.andi %or3A_295, %not3A_297 : i1
          %convert_element_type3A_299 = arith.extui %and3A_298 : i1 to i32
          %cond3A_300 = arith.constant 0 : i32
          %cond3A_301 = arith.cmpi ne, %convert_element_type3A_299, %cond3A_300 : i32
          scf.if %cond3A_301 {
          } else {
          }
          %and3A_302 = arith.constant false
          %and3A_303 = arith.andi %and3A_298, %and3A_302 : i1
          %ne3A_304 = arith.cmpi ne, %add3A_188, %add3A_198 : i32
          %or3A_305 = arith.constant false
          %or3A_306 = arith.ori %or3A_305, %ne3A_304 : i1
          %not3A_307 = arith.constant true
          %not3A_308 = arith.xori %eq3A_184, %not3A_307 : i1
          %and3A_309 = arith.andi %or3A_306, %not3A_308 : i1
          %convert_element_type3A_310 = arith.extui %and3A_309 : i1 to i32
          %cond3A_311 = arith.constant 0 : i32
          %cond3A_312 = arith.cmpi ne, %convert_element_type3A_310, %cond3A_311 : i32
          scf.if %cond3A_312 {
          } else {
          }
          %and3A_313 = arith.constant false
          %and3A_314 = arith.andi %and3A_309, %and3A_313 : i1
          %ne3A_315 = arith.cmpi ne, %add3A_188, %add3A_206 : i32
          %or3A_316 = arith.constant false
          %or3A_317 = arith.ori %or3A_316, %ne3A_315 : i1
          %or3A_318 = arith.constant false
          %or3A_319 = arith.ori %or3A_317, %or3A_318 : i1
          %or3A_320 = arith.ori %or3A_319, %eq3A_187 : i1
          %add3A_321 = arith.constant 1 : i32
          %add3A_322 = arith.addi %while3A_177, %add3A_321 : i32
          %select_n3A_323 = arith.select %or3A_320, %add3A_322, %while3A_177 : i32
          %ne3A_324 = arith.cmpi ne, %add3A_188, %add3A_206 : i32
          %or3A_325 = arith.constant false
          %or3A_326 = arith.ori %or3A_325, %ne3A_324 : i1
          %or3A_327 = arith.ori %or3A_326, %eq3A_187 : i1
          %add3A_328 = arith.constant 1 : i32
          %add3A_329 = arith.addi %while3A_179, %add3A_328 : i32
          %select_n3A_330 = arith.select %or3A_327, %add3A_329, %while3A_179 : i32
          %add3A_331 = arith.constant 1 : i32
          %add3A_332 = arith.addi %while3A_180, %add3A_331 : i32
          %select_n3A_333 = arith.constant true
          %select_n3A_334 = arith.select %select_n3A_333, %add3A_332, %while3A_180 : i32
          %eq3A_335 = arith.cmpi eq, %select_n3A_334, %select_n3A : i32
          %select_n3A_336 = arith.constant 0 : i32
          %select_n3A_337 = arith.select %eq3A_335, %select_n3A_336, %select_n3A_334 : i32
          scf.yield %select_n3A_230, %select_n3A_323, %select_n3A_249, %select_n3A_330, %select_n3A_337 : i32, i32, i32, i32, i32
        }
        %while3A_122 = arith.constant 1 : i32
        %while3A_123:5 = scf.for %while3A_175 = %while3A_119 to %while3A_115 step %while3A_122 iter_args(%while3A_176 = %while3A_121#0, %while3A_177 = %while3A_121#1, %while3A_178 = %while3A_121#2, %while3A_179 = %while3A_121#3, %while3A_180 = %while3A_121#4) -> (i32, i32, i32, i32, i32)  : i32 {
          %mul3A_181 = arith.constant 1 : i32
          %mul3A_182 = arith.muli %mul3A_181, %select_n3A : i32
          %eq3A_183 = arith.constant 0 : i32
          %eq3A_184 = arith.cmpi eq, %while3A_175, %eq3A_183 : i32
          %sub3A_185 = arith.constant 1 : i32
          %sub3A_186 = arith.subi %mul3A_182, %sub3A_185 : i32
          %eq3A_187 = arith.cmpi eq, %while3A_175, %sub3A_186 : i32
          %add3A_188 = arith.addi %while3A_180, %select_n3A_18 : i32
          %sub3A_189 = arith.constant 1 : i32
          %sub3A_190 = arith.subi %while3A_180, %sub3A_189 : i32
          %select_n3A_191 = arith.constant true
          %select_n3A_192 = arith.select %select_n3A_191, %sub3A_190, %while3A_180 : i32
          %eq3A_193 = arith.constant -1 : i32
          %eq3A_194 = arith.cmpi eq, %select_n3A_192, %eq3A_193 : i32
          %sub3A_195 = arith.constant 1 : i32
          %sub3A_196 = arith.subi %select_n3A, %sub3A_195 : i32
          %select_n3A_197 = arith.select %eq3A_194, %sub3A_196, %select_n3A_192 : i32
          %add3A_198 = arith.addi %select_n3A_197, %select_n3A_18 : i32
          %add3A_199 = arith.constant 1 : i32
          %add3A_200 = arith.addi %while3A_180, %add3A_199 : i32
          %select_n3A_201 = arith.constant true
          %select_n3A_202 = arith.select %select_n3A_201, %add3A_200, %while3A_180 : i32
          %eq3A_203 = arith.cmpi eq, %select_n3A_202, %select_n3A : i32
          %select_n3A_204 = arith.constant 0 : i32
          %select_n3A_205 = arith.select %eq3A_203, %select_n3A_204, %select_n3A_202 : i32
          %add3A_206 = arith.addi %select_n3A_205, %select_n3A_18 : i32
          %add3A_207 = arith.constant 1 : i32
          %add3A_208 = arith.addi %select_n3A_205, %add3A_207 : i32
          %select_n3A_209 = arith.constant true
          %select_n3A_210 = arith.select %select_n3A_209, %add3A_208, %select_n3A_205 : i32
          %eq3A_211 = arith.cmpi eq, %select_n3A_210, %select_n3A : i32
          %select_n3A_212 = arith.constant 0 : i32
          %select_n3A_213 = arith.select %eq3A_211, %select_n3A_212, %select_n3A_210 : i32
          %add3A_214 = arith.addi %select_n3A_213, %select_n3A_18 : i32
          %ne3A = arith.cmpi ne, %add3A_188, %add3A_206 : i32
          %or3A = arith.constant false
          %or3A_215 = arith.ori %or3A, %ne3A : i1
          %or3A_216 = arith.constant false
          %or3A_217 = arith.ori %or3A_215, %or3A_216 : i1
          %sub3A_218 = arith.constant 2 : i32
          %sub3A_219 = arith.subi %mul3A_182, %sub3A_218 : i32
          %add3A_220 = arith.constant 1 : i32
          %add3A_221 = arith.addi %sub3A_219, %add3A_220 : i32
          %ge3A = arith.cmpi sge, %while3A_175, %add3A_221 : i32
          %not3A = arith.constant true
          %not3A_222 = arith.xori %ge3A, %not3A : i1
          %and3A = arith.andi %or3A_217, %not3A_222 : i1
          %convert_element_type3A_223 = arith.extui %and3A : i1 to i32
          %cond3A_224 = arith.constant 0 : i32
          %cond3A_225 = arith.cmpi ne, %convert_element_type3A_223, %cond3A_224 : i32
          scf.if %cond3A_225 {
            "tpu.trace_start"() <{level = 10 : i32, message = "ep_copy_in"}> : () -> ()
            %rem3A_338 = arith.constant 2 : i32
            %rem3A_339 = arith.remui %while3A_176, %rem3A_338 : i32
            %mul3A_340 = arith.constant 128 : i32
            %mul3A_341 = arith.muli %mul3A_340, %add3A_206 : i32
            %dma_start3A_342 = arith.constant 0 : i32
            %dma_start3A_343 = arith.constant 0 : i32
            %dma_start3A_344 = tpu.memref_slice %run_scoped3A[%rem3A_339, %dma_start3A_342, %dma_start3A_343] : memref<2x128x128xf32, #tpu.memory_space<vmem>> -> memref<1x128x128xf32, #tpu.memory_space<vmem>>
            %dma_start3A_345 = tpu.memref_squeeze %dma_start3A_344 : memref<1x128x128xf32, #tpu.memory_space<vmem>> -> memref<128x128xf32, #tpu.memory_space<vmem>>
            %dma_start3A_346 = arith.constant 0 : i32
            %dma_start3A_347 = tpu.memref_slice %arg2[%mul3A_341, %dma_start3A_346] : memref<160000x128xf32, #tpu.memory_space<hbm>> -> memref<128x128xf32, #tpu.memory_space<hbm>>
            %dma_start3A_348 = tpu.memref_slice %run_scoped3A_26[%rem3A_339] : memref<2x!tpu.dma_semaphore, #tpu.memory_space<semaphore_mem>> -> memref<1x!tpu.dma_semaphore, #tpu.memory_space<semaphore_mem>>
            %dma_start3A_349 = tpu.memref_squeeze %dma_start3A_348 : memref<1x!tpu.dma_semaphore, #tpu.memory_space<semaphore_mem>> -> memref<!tpu.dma_semaphore, #tpu.memory_space<semaphore_mem>>
            %dma_start3A_350 = arith.constant 0 : i32
            %dma_start3A_351 = arith.constant 0 : i32
            %dma_start3A_352 = tpu.memref_slice %run_scoped3A[%rem3A_339, %dma_start3A_350, %dma_start3A_351] : memref<2x128x128xf32, #tpu.memory_space<vmem>> -> memref<1x128x128xf32, #tpu.memory_space<vmem>>
            %dma_start3A_353 = tpu.memref_squeeze %dma_start3A_352 : memref<1x128x128xf32, #tpu.memory_space<vmem>> -> memref<128x128xf32, #tpu.memory_space<vmem>>
            %dma_start3A_354 = arith.constant 0 : i32
            %dma_start3A_355 = tpu.memref_slice %arg2[%mul3A_341, %dma_start3A_354] : memref<160000x128xf32, #tpu.memory_space<hbm>> -> memref<128x128xf32, #tpu.memory_space<hbm>>
            tpu.enqueue_dma source(%dma_start3A_355 : memref<128x128xf32, #tpu.memory_space<hbm>>) target(%dma_start3A_353 : memref<128x128xf32, #tpu.memory_space<vmem>>) target_semaphore(%dma_start3A_349 : memref<!tpu.dma_semaphore, #tpu.memory_space<semaphore_mem>>)
            "tpu.trace_stop"() : () -> ()
          } else {
          }
          %and3A_226 = arith.constant true
          %and3A_227 = arith.andi %and3A, %and3A_226 : i1
          %add3A_228 = arith.constant 1 : i32
          %add3A_229 = arith.addi %while3A_176, %add3A_228 : i32
          %select_n3A_230 = arith.select %and3A_227, %add3A_229, %while3A_176 : i32
          %ne3A_231 = arith.cmpi ne, %add3A_188, %add3A_206 : i32
          %or3A_232 = arith.constant false
          %or3A_233 = arith.ori %or3A_232, %ne3A_231 : i1
          %sub3A_234 = arith.constant 2 : i32
          %sub3A_235 = arith.subi %mul3A_182, %sub3A_234 : i32
          %add3A_236 = arith.constant 1 : i32
          %add3A_237 = arith.addi %sub3A_235, %add3A_236 : i32
          %ge3A_238 = arith.cmpi sge, %while3A_175, %add3A_237 : i32
          %not3A_239 = arith.constant true
          %not3A_240 = arith.xori %ge3A_238, %not3A_239 : i1
          %and3A_241 = arith.andi %or3A_233, %not3A_240 : i1
          %convert_element_type3A_242 = arith.extui %and3A_241 : i1 to i32
          %cond3A_243 = arith.constant 0 : i32
          %cond3A_244 = arith.cmpi ne, %convert_element_type3A_242, %cond3A_243 : i32
          scf.if %cond3A_244 {
            "tpu.trace_start"() <{level = 10 : i32, message = "ep_copy_in"}> : () -> ()
            %rem3A_338 = arith.constant 2 : i32
            %rem3A_339 = arith.remui %while3A_178, %rem3A_338 : i32
            %mul3A_340 = arith.constant 128 : i32
            %mul3A_341 = arith.muli %mul3A_340, %add3A_206 : i32
            %dma_start3A_342 = arith.constant 0 : i32
            %dma_start3A_343 = arith.constant 0 : i32
            %dma_start3A_344 = tpu.memref_slice %run_scoped3A_27[%rem3A_339, %dma_start3A_342, %dma_start3A_343] : memref<2x1x128xi32, #tpu.memory_space<vmem>> -> memref<1x1x128xi32, #tpu.memory_space<vmem>>
            %dma_start3A_345 = tpu.memref_squeeze %dma_start3A_344 : memref<1x1x128xi32, #tpu.memory_space<vmem>> -> memref<1x128xi32, #tpu.memory_space<vmem>>
            %dma_start3A_346 = arith.constant 0 : i32
            %dma_start3A_347 = tpu.memref_slice %arg3[%dma_start3A_346, %mul3A_341] : memref<1x160000xi32, #tpu.memory_space<hbm>> -> memref<1x128xi32, #tpu.memory_space<hbm>>
            %dma_start3A_348 = tpu.memref_slice %run_scoped3A_28[%rem3A_339] : memref<2x!tpu.dma_semaphore, #tpu.memory_space<semaphore_mem>> -> memref<1x!tpu.dma_semaphore, #tpu.memory_space<semaphore_mem>>
            %dma_start3A_349 = tpu.memref_squeeze %dma_start3A_348 : memref<1x!tpu.dma_semaphore, #tpu.memory_space<semaphore_mem>> -> memref<!tpu.dma_semaphore, #tpu.memory_space<semaphore_mem>>
            %dma_start3A_350 = arith.constant 0 : i32
            %dma_start3A_351 = arith.constant 0 : i32
            %dma_start3A_352 = tpu.memref_slice %run_scoped3A_27[%rem3A_339, %dma_start3A_350, %dma_start3A_351] : memref<2x1x128xi32, #tpu.memory_space<vmem>> -> memref<1x1x128xi32, #tpu.memory_space<vmem>>
            %dma_start3A_353 = tpu.memref_squeeze %dma_start3A_352 : memref<1x1x128xi32, #tpu.memory_space<vmem>> -> memref<1x128xi32, #tpu.memory_space<vmem>>
            %dma_start3A_354 = arith.constant 0 : i32
            %dma_start3A_355 = tpu.memref_slice %arg3[%dma_start3A_354, %mul3A_341] : memref<1x160000xi32, #tpu.memory_space<hbm>> -> memref<1x128xi32, #tpu.memory_space<hbm>>
            tpu.enqueue_dma source(%dma_start3A_355 : memref<1x128xi32, #tpu.memory_space<hbm>>) target(%dma_start3A_353 : memref<1x128xi32, #tpu.memory_space<vmem>>) target_semaphore(%dma_start3A_349 : memref<!tpu.dma_semaphore, #tpu.memory_space<semaphore_mem>>)
            "tpu.trace_stop"() : () -> ()
          } else {
          }
          %and3A_245 = arith.constant true
          %and3A_246 = arith.andi %and3A_241, %and3A_245 : i1
          %add3A_247 = arith.constant 1 : i32
          %add3A_248 = arith.addi %while3A_178, %add3A_247 : i32
          %select_n3A_249 = arith.select %and3A_246, %add3A_248, %while3A_178 : i32
          %ne3A_250 = arith.cmpi ne, %add3A_188, %add3A_198 : i32
          %or3A_251 = arith.constant false
          %or3A_252 = arith.ori %or3A_251, %ne3A_250 : i1
          %or3A_253 = arith.constant false
          %or3A_254 = arith.ori %or3A_252, %or3A_253 : i1
          %or3A_255 = arith.ori %or3A_254, %eq3A_184 : i1
          %convert_element_type3A_256 = arith.extui %or3A_255 : i1 to i32
          %cond3A_257 = arith.constant 0 : i32
          %cond3A_258 = arith.cmpi ne, %convert_element_type3A_256, %cond3A_257 : i32
          scf.if %cond3A_258 {
            "tpu.trace_start"() <{level = 10 : i32, message = "ep_wait_in"}> : () -> ()
            %mul3A_338 = arith.constant 128 : i32
            %mul3A_339 = arith.muli %mul3A_338, %add3A_188 : i32
            %rem3A_340 = arith.constant 2 : i32
            %rem3A_341 = arith.remui %while3A_177, %rem3A_340 : i32
            %dma_wait3A = arith.constant 0 : i32
            %dma_wait3A_342 = arith.constant 0 : i32
            %dma_wait3A_343 = tpu.memref_slice %run_scoped3A[%rem3A_341, %dma_wait3A, %dma_wait3A_342] : memref<2x128x128xf32, #tpu.memory_space<vmem>> -> memref<1x128x128xf32, #tpu.memory_space<vmem>>
            %dma_wait3A_344 = tpu.memref_squeeze %dma_wait3A_343 : memref<1x128x128xf32, #tpu.memory_space<vmem>> -> memref<128x128xf32, #tpu.memory_space<vmem>>
            %dma_wait3A_345 = arith.constant 0 : i32
            %dma_wait3A_346 = tpu.memref_slice %arg2[%mul3A_339, %dma_wait3A_345] : memref<160000x128xf32, #tpu.memory_space<hbm>> -> memref<128x128xf32, #tpu.memory_space<hbm>>
            %dma_wait3A_347 = tpu.memref_slice %run_scoped3A_26[%rem3A_341] : memref<2x!tpu.dma_semaphore, #tpu.memory_space<semaphore_mem>> -> memref<1x!tpu.dma_semaphore, #tpu.memory_space<semaphore_mem>>
            %dma_wait3A_348 = tpu.memref_squeeze %dma_wait3A_347 : memref<1x!tpu.dma_semaphore, #tpu.memory_space<semaphore_mem>> -> memref<!tpu.dma_semaphore, #tpu.memory_space<semaphore_mem>>
            %dma_wait3A_349 = arith.constant 0 : i32
            %dma_wait3A_350 = arith.constant 0 : i32
            %dma_wait3A_351 = tpu.memref_slice %run_scoped3A[%rem3A_341, %dma_wait3A_349, %dma_wait3A_350] : memref<2x128x128xf32, #tpu.memory_space<vmem>> -> memref<1x128x128xf32, #tpu.memory_space<vmem>>
            %dma_wait3A_352 = tpu.memref_squeeze %dma_wait3A_351 : memref<1x128x128xf32, #tpu.memory_space<vmem>> -> memref<128x128xf32, #tpu.memory_space<vmem>>
            %dma_wait3A_353 = arith.constant 0 : i32
            %dma_wait3A_354 = tpu.memref_slice %arg2[%mul3A_339, %dma_wait3A_353] : memref<160000x128xf32, #tpu.memory_space<hbm>> -> memref<128x128xf32, #tpu.memory_space<hbm>>
            tpu.wait_dma2 semaphore(%dma_wait3A_348 : memref<!tpu.dma_semaphore, #tpu.memory_space<semaphore_mem>>) src(%dma_wait3A_354 : memref<128x128xf32, #tpu.memory_space<hbm>>) dst(%dma_wait3A_352 : memref<128x128xf32, #tpu.memory_space<vmem>>)
            "tpu.trace_stop"() : () -> ()
          } else {
          }
          %ne3A_259 = arith.cmpi ne, %add3A_188, %add3A_198 : i32
          %or3A_260 = arith.constant false
          %or3A_261 = arith.ori %or3A_260, %ne3A_259 : i1
          %or3A_262 = arith.ori %or3A_261, %eq3A_184 : i1
          %convert_element_type3A_263 = arith.extui %or3A_262 : i1 to i32
          %cond3A_264 = arith.constant 0 : i32
          %cond3A_265 = arith.cmpi ne, %convert_element_type3A_263, %cond3A_264 : i32
          scf.if %cond3A_265 {
            "tpu.trace_start"() <{level = 10 : i32, message = "ep_wait_in"}> : () -> ()
            %mul3A_338 = arith.constant 128 : i32
            %mul3A_339 = arith.muli %mul3A_338, %add3A_188 : i32
            %rem3A_340 = arith.constant 2 : i32
            %rem3A_341 = arith.remui %while3A_179, %rem3A_340 : i32
            %dma_wait3A = arith.constant 0 : i32
            %dma_wait3A_342 = arith.constant 0 : i32
            %dma_wait3A_343 = tpu.memref_slice %run_scoped3A_27[%rem3A_341, %dma_wait3A, %dma_wait3A_342] : memref<2x1x128xi32, #tpu.memory_space<vmem>> -> memref<1x1x128xi32, #tpu.memory_space<vmem>>
            %dma_wait3A_344 = tpu.memref_squeeze %dma_wait3A_343 : memref<1x1x128xi32, #tpu.memory_space<vmem>> -> memref<1x128xi32, #tpu.memory_space<vmem>>
            %dma_wait3A_345 = arith.constant 0 : i32
            %dma_wait3A_346 = tpu.memref_slice %arg3[%dma_wait3A_345, %mul3A_339] : memref<1x160000xi32, #tpu.memory_space<hbm>> -> memref<1x128xi32, #tpu.memory_space<hbm>>
            %dma_wait3A_347 = tpu.memref_slice %run_scoped3A_28[%rem3A_341] : memref<2x!tpu.dma_semaphore, #tpu.memory_space<semaphore_mem>> -> memref<1x!tpu.dma_semaphore, #tpu.memory_space<semaphore_mem>>
            %dma_wait3A_348 = tpu.memref_squeeze %dma_wait3A_347 : memref<1x!tpu.dma_semaphore, #tpu.memory_space<semaphore_mem>> -> memref<!tpu.dma_semaphore, #tpu.memory_space<semaphore_mem>>
            %dma_wait3A_349 = arith.constant 0 : i32
            %dma_wait3A_350 = arith.constant 0 : i32
            %dma_wait3A_351 = tpu.memref_slice %run_scoped3A_27[%rem3A_341, %dma_wait3A_349, %dma_wait3A_350] : memref<2x1x128xi32, #tpu.memory_space<vmem>> -> memref<1x1x128xi32, #tpu.memory_space<vmem>>
            %dma_wait3A_352 = tpu.memref_squeeze %dma_wait3A_351 : memref<1x1x128xi32, #tpu.memory_space<vmem>> -> memref<1x128xi32, #tpu.memory_space<vmem>>
            %dma_wait3A_353 = arith.constant 0 : i32
            %dma_wait3A_354 = tpu.memref_slice %arg3[%dma_wait3A_353, %mul3A_339] : memref<1x160000xi32, #tpu.memory_space<hbm>> -> memref<1x128xi32, #tpu.memory_space<hbm>>
            tpu.wait_dma2 semaphore(%dma_wait3A_348 : memref<!tpu.dma_semaphore, #tpu.memory_space<semaphore_mem>>) src(%dma_wait3A_354 : memref<1x128xi32, #tpu.memory_space<hbm>>) dst(%dma_wait3A_352 : memref<1x128xi32, #tpu.memory_space<vmem>>)
            "tpu.trace_stop"() : () -> ()
          } else {
          }
          %rem3A_266 = arith.constant 2 : i32
          %rem3A_267 = arith.remui %while3A_177, %rem3A_266 : i32
          %rem3A_268 = arith.constant 2 : i32
          %rem3A_269 = arith.remui %while3A_179, %rem3A_268 : i32
          %run_scoped3A_270 = arith.constant 0 : i32
          "tpu.trace_start"() <{level = 10 : i32, message = "ep_run_kernel"}> : () -> ()
          "tpu.region"() ({
            %run_scoped3A_338 = tpu.sem_alloc : memref<!tpu.dma_semaphore, #tpu.memory_space<semaphore_mem>>
            %dma_start3A_339 = arith.constant 0 : i32
            %dma_start3A_340 = arith.constant 0 : i32
            %dma_start3A_341 = tpu.memref_slice %run_scoped3A[%rem3A_267, %dma_start3A_339, %dma_start3A_340] : memref<2x128x128xf32, #tpu.memory_space<vmem>> -> memref<1x128x128xf32, #tpu.memory_space<vmem>>
            %dma_start3A_342 = tpu.memref_squeeze %dma_start3A_341 : memref<1x128x128xf32, #tpu.memory_space<vmem>> -> memref<128x128xf32, #tpu.memory_space<vmem>>
            %dma_start3A_343 = arith.constant 0 : i32
            %dma_start3A_344 = arith.constant 0 : i32
            %dma_start3A_345 = tpu.memref_slice %run_scoped3A_27[%rem3A_269, %dma_start3A_343, %dma_start3A_344] : memref<2x1x128xi32, #tpu.memory_space<vmem>> -> memref<1x1x128xi32, #tpu.memory_space<vmem>>
            %dma_start3A_346 = tpu.memref_squeeze %dma_start3A_345 : memref<1x1x128xi32, #tpu.memory_space<vmem>> -> memref<1x128xi32, #tpu.memory_space<vmem>>
            %dma_start3A_347 = arith.constant 0 : i32
            %dma_start3A_348 = tpu.memref_slice %dma_start3A_346[%run_scoped3A_270, %dma_start3A_347] : memref<1x128xi32, #tpu.memory_space<vmem>> -> memref<1x128xi32, #tpu.memory_space<vmem>>
            %dma_start3A_349 = tpu.memref_squeeze %dma_start3A_348 : memref<1x128xi32, #tpu.memory_space<vmem>> -> memref<128xi32, #tpu.memory_space<vmem>>
            %dma_start3A_350 = arith.constant 0 : i32
            %dma_start3A_351 = arith.constant 0 : i32
            %dma_start3A_352 = tpu.memref_slice %arg6[%dma_start3A_350, %dma_start3A_351] : memref<10240x128xf32, #tpu.memory_space<vmem_shared>> -> memref<10240x128xf32, #tpu.memory_space<vmem_shared>>
            tpu.enqueue_indirect_dma source(%dma_start3A_342 : memref<128x128xf32, #tpu.memory_space<vmem>>) target(%dma_start3A_352 : memref<10240x128xf32, #tpu.memory_space<vmem_shared>>) offsets(%dma_start3A_349 : memref<128xi32, #tpu.memory_space<vmem>>) semaphore(%run_scoped3A_338 : memref<!tpu.dma_semaphore, #tpu.memory_space<semaphore_mem>>) {add = true}
            %dma_wait3A = arith.constant 0 : i32
            %dma_wait3A_353 = arith.constant 0 : i32
            %dma_wait3A_354 = tpu.memref_slice %run_scoped3A[%rem3A_267, %dma_wait3A, %dma_wait3A_353] : memref<2x128x128xf32, #tpu.memory_space<vmem>> -> memref<1x128x128xf32, #tpu.memory_space<vmem>>
            %dma_wait3A_355 = tpu.memref_squeeze %dma_wait3A_354 : memref<1x128x128xf32, #tpu.memory_space<vmem>> -> memref<128x128xf32, #tpu.memory_space<vmem>>
            %dma_wait3A_356 = arith.constant 0 : i32
            %dma_wait3A_357 = arith.constant 0 : i32
            %dma_wait3A_358 = tpu.memref_slice %run_scoped3A_27[%rem3A_269, %dma_wait3A_356, %dma_wait3A_357] : memref<2x1x128xi32, #tpu.memory_space<vmem>> -> memref<1x1x128xi32, #tpu.memory_space<vmem>>
            %dma_wait3A_359 = tpu.memref_squeeze %dma_wait3A_358 : memref<1x1x128xi32, #tpu.memory_space<vmem>> -> memref<1x128xi32, #tpu.memory_space<vmem>>
            %dma_wait3A_360 = arith.constant 0 : i32
            %dma_wait3A_361 = tpu.memref_slice %dma_wait3A_359[%run_scoped3A_270, %dma_wait3A_360] : memref<1x128xi32, #tpu.memory_space<vmem>> -> memref<1x128xi32, #tpu.memory_space<vmem>>
            %dma_wait3A_362 = tpu.memref_squeeze %dma_wait3A_361 : memref<1x128xi32, #tpu.memory_space<vmem>> -> memref<128xi32, #tpu.memory_space<vmem>>
            %dma_wait3A_363 = arith.constant 0 : i32
            %dma_wait3A_364 = arith.constant 0 : i32
            %dma_wait3A_365 = tpu.memref_slice %arg6[%dma_wait3A_363, %dma_wait3A_364] : memref<10240x128xf32, #tpu.memory_space<vmem_shared>> -> memref<10240x128xf32, #tpu.memory_space<vmem_shared>>
            tpu.wait_indirect_dma semaphore(%run_scoped3A_338 : memref<!tpu.dma_semaphore, #tpu.memory_space<semaphore_mem>>) src(%dma_wait3A_355 : memref<128x128xf32, #tpu.memory_space<vmem>>) dst(%dma_wait3A_365 : memref<10240x128xf32, #tpu.memory_space<vmem_shared>>)
            tpu.yield
          }) : () -> ()
          "tpu.trace_stop"() : () -> ()
          %ne3A_271 = arith.cmpi ne, %add3A_188, %add3A_206 : i32
          %or3A_272 = arith.constant false
          %or3A_273 = arith.ori %or3A_272, %ne3A_271 : i1
          %or3A_274 = arith.constant false
          %or3A_275 = arith.ori %or3A_273, %or3A_274 : i1
          %or3A_276 = arith.ori %or3A_275, %eq3A_187 : i1
          %convert_element_type3A_277 = arith.extui %or3A_276 : i1 to i32
          %cond3A_278 = arith.constant 0 : i32
          %cond3A_279 = arith.cmpi ne, %convert_element_type3A_277, %cond3A_278 : i32
          scf.if %cond3A_279 {
          } else {
          }
          %and3A_280 = arith.constant false
          %and3A_281 = arith.andi %or3A_276, %and3A_280 : i1
          %ne3A_282 = arith.cmpi ne, %add3A_188, %add3A_206 : i32
          %or3A_283 = arith.constant false
          %or3A_284 = arith.ori %or3A_283, %ne3A_282 : i1
          %or3A_285 = arith.ori %or3A_284, %eq3A_187 : i1
          %convert_element_type3A_286 = arith.extui %or3A_285 : i1 to i32
          %cond3A_287 = arith.constant 0 : i32
          %cond3A_288 = arith.cmpi ne, %convert_element_type3A_286, %cond3A_287 : i32
          scf.if %cond3A_288 {
          } else {
          }
          %and3A_289 = arith.constant false
          %and3A_290 = arith.andi %or3A_285, %and3A_289 : i1
          %ne3A_291 = arith.cmpi ne, %add3A_188, %add3A_198 : i32
          %or3A_292 = arith.constant false
          %or3A_293 = arith.ori %or3A_292, %ne3A_291 : i1
          %or3A_294 = arith.constant false
          %or3A_295 = arith.ori %or3A_293, %or3A_294 : i1
          %not3A_296 = arith.constant true
          %not3A_297 = arith.xori %eq3A_184, %not3A_296 : i1
          %and3A_298 = arith.andi %or3A_295, %not3A_297 : i1
          %convert_element_type3A_299 = arith.extui %and3A_298 : i1 to i32
          %cond3A_300 = arith.constant 0 : i32
          %cond3A_301 = arith.cmpi ne, %convert_element_type3A_299, %cond3A_300 : i32
          scf.if %cond3A_301 {
          } else {
          }
          %and3A_302 = arith.constant false
          %and3A_303 = arith.andi %and3A_298, %and3A_302 : i1
          %ne3A_304 = arith.cmpi ne, %add3A_188, %add3A_198 : i32
          %or3A_305 = arith.constant false
          %or3A_306 = arith.ori %or3A_305, %ne3A_304 : i1
          %not3A_307 = arith.constant true
          %not3A_308 = arith.xori %eq3A_184, %not3A_307 : i1
          %and3A_309 = arith.andi %or3A_306, %not3A_308 : i1
          %convert_element_type3A_310 = arith.extui %and3A_309 : i1 to i32
          %cond3A_311 = arith.constant 0 : i32
          %cond3A_312 = arith.cmpi ne, %convert_element_type3A_310, %cond3A_311 : i32
          scf.if %cond3A_312 {
          } else {
          }
          %and3A_313 = arith.constant false
          %and3A_314 = arith.andi %and3A_309, %and3A_313 : i1
          %ne3A_315 = arith.cmpi ne, %add3A_188, %add3A_206 : i32
          %or3A_316 = arith.constant false
          %or3A_317 = arith.ori %or3A_316, %ne3A_315 : i1
          %or3A_318 = arith.constant false
          %or3A_319 = arith.ori %or3A_317, %or3A_318 : i1
          %or3A_320 = arith.ori %or3A_319, %eq3A_187 : i1
          %add3A_321 = arith.constant 1 : i32
          %add3A_322 = arith.addi %while3A_177, %add3A_321 : i32
          %select_n3A_323 = arith.select %or3A_320, %add3A_322, %while3A_177 : i32
          %ne3A_324 = arith.cmpi ne, %add3A_188, %add3A_206 : i32
          %or3A_325 = arith.constant false
          %or3A_326 = arith.ori %or3A_325, %ne3A_324 : i1
          %or3A_327 = arith.ori %or3A_326, %eq3A_187 : i1
          %add3A_328 = arith.constant 1 : i32
          %add3A_329 = arith.addi %while3A_179, %add3A_328 : i32
          %select_n3A_330 = arith.select %or3A_327, %add3A_329, %while3A_179 : i32
          %add3A_331 = arith.constant 1 : i32
          %add3A_332 = arith.addi %while3A_180, %add3A_331 : i32
          %select_n3A_333 = arith.constant true
          %select_n3A_334 = arith.select %select_n3A_333, %add3A_332, %while3A_180 : i32
          %eq3A_335 = arith.cmpi eq, %select_n3A_334, %select_n3A : i32
          %select_n3A_336 = arith.constant 0 : i32
          %select_n3A_337 = arith.select %eq3A_335, %select_n3A_336, %select_n3A_334 : i32
          scf.yield %select_n3A_230, %select_n3A_323, %select_n3A_249, %select_n3A_330, %select_n3A_337 : i32, i32, i32, i32, i32
        }
        %sub3A_124 = arith.constant 1 : i32
        %sub3A_125 = arith.subi %while3A_123#4, %sub3A_124 : i32
        %select_n3A_126 = arith.constant true
        %select_n3A_127 = arith.select %select_n3A_126, %sub3A_125, %while3A_123#4 : i32
        %eq3A_128 = arith.constant -1 : i32
        %eq3A_129 = arith.cmpi eq, %select_n3A_127, %eq3A_128 : i32
        %sub3A_130 = arith.constant 1 : i32
        %sub3A_131 = arith.subi %select_n3A, %sub3A_130 : i32
        %select_n3A_132 = arith.select %eq3A_129, %sub3A_131, %select_n3A_127 : i32
        %sub3A_133 = arith.constant 1 : i32
        %sub3A_134 = arith.subi %mul3A_20, %sub3A_133 : i32
        %mul3A_135 = arith.constant 1 : i32
        %mul3A_136 = arith.muli %mul3A_135, %select_n3A : i32
        %eq3A_137 = arith.constant 0 : i32
        %eq3A_138 = arith.cmpi eq, %sub3A_134, %eq3A_137 : i32
        %sub3A_139 = arith.constant 1 : i32
        %sub3A_140 = arith.subi %mul3A_136, %sub3A_139 : i32
        %eq3A_141 = arith.cmpi eq, %sub3A_134, %sub3A_140 : i32
        %add3A_142 = arith.addi %select_n3A_132, %select_n3A_18 : i32
        %sub3A_143 = arith.constant 1 : i32
        %sub3A_144 = arith.subi %select_n3A_132, %sub3A_143 : i32
        %select_n3A_145 = arith.constant true
        %select_n3A_146 = arith.select %select_n3A_145, %sub3A_144, %select_n3A_132 : i32
        %eq3A_147 = arith.constant -1 : i32
        %eq3A_148 = arith.cmpi eq, %select_n3A_146, %eq3A_147 : i32
        %sub3A_149 = arith.constant 1 : i32
        %sub3A_150 = arith.subi %select_n3A, %sub3A_149 : i32
        %select_n3A_151 = arith.select %eq3A_148, %sub3A_150, %select_n3A_146 : i32
        %add3A_152 = arith.addi %select_n3A_151, %select_n3A_18 : i32
        %add3A_153 = arith.constant 1 : i32
        %add3A_154 = arith.addi %select_n3A_132, %add3A_153 : i32
        %select_n3A_155 = arith.constant true
        %select_n3A_156 = arith.select %select_n3A_155, %add3A_154, %select_n3A_132 : i32
        %eq3A_157 = arith.cmpi eq, %select_n3A_156, %select_n3A : i32
        %select_n3A_158 = arith.constant 0 : i32
        %select_n3A_159 = arith.select %eq3A_157, %select_n3A_158, %select_n3A_156 : i32
        %add3A_160 = arith.addi %select_n3A_159, %select_n3A_18 : i32
        %add3A_161 = arith.constant 1 : i32
        %add3A_162 = arith.addi %select_n3A_159, %add3A_161 : i32
        %select_n3A_163 = arith.constant true
        %select_n3A_164 = arith.select %select_n3A_163, %add3A_162, %select_n3A_159 : i32
        %eq3A_165 = arith.cmpi eq, %select_n3A_164, %select_n3A : i32
        %select_n3A_166 = arith.constant 0 : i32
        %select_n3A_167 = arith.select %eq3A_165, %select_n3A_166, %select_n3A_164 : i32
        %add3A_168 = arith.addi %select_n3A_167, %select_n3A_18 : i32
        %convert_element_type3A_169 = arith.extui %eq3A_141 : i1 to i32
        %cond3A_170 = arith.constant 0 : i32
        %cond3A_171 = arith.cmpi ne, %convert_element_type3A_169, %cond3A_170 : i32
        scf.if %cond3A_171 {
        } else {
        }
        %convert_element_type3A_172 = arith.extui %eq3A_141 : i1 to i32
        %cond3A_173 = arith.constant 0 : i32
        %cond3A_174 = arith.cmpi ne, %convert_element_type3A_172, %cond3A_173 : i32
        scf.if %cond3A_174 {
        } else {
        }
      } else {
      }
      tpu.yield
    }) : () -> ()
    %barrier3A_21 = arith.constant 0 : index
    tpu.barrier barrier_id(%barrier3A_21)
    %mul3A_22 = arith.constant 640 : i32
    %mul3A_23 = arith.muli %arg1, %mul3A_22 : i32
    %mul3A_24 = arith.constant 640 : i32
    %mul3A_25 = arith.muli %arg1, %mul3A_24 : i32
    "tpu.region"() ({
      %run_scoped3A = tpu.sem_alloc : memref<!tpu.dma_semaphore, #tpu.memory_space<semaphore_mem>>
      %dma_start3A = arith.constant 0 : i32
      %dma_start3A_26 = tpu.memref_slice %arg5[%arg0, %mul3A_25, %dma_start3A] : memref<2x10240x128xf32, #tpu.memory_space<hbm>> -> memref<1x640x128xf32, #tpu.memory_space<hbm>>
      %dma_start3A_27 = tpu.memref_squeeze %dma_start3A_26 : memref<1x640x128xf32, #tpu.memory_space<hbm>> -> memref<640x128xf32, #tpu.memory_space<hbm>>
      %dma_start3A_28 = arith.constant 0 : i32
      %dma_start3A_29 = tpu.memref_slice %arg6[%mul3A_23, %dma_start3A_28] : memref<10240x128xf32, #tpu.memory_space<vmem_shared>> -> memref<640x128xf32, #tpu.memory_space<vmem_shared>>
      tpu.enqueue_dma source(%dma_start3A_29 : memref<640x128xf32, #tpu.memory_space<vmem_shared>>) target(%dma_start3A_27 : memref<640x128xf32, #tpu.memory_space<hbm>>) target_semaphore(%run_scoped3A : memref<!tpu.dma_semaphore, #tpu.memory_space<semaphore_mem>>)
      %dma_wait3A = arith.constant 0 : i32
      %dma_wait3A_30 = tpu.memref_slice %arg5[%arg0, %mul3A_25, %dma_wait3A] : memref<2x10240x128xf32, #tpu.memory_space<hbm>> -> memref<1x640x128xf32, #tpu.memory_space<hbm>>
      %dma_wait3A_31 = tpu.memref_squeeze %dma_wait3A_30 : memref<1x640x128xf32, #tpu.memory_space<hbm>> -> memref<640x128xf32, #tpu.memory_space<hbm>>
      %dma_wait3A_32 = arith.constant 0 : i32
      %dma_wait3A_33 = tpu.memref_slice %arg6[%mul3A_23, %dma_wait3A_32] : memref<10240x128xf32, #tpu.memory_space<vmem_shared>> -> memref<640x128xf32, #tpu.memory_space<vmem_shared>>
      tpu.wait_dma2 semaphore(%run_scoped3A : memref<!tpu.dma_semaphore, #tpu.memory_space<semaphore_mem>>) src(%dma_wait3A_33 : memref<640x128xf32, #tpu.memory_space<vmem_shared>>) dst(%dma_wait3A_31 : memref<640x128xf32, #tpu.memory_space<hbm>>)
      tpu.yield
    }) : () -> ()
    return
  }
}

#map = affine_map<(d0, d1) -> (0, 0)>
module attributes {stable_mosaic.version = 14 : i64} {
  func.func @k(%arg0: i32, %arg1: i32, %arg2: memref<10000x128xi32, #tpu.memory_space<hbm>>, %arg3: memref<1x160128xi32, #tpu.memory_space<hbm>>, %arg4: memref<1x160128xi32, #tpu.memory_space<hbm>>, %arg5: memref<160000x128xi32, #tpu.memory_space<hbm>>, %arg6: memref<5120xi32, #tpu.memory_space<vmem>>, %arg7: memref<5120xi32, #tpu.memory_space<vmem>>, %arg8: memref<2x128x128xi32, #tpu.memory_space<vmem>>, %arg9: memref<2x128x128xi32, #tpu.memory_space<vmem>>, %arg10: memref<!tpu.dma_semaphore, #tpu.memory_space<semaphore_mem>>, %arg11: memref<!tpu.dma_semaphore, #tpu.memory_space<semaphore_mem>>, %arg12: memref<!tpu.dma_semaphore, #tpu.memory_space<semaphore_mem>>) attributes {dimension_semantics = [#tpu.dimension_semantics<core_parallel>, #tpu.dimension_semantics<subcore_parallel>], iteration_bounds = array<i64: 2, 16>, scalar_prefetch = 0 : i64, scratch_operands = 7 : i64, tpu.core_type = #tpu.core_type<sc_vector_subcore>, window_params = [{transform_indices = #map}, {transform_indices = #map}, {transform_indices = #map}, {transform_indices = #map}]} {
    %mul3A = arith.constant 2 : i32
    %mul3A_0 = arith.muli %arg1, %mul3A : i32
    %add3A = arith.addi %mul3A_0, %arg0 : i32
    %lt3A = arith.constant 2 : i32
    %lt3A_1 = arith.cmpi slt, %add3A, %lt3A : i32
    %jit3A = arith.constant 1 : i32
    %jit3A_2 = arith.constant 0 : i32
    %select_n3A = arith.select %lt3A_1, %jit3A, %jit3A_2 : i32
    %add3A_3 = arith.constant 39 : i32
    %add3A_4 = arith.addi %add3A_3, %select_n3A : i32
    %mul3A_5 = arith.constant 39 : i32
    %mul3A_6 = arith.muli %add3A, %mul3A_5 : i32
    %min3A = arith.constant 2 : i32
    %min3A_7 = arith.minsi %add3A, %min3A : i32
    %add3A_8 = arith.addi %mul3A_6, %min3A_7 : i32
    %mul3A_9 = arith.constant 128 : i32
    %mul3A_10 = arith.muli %add3A_8, %mul3A_9 : i32
    %run_scoped3A = arith.constant 0 : i32
    "tpu.region"() ({
      %run_scoped3A_23 = tpu.sem_alloc : memref<!tpu.dma_semaphore, #tpu.memory_space<semaphore_mem>>
      %dma_start3A = tpu.memref_slice %arg3[%run_scoped3A, %mul3A_10] : memref<1x160128xi32, #tpu.memory_space<hbm>> -> memref<1x5120xi32, #tpu.memory_space<hbm>>
      %dma_start3A_24 = tpu.memref_squeeze %dma_start3A : memref<1x5120xi32, #tpu.memory_space<hbm>> -> memref<5120xi32, #tpu.memory_space<hbm>>
      %dma_start3A_25 = tpu.memref_slice %arg3[%run_scoped3A, %mul3A_10] : memref<1x160128xi32, #tpu.memory_space<hbm>> -> memref<1x5120xi32, #tpu.memory_space<hbm>>
      %dma_start3A_26 = tpu.memref_squeeze %dma_start3A_25 : memref<1x5120xi32, #tpu.memory_space<hbm>> -> memref<5120xi32, #tpu.memory_space<hbm>>
      tpu.enqueue_dma source(%dma_start3A_26 : memref<5120xi32, #tpu.memory_space<hbm>>) target(%arg6 : memref<5120xi32, #tpu.memory_space<vmem>>) target_semaphore(%run_scoped3A_23 : memref<!tpu.dma_semaphore, #tpu.memory_space<semaphore_mem>>)
      %dma_wait3A = tpu.memref_slice %arg3[%run_scoped3A, %mul3A_10] : memref<1x160128xi32, #tpu.memory_space<hbm>> -> memref<1x5120xi32, #tpu.memory_space<hbm>>
      %dma_wait3A_27 = tpu.memref_squeeze %dma_wait3A : memref<1x5120xi32, #tpu.memory_space<hbm>> -> memref<5120xi32, #tpu.memory_space<hbm>>
      %dma_wait3A_28 = tpu.memref_slice %arg3[%run_scoped3A, %mul3A_10] : memref<1x160128xi32, #tpu.memory_space<hbm>> -> memref<1x5120xi32, #tpu.memory_space<hbm>>
      %dma_wait3A_29 = tpu.memref_squeeze %dma_wait3A_28 : memref<1x5120xi32, #tpu.memory_space<hbm>> -> memref<5120xi32, #tpu.memory_space<hbm>>
      tpu.wait_dma2 semaphore(%run_scoped3A_23 : memref<!tpu.dma_semaphore, #tpu.memory_space<semaphore_mem>>) src(%dma_wait3A_29 : memref<5120xi32, #tpu.memory_space<hbm>>) dst(%arg6 : memref<5120xi32, #tpu.memory_space<vmem>>)
      tpu.yield
    }) : () -> ()
    %run_scoped3A_11 = arith.constant 0 : i32
    "tpu.region"() ({
      %run_scoped3A_23 = tpu.sem_alloc : memref<!tpu.dma_semaphore, #tpu.memory_space<semaphore_mem>>
      %dma_start3A = tpu.memref_slice %arg4[%run_scoped3A_11, %mul3A_10] : memref<1x160128xi32, #tpu.memory_space<hbm>> -> memref<1x5120xi32, #tpu.memory_space<hbm>>
      %dma_start3A_24 = tpu.memref_squeeze %dma_start3A : memref<1x5120xi32, #tpu.memory_space<hbm>> -> memref<5120xi32, #tpu.memory_space<hbm>>
      %dma_start3A_25 = tpu.memref_slice %arg4[%run_scoped3A_11, %mul3A_10] : memref<1x160128xi32, #tpu.memory_space<hbm>> -> memref<1x5120xi32, #tpu.memory_space<hbm>>
      %dma_start3A_26 = tpu.memref_squeeze %dma_start3A_25 : memref<1x5120xi32, #tpu.memory_space<hbm>> -> memref<5120xi32, #tpu.memory_space<hbm>>
      tpu.enqueue_dma source(%dma_start3A_26 : memref<5120xi32, #tpu.memory_space<hbm>>) target(%arg7 : memref<5120xi32, #tpu.memory_space<vmem>>) target_semaphore(%run_scoped3A_23 : memref<!tpu.dma_semaphore, #tpu.memory_space<semaphore_mem>>)
      %dma_wait3A = tpu.memref_slice %arg4[%run_scoped3A_11, %mul3A_10] : memref<1x160128xi32, #tpu.memory_space<hbm>> -> memref<1x5120xi32, #tpu.memory_space<hbm>>
      %dma_wait3A_27 = tpu.memref_squeeze %dma_wait3A : memref<1x5120xi32, #tpu.memory_space<hbm>> -> memref<5120xi32, #tpu.memory_space<hbm>>
      %dma_wait3A_28 = tpu.memref_slice %arg4[%run_scoped3A_11, %mul3A_10] : memref<1x160128xi32, #tpu.memory_space<hbm>> -> memref<1x5120xi32, #tpu.memory_space<hbm>>
      %dma_wait3A_29 = tpu.memref_squeeze %dma_wait3A_28 : memref<1x5120xi32, #tpu.memory_space<hbm>> -> memref<5120xi32, #tpu.memory_space<hbm>>
      tpu.wait_dma2 semaphore(%run_scoped3A_23 : memref<!tpu.dma_semaphore, #tpu.memory_space<semaphore_mem>>) src(%dma_wait3A_29 : memref<5120xi32, #tpu.memory_space<hbm>>) dst(%arg7 : memref<5120xi32, #tpu.memory_space<vmem>>)
      tpu.yield
    }) : () -> ()
    %gt3A = arith.constant 0 : i32
    %gt3A_12 = arith.cmpi sgt, %add3A_4, %gt3A : i32
    %convert_element_type3A = arith.extui %gt3A_12 : i1 to i32
    %cond3A = arith.constant 0 : i32
    %cond3A_13 = arith.cmpi ne, %convert_element_type3A, %cond3A : i32
    scf.if %cond3A_13 {
      %dma_start3A = arith.constant 0 : i32
      %dma_start3A_23 = arith.constant 0 : i32
      %dma_start3A_24 = arith.constant 0 : i32
      %dma_start3A_25 = tpu.memref_slice %arg8[%dma_start3A, %dma_start3A_23, %dma_start3A_24] : memref<2x128x128xi32, #tpu.memory_space<vmem>> -> memref<1x128x128xi32, #tpu.memory_space<vmem>>
      %dma_start3A_26 = tpu.memref_squeeze %dma_start3A_25 : memref<1x128x128xi32, #tpu.memory_space<vmem>> -> memref<128x128xi32, #tpu.memory_space<vmem>>
      %dma_start3A_27 = arith.constant 0 : i32
      %dma_start3A_28 = tpu.memref_slice %arg6[%dma_start3A_27] : memref<5120xi32, #tpu.memory_space<vmem>> -> memref<128xi32, #tpu.memory_space<vmem>>
      %dma_start3A_29 = arith.constant 0 : i32
      %dma_start3A_30 = arith.constant 0 : i32
      %dma_start3A_31 = tpu.memref_slice %arg2[%dma_start3A_29, %dma_start3A_30] : memref<10000x128xi32, #tpu.memory_space<hbm>> -> memref<10000x128xi32, #tpu.memory_space<hbm>>
      tpu.enqueue_indirect_dma source(%dma_start3A_31 : memref<10000x128xi32, #tpu.memory_space<hbm>>) target(%dma_start3A_26 : memref<128x128xi32, #tpu.memory_space<vmem>>) offsets(%dma_start3A_28 : memref<128xi32, #tpu.memory_space<vmem>>) semaphore(%arg10 : memref<!tpu.dma_semaphore, #tpu.memory_space<semaphore_mem>>)
      %dma_start3A_32 = arith.constant 0 : i32
      %dma_start3A_33 = arith.constant 0 : i32
      %dma_start3A_34 = arith.constant 0 : i32
      %dma_start3A_35 = tpu.memref_slice %arg9[%dma_start3A_32, %dma_start3A_33, %dma_start3A_34] : memref<2x128x128xi32, #tpu.memory_space<vmem>> -> memref<1x128x128xi32, #tpu.memory_space<vmem>>
      %dma_start3A_36 = tpu.memref_squeeze %dma_start3A_35 : memref<1x128x128xi32, #tpu.memory_space<vmem>> -> memref<128x128xi32, #tpu.memory_space<vmem>>
      %dma_start3A_37 = arith.constant 0 : i32
      %dma_start3A_38 = tpu.memref_slice %arg7[%dma_start3A_37] : memref<5120xi32, #tpu.memory_space<vmem>> -> memref<128xi32, #tpu.memory_space<vmem>>
      %dma_start3A_39 = arith.constant 0 : i32
      %dma_start3A_40 = arith.constant 0 : i32
      %dma_start3A_41 = tpu.memref_slice %arg2[%dma_start3A_39, %dma_start3A_40] : memref<10000x128xi32, #tpu.memory_space<hbm>> -> memref<10000x128xi32, #tpu.memory_space<hbm>>
      tpu.enqueue_indirect_dma source(%dma_start3A_41 : memref<10000x128xi32, #tpu.memory_space<hbm>>) target(%dma_start3A_36 : memref<128x128xi32, #tpu.memory_space<vmem>>) offsets(%dma_start3A_38 : memref<128xi32, #tpu.memory_space<vmem>>) semaphore(%arg11 : memref<!tpu.dma_semaphore, #tpu.memory_space<semaphore_mem>>)
    } else {
    }
    %gt3A_14 = arith.constant 1 : i32
    %gt3A_15 = arith.cmpi sgt, %add3A_4, %gt3A_14 : i32
    %convert_element_type3A_16 = arith.extui %gt3A_15 : i1 to i32
    %cond3A_17 = arith.constant 0 : i32
    %cond3A_18 = arith.cmpi ne, %convert_element_type3A_16, %cond3A_17 : i32
    scf.if %cond3A_18 {
      %dma_start3A = arith.constant 1 : i32
      %dma_start3A_23 = arith.constant 0 : i32
      %dma_start3A_24 = arith.constant 0 : i32
      %dma_start3A_25 = tpu.memref_slice %arg8[%dma_start3A, %dma_start3A_23, %dma_start3A_24] : memref<2x128x128xi32, #tpu.memory_space<vmem>> -> memref<1x128x128xi32, #tpu.memory_space<vmem>>
      %dma_start3A_26 = tpu.memref_squeeze %dma_start3A_25 : memref<1x128x128xi32, #tpu.memory_space<vmem>> -> memref<128x128xi32, #tpu.memory_space<vmem>>
      %dma_start3A_27 = arith.constant 128 : i32
      %dma_start3A_28 = tpu.memref_slice %arg6[%dma_start3A_27] : memref<5120xi32, #tpu.memory_space<vmem>> -> memref<128xi32, #tpu.memory_space<vmem>>
      %dma_start3A_29 = arith.constant 0 : i32
      %dma_start3A_30 = arith.constant 0 : i32
      %dma_start3A_31 = tpu.memref_slice %arg2[%dma_start3A_29, %dma_start3A_30] : memref<10000x128xi32, #tpu.memory_space<hbm>> -> memref<10000x128xi32, #tpu.memory_space<hbm>>
      tpu.enqueue_indirect_dma source(%dma_start3A_31 : memref<10000x128xi32, #tpu.memory_space<hbm>>) target(%dma_start3A_26 : memref<128x128xi32, #tpu.memory_space<vmem>>) offsets(%dma_start3A_28 : memref<128xi32, #tpu.memory_space<vmem>>) semaphore(%arg10 : memref<!tpu.dma_semaphore, #tpu.memory_space<semaphore_mem>>)
      %dma_start3A_32 = arith.constant 1 : i32
      %dma_start3A_33 = arith.constant 0 : i32
      %dma_start3A_34 = arith.constant 0 : i32
      %dma_start3A_35 = tpu.memref_slice %arg9[%dma_start3A_32, %dma_start3A_33, %dma_start3A_34] : memref<2x128x128xi32, #tpu.memory_space<vmem>> -> memref<1x128x128xi32, #tpu.memory_space<vmem>>
      %dma_start3A_36 = tpu.memref_squeeze %dma_start3A_35 : memref<1x128x128xi32, #tpu.memory_space<vmem>> -> memref<128x128xi32, #tpu.memory_space<vmem>>
      %dma_start3A_37 = arith.constant 128 : i32
      %dma_start3A_38 = tpu.memref_slice %arg7[%dma_start3A_37] : memref<5120xi32, #tpu.memory_space<vmem>> -> memref<128xi32, #tpu.memory_space<vmem>>
      %dma_start3A_39 = arith.constant 0 : i32
      %dma_start3A_40 = arith.constant 0 : i32
      %dma_start3A_41 = tpu.memref_slice %arg2[%dma_start3A_39, %dma_start3A_40] : memref<10000x128xi32, #tpu.memory_space<hbm>> -> memref<10000x128xi32, #tpu.memory_space<hbm>>
      tpu.enqueue_indirect_dma source(%dma_start3A_41 : memref<10000x128xi32, #tpu.memory_space<hbm>>) target(%dma_start3A_36 : memref<128x128xi32, #tpu.memory_space<vmem>>) offsets(%dma_start3A_38 : memref<128xi32, #tpu.memory_space<vmem>>) semaphore(%arg11 : memref<!tpu.dma_semaphore, #tpu.memory_space<semaphore_mem>>)
    } else {
    }
    %scan3A = arith.constant 0 : i32
    %scan3A_19 = arith.constant 40 : i32
    %scan3A_20 = arith.addi %scan3A, %scan3A_19 : i32
    %scan3A_21 = arith.constant 1 : i32
    scf.for %scan3A_23 = %scan3A to %scan3A_20 step %scan3A_21  : i32 {
      %mul3A_24 = arith.constant 1 : i32
      %mul3A_25 = arith.muli %scan3A_23, %mul3A_24 : i32
      %add3A_26 = arith.constant 0 : i32
      %add3A_27 = arith.addi %add3A_26, %mul3A_25 : i32
      %rem3A = arith.constant 2 : i32
      %rem3A_28 = arith.remsi %add3A_27, %rem3A : i32
      %lt3A_29 = arith.cmpi slt, %add3A_27, %add3A_4 : i32
      %convert_element_type3A_30 = arith.extui %lt3A_29 : i1 to i32
      %cond3A_31 = arith.constant 0 : i32
      %cond3A_32 = arith.cmpi ne, %convert_element_type3A_30, %cond3A_31 : i32
      scf.if %cond3A_32 {
        %mul3A_33 = arith.constant 128 : i32
        %mul3A_34 = arith.muli %add3A_27, %mul3A_33 : i32
        %mul3A_35 = arith.constant 128 : i32
        %mul3A_36 = arith.muli %add3A_27, %mul3A_35 : i32
        %dma_wait3A = arith.constant 0 : i32
        %dma_wait3A_37 = arith.constant 0 : i32
        %dma_wait3A_38 = tpu.memref_slice %arg8[%rem3A_28, %dma_wait3A, %dma_wait3A_37] : memref<2x128x128xi32, #tpu.memory_space<vmem>> -> memref<1x128x128xi32, #tpu.memory_space<vmem>>
        %dma_wait3A_39 = tpu.memref_squeeze %dma_wait3A_38 : memref<1x128x128xi32, #tpu.memory_space<vmem>> -> memref<128x128xi32, #tpu.memory_space<vmem>>
        %dma_wait3A_40 = tpu.memref_slice %arg6[%mul3A_34] : memref<5120xi32, #tpu.memory_space<vmem>> -> memref<128xi32, #tpu.memory_space<vmem>>
        %dma_wait3A_41 = arith.constant 0 : i32
        %dma_wait3A_42 = arith.constant 0 : i32
        %dma_wait3A_43 = tpu.memref_slice %arg2[%dma_wait3A_41, %dma_wait3A_42] : memref<10000x128xi32, #tpu.memory_space<hbm>> -> memref<10000x128xi32, #tpu.memory_space<hbm>>
        tpu.wait_indirect_dma semaphore(%arg10 : memref<!tpu.dma_semaphore, #tpu.memory_space<semaphore_mem>>) src(%dma_wait3A_43 : memref<10000x128xi32, #tpu.memory_space<hbm>>) dst(%dma_wait3A_39 : memref<128x128xi32, #tpu.memory_space<vmem>>)
        %dma_wait3A_44 = arith.constant 0 : i32
        %dma_wait3A_45 = arith.constant 0 : i32
        %dma_wait3A_46 = tpu.memref_slice %arg9[%rem3A_28, %dma_wait3A_44, %dma_wait3A_45] : memref<2x128x128xi32, #tpu.memory_space<vmem>> -> memref<1x128x128xi32, #tpu.memory_space<vmem>>
        %dma_wait3A_47 = tpu.memref_squeeze %dma_wait3A_46 : memref<1x128x128xi32, #tpu.memory_space<vmem>> -> memref<128x128xi32, #tpu.memory_space<vmem>>
        %dma_wait3A_48 = tpu.memref_slice %arg7[%mul3A_36] : memref<5120xi32, #tpu.memory_space<vmem>> -> memref<128xi32, #tpu.memory_space<vmem>>
        %dma_wait3A_49 = arith.constant 0 : i32
        %dma_wait3A_50 = arith.constant 0 : i32
        %dma_wait3A_51 = tpu.memref_slice %arg2[%dma_wait3A_49, %dma_wait3A_50] : memref<10000x128xi32, #tpu.memory_space<hbm>> -> memref<10000x128xi32, #tpu.memory_space<hbm>>
        tpu.wait_indirect_dma semaphore(%arg11 : memref<!tpu.dma_semaphore, #tpu.memory_space<semaphore_mem>>) src(%dma_wait3A_51 : memref<10000x128xi32, #tpu.memory_space<hbm>>) dst(%dma_wait3A_47 : memref<128x128xi32, #tpu.memory_space<vmem>>)
        %scan3A_52 = arith.constant 0 : i32
        %scan3A_53 = arith.constant 128 : i32
        %scan3A_54 = arith.addi %scan3A_52, %scan3A_53 : i32
        %scan3A_55 = arith.constant 1 : i32
        scf.for %scan3A_89 = %scan3A_52 to %scan3A_54 step %scan3A_55  : i32 {
          %mul3A_90 = arith.constant 1 : i32
          %mul3A_91 = arith.muli %scan3A_89, %mul3A_90 : i32
          %add3A_92 = arith.constant 0 : i32
          %add3A_93 = arith.addi %add3A_92, %mul3A_91 : i32
          %get3A = arith.index_cast %rem3A_28 : i32 to index
          %get3A_94 = arith.index_cast %add3A_93 : i32 to index
          %get3A_95 = arith.constant 64 : index
          %get3A_96 = tpu.vector_load %arg9[%get3A, %get3A_94, %get3A_95] {strides = array<i32>} : memref<2x128x128xi32, #tpu.memory_space<vmem>>, vector<1x1x16xi32>,
          %get3A_97 = vector.shape_cast %get3A_96 : vector<1x1x16xi32> to vector<16xi32>
          %swap3A = arith.index_cast %rem3A_28 : i32 to index
          %swap3A_98 = arith.index_cast %add3A_93 : i32 to index
          %swap3A_99 = arith.constant 64 : index
          %swap3A_100 = tpu.vector_load %arg8[%swap3A, %swap3A_98, %swap3A_99] {strides = array<i32>} : memref<2x128x128xi32, #tpu.memory_space<vmem>>, vector<1x1x16xi32>,
          %swap3A_101 = vector.shape_cast %swap3A_100 : vector<1x1x16xi32> to vector<16xi32>
          %swap3A_102 = vector.shape_cast %get3A_97 : vector<16xi32> to vector<1x1x16xi32>
          tpu.vector_store %arg8[%swap3A, %swap3A_98, %swap3A_99], %swap3A_102 {strides = array<i32>} : memref<2x128x128xi32, #tpu.memory_space<vmem>>, vector<1x1x16xi32>,
          %get3A_103 = arith.index_cast %rem3A_28 : i32 to index
          %get3A_104 = arith.index_cast %add3A_93 : i32 to index
          %get3A_105 = arith.constant 80 : index
          %get3A_106 = tpu.vector_load %arg9[%get3A_103, %get3A_104, %get3A_105] {strides = array<i32>} : memref<2x128x128xi32, #tpu.memory_space<vmem>>, vector<1x1x16xi32>,
          %get3A_107 = vector.shape_cast %get3A_106 : vector<1x1x16xi32> to vector<16xi32>
          %swap3A_108 = arith.index_cast %rem3A_28 : i32 to index
          %swap3A_109 = arith.index_cast %add3A_93 : i32 to index
          %swap3A_110 = arith.constant 80 : index
          %swap3A_111 = tpu.vector_load %arg8[%swap3A_108, %swap3A_109, %swap3A_110] {strides = array<i32>} : memref<2x128x128xi32, #tpu.memory_space<vmem>>, vector<1x1x16xi32>,
          %swap3A_112 = vector.shape_cast %swap3A_111 : vector<1x1x16xi32> to vector<16xi32>
          %swap3A_113 = vector.shape_cast %get3A_107 : vector<16xi32> to vector<1x1x16xi32>
          tpu.vector_store %arg8[%swap3A_108, %swap3A_109, %swap3A_110], %swap3A_113 {strides = array<i32>} : memref<2x128x128xi32, #tpu.memory_space<vmem>>, vector<1x1x16xi32>,
          %get3A_114 = arith.index_cast %rem3A_28 : i32 to index
          %get3A_115 = arith.index_cast %add3A_93 : i32 to index
          %get3A_116 = arith.constant 96 : index
          %get3A_117 = tpu.vector_load %arg9[%get3A_114, %get3A_115, %get3A_116] {strides = array<i32>} : memref<2x128x128xi32, #tpu.memory_space<vmem>>, vector<1x1x16xi32>,
          %get3A_118 = vector.shape_cast %get3A_117 : vector<1x1x16xi32> to vector<16xi32>
          %swap3A_119 = arith.index_cast %rem3A_28 : i32 to index
          %swap3A_120 = arith.index_cast %add3A_93 : i32 to index
          %swap3A_121 = arith.constant 96 : index
          %swap3A_122 = tpu.vector_load %arg8[%swap3A_119, %swap3A_120, %swap3A_121] {strides = array<i32>} : memref<2x128x128xi32, #tpu.memory_space<vmem>>, vector<1x1x16xi32>,
          %swap3A_123 = vector.shape_cast %swap3A_122 : vector<1x1x16xi32> to vector<16xi32>
          %swap3A_124 = vector.shape_cast %get3A_118 : vector<16xi32> to vector<1x1x16xi32>
          tpu.vector_store %arg8[%swap3A_119, %swap3A_120, %swap3A_121], %swap3A_124 {strides = array<i32>} : memref<2x128x128xi32, #tpu.memory_space<vmem>>, vector<1x1x16xi32>,
          %get3A_125 = arith.index_cast %rem3A_28 : i32 to index
          %get3A_126 = arith.index_cast %add3A_93 : i32 to index
          %get3A_127 = arith.constant 112 : index
          %get3A_128 = tpu.vector_load %arg9[%get3A_125, %get3A_126, %get3A_127] {strides = array<i32>} : memref<2x128x128xi32, #tpu.memory_space<vmem>>, vector<1x1x16xi32>,
          %get3A_129 = vector.shape_cast %get3A_128 : vector<1x1x16xi32> to vector<16xi32>
          %swap3A_130 = arith.index_cast %rem3A_28 : i32 to index
          %swap3A_131 = arith.index_cast %add3A_93 : i32 to index
          %swap3A_132 = arith.constant 112 : index
          %swap3A_133 = tpu.vector_load %arg8[%swap3A_130, %swap3A_131, %swap3A_132] {strides = array<i32>} : memref<2x128x128xi32, #tpu.memory_space<vmem>>, vector<1x1x16xi32>,
          %swap3A_134 = vector.shape_cast %swap3A_133 : vector<1x1x16xi32> to vector<16xi32>
          %swap3A_135 = vector.shape_cast %get3A_129 : vector<16xi32> to vector<1x1x16xi32>
          tpu.vector_store %arg8[%swap3A_130, %swap3A_131, %swap3A_132], %swap3A_135 {strides = array<i32>} : memref<2x128x128xi32, #tpu.memory_space<vmem>>, vector<1x1x16xi32>,
        }
        %scan3A_56 = arith.constant 128 : i32
        %mul3A_57 = arith.constant 128 : i32
        %mul3A_58 = arith.muli %add3A_27, %mul3A_57 : i32
        %add3A_59 = arith.addi %mul3A_10, %mul3A_58 : i32
        %dma_start3A = arith.constant 0 : i32
        %dma_start3A_60 = arith.constant 0 : i32
        %dma_start3A_61 = tpu.memref_slice %arg8[%rem3A_28, %dma_start3A, %dma_start3A_60] : memref<2x128x128xi32, #tpu.memory_space<vmem>> -> memref<1x128x128xi32, #tpu.memory_space<vmem>>
        %dma_start3A_62 = tpu.memref_squeeze %dma_start3A_61 : memref<1x128x128xi32, #tpu.memory_space<vmem>> -> memref<128x128xi32, #tpu.memory_space<vmem>>
        %dma_start3A_63 = arith.constant 0 : i32
        %dma_start3A_64 = tpu.memref_slice %arg5[%add3A_59, %dma_start3A_63] : memref<160000x128xi32, #tpu.memory_space<hbm>> -> memref<128x128xi32, #tpu.memory_space<hbm>>
        %dma_start3A_65 = arith.constant 0 : i32
        %dma_start3A_66 = tpu.memref_slice %arg5[%add3A_59, %dma_start3A_65] : memref<160000x128xi32, #tpu.memory_space<hbm>> -> memref<128x128xi32, #tpu.memory_space<hbm>>
        %dma_start3A_67 = arith.constant 0 : i32
        %dma_start3A_68 = arith.constant 0 : i32
        %dma_start3A_69 = tpu.memref_slice %arg8[%rem3A_28, %dma_start3A_67, %dma_start3A_68] : memref<2x128x128xi32, #tpu.memory_space<vmem>> -> memref<1x128x128xi32, #tpu.memory_space<vmem>>
        %dma_start3A_70 = tpu.memref_squeeze %dma_start3A_69 : memref<1x128x128xi32, #tpu.memory_space<vmem>> -> memref<128x128xi32, #tpu.memory_space<vmem>>
        tpu.enqueue_dma source(%dma_start3A_70 : memref<128x128xi32, #tpu.memory_space<vmem>>) target(%dma_start3A_66 : memref<128x128xi32, #tpu.memory_space<hbm>>) target_semaphore(%arg12 : memref<!tpu.dma_semaphore, #tpu.memory_space<semaphore_mem>>)
        %dma_wait3A_71 = arith.constant 0 : i32
        %dma_wait3A_72 = arith.constant 0 : i32
        %dma_wait3A_73 = tpu.memref_slice %arg8[%rem3A_28, %dma_wait3A_71, %dma_wait3A_72] : memref<2x128x128xi32, #tpu.memory_space<vmem>> -> memref<1x128x128xi32, #tpu.memory_space<vmem>>
        %dma_wait3A_74 = tpu.memref_squeeze %dma_wait3A_73 : memref<1x128x128xi32, #tpu.memory_space<vmem>> -> memref<128x128xi32, #tpu.memory_space<vmem>>
        %dma_wait3A_75 = arith.constant 0 : i32
        %dma_wait3A_76 = tpu.memref_slice %arg5[%add3A_59, %dma_wait3A_75] : memref<160000x128xi32, #tpu.memory_space<hbm>> -> memref<128x128xi32, #tpu.memory_space<hbm>>
        %dma_wait3A_77 = arith.constant 0 : i32
        %dma_wait3A_78 = tpu.memref_slice %arg5[%add3A_59, %dma_wait3A_77] : memref<160000x128xi32, #tpu.memory_space<hbm>> -> memref<128x128xi32, #tpu.memory_space<hbm>>
        %dma_wait3A_79 = arith.constant 0 : i32
        %dma_wait3A_80 = arith.constant 0 : i32
        %dma_wait3A_81 = tpu.memref_slice %arg8[%rem3A_28, %dma_wait3A_79, %dma_wait3A_80] : memref<2x128x128xi32, #tpu.memory_space<vmem>> -> memref<1x128x128xi32, #tpu.memory_space<vmem>>
        %dma_wait3A_82 = tpu.memref_squeeze %dma_wait3A_81 : memref<1x128x128xi32, #tpu.memory_space<vmem>> -> memref<128x128xi32, #tpu.memory_space<vmem>>
        tpu.wait_dma2 semaphore(%arg12 : memref<!tpu.dma_semaphore, #tpu.memory_space<semaphore_mem>>) src(%dma_wait3A_82 : memref<128x128xi32, #tpu.memory_space<vmem>>) dst(%dma_wait3A_78 : memref<128x128xi32, #tpu.memory_space<hbm>>)
        %add3A_83 = arith.constant 2 : i32
        %add3A_84 = arith.addi %add3A_27, %add3A_83 : i32
        %lt3A_85 = arith.cmpi slt, %add3A_84, %add3A_4 : i32
        %convert_element_type3A_86 = arith.extui %lt3A_85 : i1 to i32
        %cond3A_87 = arith.constant 0 : i32
        %cond3A_88 = arith.cmpi ne, %convert_element_type3A_86, %cond3A_87 : i32
        scf.if %cond3A_88 {
          %add3A_89 = arith.constant 2 : i32
          %add3A_90 = arith.addi %add3A_27, %add3A_89 : i32
          %mul3A_91 = arith.constant 128 : i32
          %mul3A_92 = arith.muli %add3A_90, %mul3A_91 : i32
          %mul3A_93 = arith.constant 128 : i32
          %mul3A_94 = arith.muli %add3A_90, %mul3A_93 : i32
          %dma_start3A_95 = arith.constant 0 : i32
          %dma_start3A_96 = arith.constant 0 : i32
          %dma_start3A_97 = tpu.memref_slice %arg8[%rem3A_28, %dma_start3A_95, %dma_start3A_96] : memref<2x128x128xi32, #tpu.memory_space<vmem>> -> memref<1x128x128xi32, #tpu.memory_space<vmem>>
          %dma_start3A_98 = tpu.memref_squeeze %dma_start3A_97 : memref<1x128x128xi32, #tpu.memory_space<vmem>> -> memref<128x128xi32, #tpu.memory_space<vmem>>
          %dma_start3A_99 = tpu.memref_slice %arg6[%mul3A_92] : memref<5120xi32, #tpu.memory_space<vmem>> -> memref<128xi32, #tpu.memory_space<vmem>>
          %dma_start3A_100 = arith.constant 0 : i32
          %dma_start3A_101 = arith.constant 0 : i32
          %dma_start3A_102 = tpu.memref_slice %arg2[%dma_start3A_100, %dma_start3A_101] : memref<10000x128xi32, #tpu.memory_space<hbm>> -> memref<10000x128xi32, #tpu.memory_space<hbm>>
          tpu.enqueue_indirect_dma source(%dma_start3A_102 : memref<10000x128xi32, #tpu.memory_space<hbm>>) target(%dma_start3A_98 : memref<128x128xi32, #tpu.memory_space<vmem>>) offsets(%dma_start3A_99 : memref<128xi32, #tpu.memory_space<vmem>>) semaphore(%arg10 : memref<!tpu.dma_semaphore, #tpu.memory_space<semaphore_mem>>)
          %dma_start3A_103 = arith.constant 0 : i32
          %dma_start3A_104 = arith.constant 0 : i32
          %dma_start3A_105 = tpu.memref_slice %arg9[%rem3A_28, %dma_start3A_103, %dma_start3A_104] : memref<2x128x128xi32, #tpu.memory_space<vmem>> -> memref<1x128x128xi32, #tpu.memory_space<vmem>>
          %dma_start3A_106 = tpu.memref_squeeze %dma_start3A_105 : memref<1x128x128xi32, #tpu.memory_space<vmem>> -> memref<128x128xi32, #tpu.memory_space<vmem>>
          %dma_start3A_107 = tpu.memref_slice %arg7[%mul3A_94] : memref<5120xi32, #tpu.memory_space<vmem>> -> memref<128xi32, #tpu.memory_space<vmem>>
          %dma_start3A_108 = arith.constant 0 : i32
          %dma_start3A_109 = arith.constant 0 : i32
          %dma_start3A_110 = tpu.memref_slice %arg2[%dma_start3A_108, %dma_start3A_109] : memref<10000x128xi32, #tpu.memory_space<hbm>> -> memref<10000x128xi32, #tpu.memory_space<hbm>>
          tpu.enqueue_indirect_dma source(%dma_start3A_110 : memref<10000x128xi32, #tpu.memory_space<hbm>>) target(%dma_start3A_106 : memref<128x128xi32, #tpu.memory_space<vmem>>) offsets(%dma_start3A_107 : memref<128xi32, #tpu.memory_space<vmem>>) semaphore(%arg11 : memref<!tpu.dma_semaphore, #tpu.memory_space<semaphore_mem>>)
        } else {
        }
      } else {
      }
    }
    %scan3A_22 = arith.constant 40 : i32
    return
  }
}

module attributes {stable_mosaic.version = 14 : i64} {
  func.func @_pre_body(%arg0: i32, %arg1: memref<2000x128xf32, #tpu.memory_space<vmem>>, %arg2: memref<128x128xf32, #tpu.memory_space<vmem>>, %arg3: memref<1x128xf32, #tpu.memory_space<vmem>>, %arg4: memref<128x128xf32, #tpu.memory_space<vmem>>, %arg5: memref<1x128xf32, #tpu.memory_space<vmem>>, %arg6: memref<2000x128xi32, #tpu.memory_space<vmem>>) attributes {dimension_semantics = [#tpu.dimension_semantics<arbitrary>], iteration_bounds = array<i64: 5>, scalar_prefetch = 0 : i64, scratch_operands = 0 : i64, tpu.core_type = #tpu.core_type<tc>, window_params = [{transform_indices = @transform_0, window_bounds = array<i64: 2000, 128>}, {pipeline_mode = #tpu.pipeline_mode<synchronous>, transform_indices = @transform_1, window_bounds = array<i64: 128, 128>}, {pipeline_mode = #tpu.pipeline_mode<synchronous>, transform_indices = @transform_2, window_bounds = array<i64: 1, 128>}, {pipeline_mode = #tpu.pipeline_mode<synchronous>, transform_indices = @transform_3, window_bounds = array<i64: 128, 128>}, {pipeline_mode = #tpu.pipeline_mode<synchronous>, transform_indices = @transform_4, window_bounds = array<i64: 1, 128>}, {transform_indices = @transform_5, window_bounds = array<i64: 2000, 128>}]} {
    %get3A = arith.constant 0 : index
    %get3A_0 = arith.constant 0 : index
    %get3A_1 = vector.load %arg1[%get3A, %get3A_0] : memref<2000x128xf32, #tpu.memory_space<vmem>>, vector<2000x128xf32>
    %convert_element_type3A = arith.truncf %get3A_1 : vector<2000x128xf32> to vector<2000x128xbf16>
    %get3A_2 = arith.constant 0 : index
    %get3A_3 = arith.constant 0 : index
    %get3A_4 = vector.load %arg2[%get3A_2, %get3A_3] : memref<128x128xf32, #tpu.memory_space<vmem>>, vector<128x128xf32>
    %dot_general3A = arith.constant dense<0.000000e+00> : vector<2000x128xf32>
    %dot_general3A_5 = tpu.matmul %convert_element_type3A, %get3A_4, %dot_general3A {dimension_numbers = #tpu.dot_dimension_numbers<[1], [0], [0], [1], [0, 0, 1, 1], [], []>, transpose_lhs_hint = false} : vector<2000x128xbf16>, vector<128x128xf32>, vector<2000x128xf32> -> vector<2000x128xf32>
    %get3A_6 = arith.constant 0 : index
    %get3A_7 = arith.constant 0 : index
    %get3A_8 = vector.load %arg3[%get3A_6, %get3A_7] : memref<1x128xf32, #tpu.memory_space<vmem>>, vector<1x128xf32>
    %add3A = vector.broadcast %get3A_8 : vector<1x128xf32> to vector<2000x128xf32>
    %add3A_9 = arith.addf %dot_general3A_5, %add3A : vector<2000x128xf32>
    %get3A_10 = arith.constant 0 : index
    %get3A_11 = arith.constant 0 : index
    %get3A_12 = vector.load %arg4[%get3A_10, %get3A_11] : memref<128x128xf32, #tpu.memory_space<vmem>>, vector<128x128xf32>
    %dot_general3A_13 = arith.constant dense<0.000000e+00> : vector<2000x128xf32>
    %dot_general3A_14 = tpu.matmul %convert_element_type3A, %get3A_12, %dot_general3A_13 {dimension_numbers = #tpu.dot_dimension_numbers<[1], [0], [0], [1], [0, 0, 1, 1], [], []>, transpose_lhs_hint = false} : vector<2000x128xbf16>, vector<128x128xf32>, vector<2000x128xf32> -> vector<2000x128xf32>
    %get3A_15 = arith.constant 0 : index
    %get3A_16 = arith.constant 0 : index
    %get3A_17 = vector.load %arg5[%get3A_15, %get3A_16] : memref<1x128xf32, #tpu.memory_space<vmem>>, vector<1x128xf32>
    %add3A_18 = vector.broadcast %get3A_17 : vector<1x128xf32> to vector<2000x128xf32>
    %add3A_19 = arith.addf %dot_general3A_14, %add3A_18 : vector<2000x128xf32>
    %slice3A = vector.extract_strided_slice %add3A_9 {offsets = [0, 0], sizes = [2000, 64], strides = [1, 1]} : vector<2000x128xf32> to vector<2000x64xf32>
    %convert_element_type3A_20 = arith.truncf %slice3A : vector<2000x64xf32> to vector<2000x64xbf16>
    %bitcast_convert_type3A = tpu.bitcast %convert_element_type3A_20 : vector<2000x64xbf16> -> vector<2000x64xi16>
    %slice3A_21 = vector.extract_strided_slice %add3A_9 {offsets = [0, 64], sizes = [2000, 64], strides = [1, 1]} : vector<2000x128xf32> to vector<2000x64xf32>
    %convert_element_type3A_22 = arith.truncf %slice3A_21 : vector<2000x64xf32> to vector<2000x64xbf16>
    %bitcast_convert_type3A_23 = tpu.bitcast %convert_element_type3A_22 : vector<2000x64xbf16> -> vector<2000x64xi16>
    %convert_element_type3A_24 = arith.extui %bitcast_convert_type3A_23 : vector<2000x64xi16> to vector<2000x64xi32>
    %shift_left3A = arith.constant 16 : i32
    %shift_left3A_25 = vector.broadcast %shift_left3A : i32 to vector<2000x64xi32>
    %shift_left3A_26 = arith.shli %convert_element_type3A_24, %shift_left3A_25 : vector<2000x64xi32>
    %convert_element_type3A_27 = arith.extui %bitcast_convert_type3A : vector<2000x64xi16> to vector<2000x64xi32>
    %or3A = arith.ori %shift_left3A_26, %convert_element_type3A_27 : vector<2000x64xi32>
    %bitcast_convert_type3A_28 = tpu.bitcast %or3A : vector<2000x64xi32> -> vector<2000x64xi32>
    %slice3A_29 = vector.extract_strided_slice %add3A_19 {offsets = [0, 0], sizes = [2000, 64], strides = [1, 1]} : vector<2000x128xf32> to vector<2000x64xf32>
    %convert_element_type3A_30 = arith.truncf %slice3A_29 : vector<2000x64xf32> to vector<2000x64xbf16>
    %bitcast_convert_type3A_31 = tpu.bitcast %convert_element_type3A_30 : vector<2000x64xbf16> -> vector<2000x64xi16>
    %slice3A_32 = vector.extract_strided_slice %add3A_19 {offsets = [0, 64], sizes = [2000, 64], strides = [1, 1]} : vector<2000x128xf32> to vector<2000x64xf32>
    %convert_element_type3A_33 = arith.truncf %slice3A_32 : vector<2000x64xf32> to vector<2000x64xbf16>
    %bitcast_convert_type3A_34 = tpu.bitcast %convert_element_type3A_33 : vector<2000x64xbf16> -> vector<2000x64xi16>
    %convert_element_type3A_35 = arith.extui %bitcast_convert_type3A_34 : vector<2000x64xi16> to vector<2000x64xi32>
    %shift_left3A_36 = arith.constant 16 : i32
    %shift_left3A_37 = vector.broadcast %shift_left3A_36 : i32 to vector<2000x64xi32>
    %shift_left3A_38 = arith.shli %convert_element_type3A_35, %shift_left3A_37 : vector<2000x64xi32>
    %convert_element_type3A_39 = arith.extui %bitcast_convert_type3A_31 : vector<2000x64xi16> to vector<2000x64xi32>
    %or3A_40 = arith.ori %shift_left3A_38, %convert_element_type3A_39 : vector<2000x64xi32>
    %bitcast_convert_type3A_41 = tpu.bitcast %or3A_40 : vector<2000x64xi32> -> vector<2000x64xi32>
    %concatenate3A = tpu.concatenate %bitcast_convert_type3A_28, %bitcast_convert_type3A_41 in 1 : vector<2000x64xi32>, vector<2000x64xi32> -> vector<2000x128xi32>
    %swap3A = arith.constant 0 : index
    %swap3A_42 = arith.constant 0 : index
    %swap3A_43 = vector.load %arg6[%swap3A, %swap3A_42] : memref<2000x128xi32, #tpu.memory_space<vmem>>, vector<2000x128xi32>
    tpu.vector_store %arg6[%swap3A, %swap3A_42], %concatenate3A {strides = array<i32>} : memref<2000x128xi32, #tpu.memory_space<vmem>>, vector<2000x128xi32>,
    return
  }
  func.func @transform_0(%arg0: i32) -> (i32, i32) {
    %c0_i32 = arith.constant 0 : i32
    %c0_i32_0 = arith.constant 0 : i32
    return %arg0, %c0_i32 : i32, i32
  }
  func.func @transform_1(%arg0: i32) -> (i32, i32) {
    %c0_i32 = arith.constant 0 : i32
    %c0_i32_0 = arith.constant 0 : i32
    %c0_i32_1 = arith.constant 0 : i32
    return %c0_i32, %c0_i32_0 : i32, i32
  }
  func.func @transform_2(%arg0: i32) -> (i32, i32) {
    %c0_i32 = arith.constant 0 : i32
    %c0_i32_0 = arith.constant 0 : i32
    %c0_i32_1 = arith.constant 0 : i32
    return %c0_i32, %c0_i32_0 : i32, i32
  }
  func.func @transform_3(%arg0: i32) -> (i32, i32) {
    %c0_i32 = arith.constant 0 : i32
    %c0_i32_0 = arith.constant 0 : i32
    %c0_i32_1 = arith.constant 0 : i32
    return %c0_i32, %c0_i32_0 : i32, i32
  }
  func.func @transform_4(%arg0: i32) -> (i32, i32) {
    %c0_i32 = arith.constant 0 : i32
    %c0_i32_0 = arith.constant 0 : i32
    %c0_i32_1 = arith.constant 0 : i32
    return %c0_i32, %c0_i32_0 : i32, i32
  }
  func.func @transform_5(%arg0: i32) -> (i32, i32) {
    %c0_i32 = arith.constant 0 : i32
    %c0_i32_0 = arith.constant 0 : i32
    return %arg0, %c0_i32 : i32, i32
  }
}

module attributes {stable_mosaic.version = 14 : i64} {
  func.func @_msg_body(%arg0: i32, %arg1: memref<1280x128xi32, #tpu.memory_space<vmem>>, %arg2: memref<1280x4xi32, #tpu.memory_space<vmem>>, %arg3: memref<128x128xbf16, #tpu.memory_space<vmem>>, %arg4: memref<128x128xbf16, #tpu.memory_space<vmem>>, %arg5: memref<128x128xbf16, #tpu.memory_space<vmem>>, %arg6: memref<128x128xbf16, #tpu.memory_space<vmem>>, %arg7: memref<1280x128xf32, #tpu.memory_space<vmem>>) attributes {dimension_semantics = [#tpu.dimension_semantics<arbitrary>], iteration_bounds = array<i64: 125>, scalar_prefetch = 0 : i64, scratch_operands = 0 : i64, tpu.core_type = #tpu.core_type<tc>, window_params = [{transform_indices = @transform_0, window_bounds = array<i64: 1280, 128>}, {transform_indices = @transform_1, window_bounds = array<i64: 1280, 4>}, {pipeline_mode = #tpu.pipeline_mode<synchronous>, transform_indices = @transform_2, window_bounds = array<i64: 128, 128>}, {pipeline_mode = #tpu.pipeline_mode<synchronous>, transform_indices = @transform_3, window_bounds = array<i64: 128, 128>}, {pipeline_mode = #tpu.pipeline_mode<synchronous>, transform_indices = @transform_4, window_bounds = array<i64: 128, 128>}, {pipeline_mode = #tpu.pipeline_mode<synchronous>, transform_indices = @transform_5, window_bounds = array<i64: 128, 128>}, {transform_indices = @transform_6, window_bounds = array<i64: 1280, 128>}]} {
    %get3A = arith.constant 0 : index
    %get3A_0 = arith.constant 0 : index
    %get3A_1 = vector.load %arg1[%get3A, %get3A_0] : memref<1280x128xi32, #tpu.memory_space<vmem>>, vector<1280x128xi32>
    %slice3A = vector.extract_strided_slice %get3A_1 {offsets = [0, 0], sizes = [1280, 64], strides = [1, 1]} : vector<1280x128xi32> to vector<1280x64xi32>
    %shift_left3A = arith.constant 16 : i32
    %shift_left3A_2 = vector.broadcast %shift_left3A : i32 to vector<1280x64xi32>
    %shift_left3A_3 = arith.shli %slice3A, %shift_left3A_2 : vector<1280x64xi32>
    %bitcast_convert_type3A = tpu.bitcast %shift_left3A_3 : vector<1280x64xi32> -> vector<1280x64xf32>
    %and3A = arith.constant -65536 : i32
    %and3A_4 = vector.broadcast %and3A : i32 to vector<1280x64xi32>
    %and3A_5 = arith.andi %slice3A, %and3A_4 : vector<1280x64xi32>
    %bitcast_convert_type3A_6 = tpu.bitcast %and3A_5 : vector<1280x64xi32> -> vector<1280x64xf32>
    %slice3A_7 = vector.extract_strided_slice %get3A_1 {offsets = [0, 64], sizes = [1280, 64], strides = [1, 1]} : vector<1280x128xi32> to vector<1280x64xi32>
    %shift_left3A_8 = arith.constant 16 : i32
    %shift_left3A_9 = vector.broadcast %shift_left3A_8 : i32 to vector<1280x64xi32>
    %shift_left3A_10 = arith.shli %slice3A_7, %shift_left3A_9 : vector<1280x64xi32>
    %bitcast_convert_type3A_11 = tpu.bitcast %shift_left3A_10 : vector<1280x64xi32> -> vector<1280x64xf32>
    %and3A_12 = arith.constant -65536 : i32
    %and3A_13 = vector.broadcast %and3A_12 : i32 to vector<1280x64xi32>
    %and3A_14 = arith.andi %slice3A_7, %and3A_13 : vector<1280x64xi32>
    %bitcast_convert_type3A_15 = tpu.bitcast %and3A_14 : vector<1280x64xi32> -> vector<1280x64xf32>
    %add3A = arith.addf %bitcast_convert_type3A, %bitcast_convert_type3A_11 : vector<1280x64xf32>
    %add3A_16 = arith.addf %bitcast_convert_type3A_6, %bitcast_convert_type3A_15 : vector<1280x64xf32>
    %concatenate3A = tpu.concatenate %add3A, %add3A_16 in 1 : vector<1280x64xf32>, vector<1280x64xf32> -> vector<1280x128xf32>
    %convert_element_type3A = arith.truncf %concatenate3A : vector<1280x128xf32> to vector<1280x128xbf16>
    %get3A_17 = arith.constant 0 : index
    %get3A_18 = arith.constant 0 : index
    %get3A_19 = vector.load %arg4[%get3A_17, %get3A_18] : memref<128x128xbf16, #tpu.memory_space<vmem>>, vector<128x128xbf16>
    %dot_general3A = arith.constant dense<0.000000e+00> : vector<1280x128xf32>
    %dot_general3A_20 = tpu.matmul %convert_element_type3A, %get3A_19, %dot_general3A {dimension_numbers = #tpu.dot_dimension_numbers<[1], [0], [0], [1], [0, 0, 1, 1], [], []>, transpose_lhs_hint = false} : vector<1280x128xbf16>, vector<128x128xbf16>, vector<1280x128xf32> -> vector<1280x128xf32>
    %mul3A = arith.mulf %convert_element_type3A, %convert_element_type3A : vector<1280x128xbf16>
    %dot_general3A_21 = arith.constant dense<0.000000e+00> : vector<1280x128xf32>
    %dot_general3A_22 = tpu.matmul %mul3A, %get3A_19, %dot_general3A_21 {dimension_numbers = #tpu.dot_dimension_numbers<[1], [0], [0], [1], [0, 0, 1, 1], [], []>, transpose_lhs_hint = false} : vector<1280x128xbf16>, vector<128x128xbf16>, vector<1280x128xf32> -> vector<1280x128xf32>
    %mul3A_23 = arith.mulf %dot_general3A_20, %dot_general3A_20 : vector<1280x128xf32>
    %sub3A = arith.subf %dot_general3A_22, %mul3A_23 : vector<1280x128xf32>
    %max3A = arith.constant 0.000000e+00 : f32
    %max3A_24 = vector.broadcast %max3A : f32 to vector<1280x128xf32>
    %max3A_25 = arith.maximumf %sub3A, %max3A_24 : vector<1280x128xf32>
    %add3A_26 = arith.constant 9.99999974E-6 : f32
    %add3A_27 = vector.broadcast %add3A_26 : f32 to vector<1280x128xf32>
    %add3A_28 = arith.addf %max3A_25, %add3A_27 : vector<1280x128xf32>
    %rsqrt3A = math.rsqrt %add3A_28 : vector<1280x128xf32>
    %sub3A_29 = arith.subf %concatenate3A, %dot_general3A_20 : vector<1280x128xf32>
    %convert_element_type3A_30 = arith.truncf %sub3A_29 : vector<1280x128xf32> to vector<1280x128xbf16>
    %get3A_31 = arith.constant 0 : index
    %get3A_32 = arith.constant 0 : index
    %get3A_33 = vector.load %arg5[%get3A_31, %get3A_32] : memref<128x128xbf16, #tpu.memory_space<vmem>>, vector<128x128xbf16>
    %dot_general3A_34 = arith.constant dense<0.000000e+00> : vector<1280x128xf32>
    %dot_general3A_35 = tpu.matmul %convert_element_type3A_30, %get3A_33, %dot_general3A_34 {dimension_numbers = #tpu.dot_dimension_numbers<[1], [0], [0], [1], [0, 0, 1, 1], [], []>, transpose_lhs_hint = false} : vector<1280x128xbf16>, vector<128x128xbf16>, vector<1280x128xf32> -> vector<1280x128xf32>
    %get3A_36 = arith.constant 0 : index
    %get3A_37 = arith.constant 0 : index
    %get3A_38 = vector.load %arg6[%get3A_36, %get3A_37] : memref<128x128xbf16, #tpu.memory_space<vmem>>, vector<128x128xbf16>
    %dot_general3A_39 = arith.constant dense<0.000000e+00> : vector<1280x128xf32>
    %dot_general3A_40 = tpu.matmul %convert_element_type3A_30, %get3A_38, %dot_general3A_39 {dimension_numbers = #tpu.dot_dimension_numbers<[1], [0], [0], [1], [0, 0, 1, 1], [], []>, transpose_lhs_hint = false} : vector<1280x128xbf16>, vector<128x128xbf16>, vector<1280x128xf32> -> vector<1280x128xf32>
    %get3A_41 = arith.constant 0 : index
    %get3A_42 = arith.constant 0 : index
    %get3A_43 = vector.load %arg2[%get3A_41, %get3A_42] : memref<1280x4xi32, #tpu.memory_space<vmem>>, vector<1280x4xi32>
    %convert_element_type3A_44 = arith.sitofp %get3A_43 : vector<1280x4xi32> to vector<1280x4xbf16>
    %iota3A = tpu.iota {dimensions = array<i32: 1>} : vector<1280x128xi32>
    %convert_element_type3A_45 = arith.sitofp %iota3A : vector<1280x128xi32> to vector<1280x128xbf16>
    %broadcast_in_dim3A = arith.constant 0.000000e+00 : bf16
    %broadcast_in_dim3A_46 = vector.broadcast %broadcast_in_dim3A : bf16 to vector<1280x128xbf16>
    %slice3A_47 = vector.extract_strided_slice %convert_element_type3A_44 {offsets = [0, 0], sizes = [1280, 1], strides = [1, 1]} : vector<1280x4xbf16> to vector<1280x1xbf16>
    %squeeze3A = vector.shape_cast %slice3A_47 : vector<1280x1xbf16> to vector<1280xbf16>
    %broadcast_in_dim3A_48 = vector.shape_cast %squeeze3A : vector<1280xbf16> to vector<1280x1xbf16>
    %eq3A = vector.broadcast %broadcast_in_dim3A_48 : vector<1280x1xbf16> to vector<1280x128xbf16>
    %eq3A_49 = arith.cmpf oeq, %convert_element_type3A_45, %eq3A : vector<1280x128xbf16>
    %jit3A = arith.constant 1.000000e+00 : bf16
    %jit3A_50 = arith.constant 0.000000e+00 : bf16
    %broadcast_in_dim3A_51 = vector.broadcast %jit3A : bf16 to vector<1280x128xbf16>
    %broadcast_in_dim3A_52 = vector.broadcast %jit3A_50 : bf16 to vector<1280x128xbf16>
    %select_n3A = arith.select %eq3A_49, %broadcast_in_dim3A_51, %broadcast_in_dim3A_52 : vector<1280x128xi1>, vector<1280x128xbf16>
    %add3A_53 = arith.addf %broadcast_in_dim3A_46, %select_n3A : vector<1280x128xbf16>
    %slice3A_54 = vector.extract_strided_slice %convert_element_type3A_44 {offsets = [0, 1], sizes = [1280, 1], strides = [1, 1]} : vector<1280x4xbf16> to vector<1280x1xbf16>
    %squeeze3A_55 = vector.shape_cast %slice3A_54 : vector<1280x1xbf16> to vector<1280xbf16>
    %broadcast_in_dim3A_56 = vector.shape_cast %squeeze3A_55 : vector<1280xbf16> to vector<1280x1xbf16>
    %eq3A_57 = vector.broadcast %broadcast_in_dim3A_56 : vector<1280x1xbf16> to vector<1280x128xbf16>
    %eq3A_58 = arith.cmpf oeq, %convert_element_type3A_45, %eq3A_57 : vector<1280x128xbf16>
    %jit3A_59 = arith.constant 1.000000e+00 : bf16
    %jit3A_60 = arith.constant 0.000000e+00 : bf16
    %broadcast_in_dim3A_61 = vector.broadcast %jit3A_59 : bf16 to vector<1280x128xbf16>
    %broadcast_in_dim3A_62 = vector.broadcast %jit3A_60 : bf16 to vector<1280x128xbf16>
    %select_n3A_63 = arith.select %eq3A_58, %broadcast_in_dim3A_61, %broadcast_in_dim3A_62 : vector<1280x128xi1>, vector<1280x128xbf16>
    %add3A_64 = arith.addf %add3A_53, %select_n3A_63 : vector<1280x128xbf16>
    %slice3A_65 = vector.extract_strided_slice %convert_element_type3A_44 {offsets = [0, 2], sizes = [1280, 1], strides = [1, 1]} : vector<1280x4xbf16> to vector<1280x1xbf16>
    %squeeze3A_66 = vector.shape_cast %slice3A_65 : vector<1280x1xbf16> to vector<1280xbf16>
    %broadcast_in_dim3A_67 = vector.shape_cast %squeeze3A_66 : vector<1280xbf16> to vector<1280x1xbf16>
    %eq3A_68 = vector.broadcast %broadcast_in_dim3A_67 : vector<1280x1xbf16> to vector<1280x128xbf16>
    %eq3A_69 = arith.cmpf oeq, %convert_element_type3A_45, %eq3A_68 : vector<1280x128xbf16>
    %jit3A_70 = arith.constant 1.000000e+00 : bf16
    %jit3A_71 = arith.constant 0.000000e+00 : bf16
    %broadcast_in_dim3A_72 = vector.broadcast %jit3A_70 : bf16 to vector<1280x128xbf16>
    %broadcast_in_dim3A_73 = vector.broadcast %jit3A_71 : bf16 to vector<1280x128xbf16>
    %select_n3A_74 = arith.select %eq3A_69, %broadcast_in_dim3A_72, %broadcast_in_dim3A_73 : vector<1280x128xi1>, vector<1280x128xbf16>
    %add3A_75 = arith.addf %add3A_64, %select_n3A_74 : vector<1280x128xbf16>
    %slice3A_76 = vector.extract_strided_slice %convert_element_type3A_44 {offsets = [0, 3], sizes = [1280, 1], strides = [1, 1]} : vector<1280x4xbf16> to vector<1280x1xbf16>
    %squeeze3A_77 = vector.shape_cast %slice3A_76 : vector<1280x1xbf16> to vector<1280xbf16>
    %broadcast_in_dim3A_78 = vector.shape_cast %squeeze3A_77 : vector<1280xbf16> to vector<1280x1xbf16>
    %eq3A_79 = vector.broadcast %broadcast_in_dim3A_78 : vector<1280x1xbf16> to vector<1280x128xbf16>
    %eq3A_80 = arith.cmpf oeq, %convert_element_type3A_45, %eq3A_79 : vector<1280x128xbf16>
    %jit3A_81 = arith.constant 1.000000e+00 : bf16
    %jit3A_82 = arith.constant 0.000000e+00 : bf16
    %broadcast_in_dim3A_83 = vector.broadcast %jit3A_81 : bf16 to vector<1280x128xbf16>
    %broadcast_in_dim3A_84 = vector.broadcast %jit3A_82 : bf16 to vector<1280x128xbf16>
    %select_n3A_85 = arith.select %eq3A_80, %broadcast_in_dim3A_83, %broadcast_in_dim3A_84 : vector<1280x128xi1>, vector<1280x128xbf16>
    %add3A_86 = arith.addf %add3A_75, %select_n3A_85 : vector<1280x128xbf16>
    %get3A_87 = arith.constant 0 : index
    %get3A_88 = arith.constant 0 : index
    %get3A_89 = vector.load %arg3[%get3A_87, %get3A_88] : memref<128x128xbf16, #tpu.memory_space<vmem>>, vector<128x128xbf16>
    %dot_general3A_90 = arith.constant dense<0.000000e+00> : vector<1280x128xf32>
    %dot_general3A_91 = tpu.matmul %add3A_86, %get3A_89, %dot_general3A_90 {dimension_numbers = #tpu.dot_dimension_numbers<[1], [0], [0], [1], [0, 0, 1, 1], [], []>, transpose_lhs_hint = false} : vector<1280x128xbf16>, vector<128x128xbf16>, vector<1280x128xf32> -> vector<1280x128xf32>
    %ne3A = arith.constant 0 : i32
    %ne3A_92 = vector.broadcast %ne3A : i32 to vector<1280x4xi32>
    %ne3A_93 = arith.cmpi ne, %get3A_43, %ne3A_92 : vector<1280x4xi32>
    %convert_element_type3A_94 = arith.extui %ne3A_93 : vector<1280x4xi1> to vector<1280x4xi32>
    %convert_element_type3A_95 = arith.sitofp %convert_element_type3A_94 : vector<1280x4xi32> to vector<1280x4xf32>
    %reduce_sum3A = arith.constant dense<0.000000e+00> : vector<1280xf32>
    %reduce_sum3A_96 = vector.multi_reduction <add>, %convert_element_type3A_95, %reduce_sum3A [1] : vector<1280x4xf32> to vector<1280xf32>
    %broadcast_in_dim3A_97 = vector.shape_cast %reduce_sum3A_96 : vector<1280xf32> to vector<1280x1xf32>
    %max3A_98 = arith.constant 1.000000e+00 : f32
    %max3A_99 = vector.broadcast %max3A_98 : f32 to vector<1280x1xf32>
    %max3A_100 = arith.maximumf %broadcast_in_dim3A_97, %max3A_99 : vector<1280x1xf32>
    %div3A = arith.constant 1.000000e+00 : f32
    %div3A_101 = vector.broadcast %div3A : f32 to vector<1280x1xf32>
    %div3A_102 = arith.divf %div3A_101, %max3A_100 : vector<1280x1xf32>
    %mul3A_103 = arith.mulf %dot_general3A_35, %rsqrt3A : vector<1280x128xf32>
    %mul3A_104 = vector.broadcast %div3A_102 : vector<1280x1xf32> to vector<1280x128xf32>
    %mul3A_105 = arith.mulf %dot_general3A_91, %mul3A_104 : vector<1280x128xf32>
    %add3A_106 = arith.addf %mul3A_103, %mul3A_105 : vector<1280x128xf32>
    %max3A_107 = arith.constant 0.000000e+00 : f32
    %max3A_108 = vector.broadcast %max3A_107 : f32 to vector<1280x128xf32>
    %max3A_109 = arith.maximumf %add3A_106, %max3A_108 : vector<1280x128xf32>
    %mul3A_110 = arith.mulf %dot_general3A_40, %rsqrt3A : vector<1280x128xf32>
    %mul3A_111 = arith.mulf %max3A_109, %mul3A_110 : vector<1280x128xf32>
    %swap3A = arith.constant 0 : index
    %swap3A_112 = arith.constant 0 : index
    %swap3A_113 = vector.load %arg7[%swap3A, %swap3A_112] : memref<1280x128xf32, #tpu.memory_space<vmem>>, vector<1280x128xf32>
    tpu.vector_store %arg7[%swap3A, %swap3A_112], %mul3A_111 {strides = array<i32>} : memref<1280x128xf32, #tpu.memory_space<vmem>>, vector<1280x128xf32>,
    return
  }
  func.func @transform_0(%arg0: i32) -> (i32, i32) {
    %c0_i32 = arith.constant 0 : i32
    %c0_i32_0 = arith.constant 0 : i32
    return %arg0, %c0_i32 : i32, i32
  }
  func.func @transform_1(%arg0: i32) -> (i32, i32) {
    %c0_i32 = arith.constant 0 : i32
    %c0_i32_0 = arith.constant 0 : i32
    return %arg0, %c0_i32 : i32, i32
  }
  func.func @transform_2(%arg0: i32) -> (i32, i32) {
    %c0_i32 = arith.constant 0 : i32
    %c0_i32_0 = arith.constant 0 : i32
    %c0_i32_1 = arith.constant 0 : i32
    return %c0_i32, %c0_i32_0 : i32, i32
  }
  func.func @transform_3(%arg0: i32) -> (i32, i32) {
    %c0_i32 = arith.constant 0 : i32
    %c0_i32_0 = arith.constant 0 : i32
    %c0_i32_1 = arith.constant 0 : i32
    return %c0_i32, %c0_i32_0 : i32, i32
  }
  func.func @transform_4(%arg0: i32) -> (i32, i32) {
    %c0_i32 = arith.constant 0 : i32
    %c0_i32_0 = arith.constant 0 : i32
    %c0_i32_1 = arith.constant 0 : i32
    return %c0_i32, %c0_i32_0 : i32, i32
  }
  func.func @transform_5(%arg0: i32) -> (i32, i32) {
    %c0_i32 = arith.constant 0 : i32
    %c0_i32_0 = arith.constant 0 : i32
    %c0_i32_1 = arith.constant 0 : i32
    return %c0_i32, %c0_i32_0 : i32, i32
  }
  func.func @transform_6(%arg0: i32) -> (i32, i32) {
    %c0_i32 = arith.constant 0 : i32
    %c0_i32_0 = arith.constant 0 : i32
    return %arg0, %c0_i32 : i32, i32
  }
}

module attributes {stable_mosaic.version = 14 : i64} {
  func.func @_post_body(%arg0: i32, %arg1: memref<2000x128xf32, #tpu.memory_space<vmem>>, %arg2: memref<2000x128xf32, #tpu.memory_space<vmem>>, %arg3: memref<2000x128xf32, #tpu.memory_space<vmem>>, %arg4: memref<2000x128xf32, #tpu.memory_space<vmem>>, %arg5: memref<128x128xf32, #tpu.memory_space<vmem>>, %arg6: memref<1x128xf32, #tpu.memory_space<vmem>>, %arg7: memref<2000x1xf32, #tpu.memory_space<vmem>>, %arg8: memref<1x128xf32, #tpu.memory_space<vmem>>, %arg9: memref<2000x128xf32, #tpu.memory_space<vmem>>, %arg10: memref<2000x128xf32, #tpu.memory_space<vmem>>) attributes {dimension_semantics = [#tpu.dimension_semantics<arbitrary>], iteration_bounds = array<i64: 5>, scalar_prefetch = 0 : i64, scratch_operands = 0 : i64, tpu.core_type = #tpu.core_type<tc>, window_params = [{transform_indices = @transform_0, window_bounds = array<i64: 2000, 128>}, {transform_indices = @transform_1, window_bounds = array<i64: 2000, 128>}, {transform_indices = @transform_2, window_bounds = array<i64: 2000, 128>}, {transform_indices = @transform_3, window_bounds = array<i64: 2000, 128>}, {pipeline_mode = #tpu.pipeline_mode<synchronous>, transform_indices = @transform_4, window_bounds = array<i64: 128, 128>}, {pipeline_mode = #tpu.pipeline_mode<synchronous>, transform_indices = @transform_5, window_bounds = array<i64: 1, 128>}, {transform_indices = @transform_6, window_bounds = array<i64: 2000, 1>}, {pipeline_mode = #tpu.pipeline_mode<synchronous>, transform_indices = @transform_7, window_bounds = array<i64: 1, 128>}, {transform_indices = @transform_8, window_bounds = array<i64: 2000, 128>}, {transform_indices = @transform_9, window_bounds = array<i64: 2000, 128>}]} {
    %get3A = arith.constant 0 : index
    %get3A_0 = arith.constant 0 : index
    %get3A_1 = vector.load %arg1[%get3A, %get3A_0] : memref<2000x128xf32, #tpu.memory_space<vmem>>, vector<2000x128xf32>
    %get3A_2 = arith.constant 0 : index
    %get3A_3 = arith.constant 0 : index
    %get3A_4 = vector.load %arg2[%get3A_2, %get3A_3] : memref<2000x128xf32, #tpu.memory_space<vmem>>, vector<2000x128xf32>
    %add3A = arith.addf %get3A_1, %get3A_4 : vector<2000x128xf32>
    %get3A_5 = arith.constant 0 : index
    %get3A_6 = arith.constant 0 : index
    %get3A_7 = vector.load %arg3[%get3A_5, %get3A_6] : memref<2000x128xf32, #tpu.memory_space<vmem>>, vector<2000x128xf32>
    %add3A_8 = arith.addf %add3A, %get3A_7 : vector<2000x128xf32>
    %get3A_9 = arith.constant 0 : index
    %get3A_10 = arith.constant 0 : index
    %get3A_11 = vector.load %arg4[%get3A_9, %get3A_10] : memref<2000x128xf32, #tpu.memory_space<vmem>>, vector<2000x128xf32>
    %add3A_12 = arith.addf %add3A_8, %get3A_11 : vector<2000x128xf32>
    %convert_element_type3A = arith.truncf %add3A_12 : vector<2000x128xf32> to vector<2000x128xbf16>
    %get3A_13 = arith.constant 0 : index
    %get3A_14 = arith.constant 0 : index
    %get3A_15 = vector.load %arg5[%get3A_13, %get3A_14] : memref<128x128xf32, #tpu.memory_space<vmem>>, vector<128x128xf32>
    %dot_general3A = arith.constant dense<0.000000e+00> : vector<2000x128xf32>
    %dot_general3A_16 = tpu.matmul %convert_element_type3A, %get3A_15, %dot_general3A {dimension_numbers = #tpu.dot_dimension_numbers<[1], [0], [0], [1], [0, 0, 1, 1], [], []>, transpose_lhs_hint = false} : vector<2000x128xbf16>, vector<128x128xf32>, vector<2000x128xf32> -> vector<2000x128xf32>
    %get3A_17 = arith.constant 0 : index
    %get3A_18 = arith.constant 0 : index
    %get3A_19 = vector.load %arg6[%get3A_17, %get3A_18] : memref<1x128xf32, #tpu.memory_space<vmem>>, vector<1x128xf32>
    %add3A_20 = vector.broadcast %get3A_19 : vector<1x128xf32> to vector<2000x128xf32>
    %add3A_21 = arith.addf %dot_general3A_16, %add3A_20 : vector<2000x128xf32>
    %get3A_22 = arith.constant 0 : index
    %get3A_23 = arith.constant 0 : index
    %get3A_24 = vector.load %arg8[%get3A_22, %get3A_23] : memref<1x128xf32, #tpu.memory_space<vmem>>, vector<1x128xf32>
    %get3A_25 = arith.constant 0 : index
    %get3A_26 = arith.constant 0 : index
    %get3A_27 = vector.load %arg7[%get3A_25, %get3A_26] : memref<2000x1xf32, #tpu.memory_space<vmem>>, vector<2000x1xf32>
    %log3A = math.log %get3A_27 : vector<2000x1xf32>
    %mul3A = vector.broadcast %get3A_24 : vector<1x128xf32> to vector<2000x128xf32>
    %mul3A_28 = vector.broadcast %log3A : vector<2000x1xf32> to vector<2000x128xf32>
    %mul3A_29 = arith.mulf %mul3A, %mul3A_28 : vector<2000x128xf32>
    %exp3A = math.exp %mul3A_29 : vector<2000x128xf32>
    %mul3A_30 = arith.mulf %exp3A, %add3A_21 : vector<2000x128xf32>
    %get3A_31 = arith.constant 0 : index
    %get3A_32 = arith.constant 0 : index
    %get3A_33 = vector.load %arg9[%get3A_31, %get3A_32] : memref<2000x128xf32, #tpu.memory_space<vmem>>, vector<2000x128xf32>
    %add3A_34 = arith.addf %mul3A_30, %get3A_33 : vector<2000x128xf32>
    %swap3A = arith.constant 0 : index
    %swap3A_35 = arith.constant 0 : index
    %swap3A_36 = vector.load %arg10[%swap3A, %swap3A_35] : memref<2000x128xf32, #tpu.memory_space<vmem>>, vector<2000x128xf32>
    tpu.vector_store %arg10[%swap3A, %swap3A_35], %add3A_34 {strides = array<i32>} : memref<2000x128xf32, #tpu.memory_space<vmem>>, vector<2000x128xf32>,
    return
  }
  func.func @transform_0(%arg0: i32) -> (i32, i32) {
    %c0_i32 = arith.constant 0 : i32
    %c0_i32_0 = arith.constant 0 : i32
    return %arg0, %c0_i32 : i32, i32
  }
  func.func @transform_1(%arg0: i32) -> (i32, i32) {
    %c0_i32 = arith.constant 0 : i32
    %c0_i32_0 = arith.constant 0 : i32
    return %arg0, %c0_i32 : i32, i32
  }
  func.func @transform_2(%arg0: i32) -> (i32, i32) {
    %c0_i32 = arith.constant 0 : i32
    %c0_i32_0 = arith.constant 0 : i32
    return %arg0, %c0_i32 : i32, i32
  }
  func.func @transform_3(%arg0: i32) -> (i32, i32) {
    %c0_i32 = arith.constant 0 : i32
    %c0_i32_0 = arith.constant 0 : i32
    return %arg0, %c0_i32 : i32, i32
  }
  func.func @transform_4(%arg0: i32) -> (i32, i32) {
    %c0_i32 = arith.constant 0 : i32
    %c0_i32_0 = arith.constant 0 : i32
    %c0_i32_1 = arith.constant 0 : i32
    return %c0_i32, %c0_i32_0 : i32, i32
  }
  func.func @transform_5(%arg0: i32) -> (i32, i32) {
    %c0_i32 = arith.constant 0 : i32
    %c0_i32_0 = arith.constant 0 : i32
    %c0_i32_1 = arith.constant 0 : i32
    return %c0_i32, %c0_i32_0 : i32, i32
  }
  func.func @transform_6(%arg0: i32) -> (i32, i32) {
    %c0_i32 = arith.constant 0 : i32
    %c0_i32_0 = arith.constant 0 : i32
    return %arg0, %c0_i32 : i32, i32
  }
  func.func @transform_7(%arg0: i32) -> (i32, i32) {
    %c0_i32 = arith.constant 0 : i32
    %c0_i32_0 = arith.constant 0 : i32
    %c0_i32_1 = arith.constant 0 : i32
    return %c0_i32, %c0_i32_0 : i32, i32
  }
  func.func @transform_8(%arg0: i32) -> (i32, i32) {
    %c0_i32 = arith.constant 0 : i32
    %c0_i32_0 = arith.constant 0 : i32
    return %arg0, %c0_i32 : i32, i32
  }
  func.func @transform_9(%arg0: i32) -> (i32, i32) {
    %c0_i32 = arith.constant 0 : i32
    %c0_i32_0 = arith.constant 0 : i32
    return %arg0, %c0_i32 : i32, i32
  }
}

</mosaic_0001>

<sc_bundles>
// kernel: kernel.10.cloned.1.call-start
scs
__scs_entry_jumppad:
0x0: {  	(pc) =	sbr.rel $0x88, $3  }
0x1: {  	(tag) =	ssettag $0x0;
	lr =	simm.s32 $0x1  }
0x2: {  	[smem:$0x3F92] =	sst lr;
	_ =	strace $0xD0000000  }
0x3: {  	_ = 	snop  }
0x4: {  	_ = 	snop  }
0x5: {  	_ = 	snop  }
0x6: {  	_ = 	snop  }
0x7: {  	_ = 	snop  }
__scs_overlays_trampoline_lowered:
0x8: {  	[smem:$0x3FA1] =	sst s0  }
0x9: {  	[smem:$0x3FA2] =	sst s1  }
0xa: {  	[smem:$0x3FA3] =	sst s2  }
0xb: {  	[smem:$0x3FA4] =	sst s3  }
0xc: {  	[smem:$0x3FA5] =	sst s4  }
0xd: {  	[smem:$0x3FA6] =	sst s5  }
0xe: {  	[smem:$0x3FA7] =	sst s6  }
0xf: {  	[smem:$0x3FA8] =	sst s7  }
0x10: {  	[smem:$0x3FA9] =	sst s8  }
0x11: {  	[smem:$0x3FAA] =	sst s9;
	s0 =	simm.s32 @!p0 $0x0  }
0x12: {  	s1 =	sld [smem:$0x3F90];
	s0 =	simm.s32 @p0 $0x1  }
0x13: {  	[smem:$0x3FAB] =	sst s0;
	s0 =	simm.s32 @!p1 $0x0  }
0x14: {  	s2 =	sld [smem:$0x3F8F];
	s0 =	simm.s32 @p1 $0x1  }
0x15: {  	[smem:$0x3FAC] =	sst s0;
	s0 =	simm.s32 @!p2 $0x0  }
0x16: {  	s3 =	sld [smem:$0x3FDB];
	s0 =	simm.s32 @p2 $0x1  }
0x17: {  	s4 =	simm.s32 $0x1BF5;
	[smem:$0x3FAE] =	sst s0  }
0x18: {  	s0 =	sld [smem:$0x3F91];
	_ =	swait.ge [sflag:s4], $0x0  }
0x19: {  	s7 =	sld [smem:$0x3F92]  }
0x1a: {  	s8 =	sadd.s32 $0xFFFFE003, lr  }
0x1b: {  	s9 =	sadd.s32 $0xFFFFFEF7, lr;
	s5 =	simm.s32 $0xFFFFFFFF;
	p2 =	slt.u32 s8, $0xFFFFF086  }
0x1c: {  	p1 =	slt.u32 s9, $0xF7A;
	s5 =	simm.s32 @!p2 $0x0  }
0x1d: {  	s5 =	simm.s32 @p1 $0x1;
	p0 =	seq.s32 s7, s2  }
0x1e: {  	s7 =	smul.u32 @!p0 $0xF7A, s2;
	p2 =	seq.s32 @!p0 s5, $0x0  }
0x1f: {  	s9 =	smul.u32 $0xF7A, s1;
	s8 =	simm.s32 @!p0 $0x1BF5;
	p2 =	por !p2, p0  }
0x20: {  	[sflag:s8] =	ssyncset.s32 @!p0 $0xFFFFF086;
	s6 =	sadd.s32 @!p0 s3, s7;
	s7 =	simm.s32 @!p0 $0x108  }
0x21: {  	s3 =	sadd.s32 s3, s9;
	s6 =	sadd.s32 @!p0 $0x88, s6;
	s7 =	simm.s32 @p2 $0x1082  }
0x22: {  	[simem:s7], [sflag:s8] =	dma.local @!p0 [hbm:s6], $0xF7A  }
0x23: {  	s9 =	sor.u32 $0xD0000000, s2;
	s6 =	simm.s32 $0x108;
	_ =	swait.ge @!p0 [sflag:s8], $0x0  }
0x24: {  	s3 =	sadd.s32 $0x88, s3;
	s6 =	simm.s32 @!p1 $0x1082;
	[sflag:s4] =	ssyncset.s32 $0xFFFFF086  }
0x25: {  	[simem:s6], [sflag:s4] =	dma.local [hbm:s3], $0xF7A  }
0x26: {  	[smem:$0x3F92] =	sst s1;
	(tag) =	ssettag s2;
	_ =	strace s9  }
0x27: {  	s1 =	sld [smem:$0x3FA2]  }
0x28: {  	s2 =	sld [smem:$0x3FA3]  }
0x29: {  	s4 =	sld [smem:$0x3FA5]  }
0x2a: {  	p0 =	seq.s32 s5, $0x0;
	s5 =	sld [smem:$0x3FA6]  }
0x2b: {  	s6 =	sld [smem:$0x3FA7]  }
0x2c: {  	s7 =	sld [smem:$0x3FA8]  }
0x2d: {  	s3 =	simm.s32 $0x108;
	s8 =	sld [smem:$0x3FA9]  }
0x2e: {  	s3 =	simm.s32 @!p0 $0x1082;
	s9 =	sld [smem:$0x3FAA]  }
0x2f: {  	lr =	sadd.s32 s0, s3;
	s0 =	sld [smem:$0x3FA1]  }
0x30: {  	s3 =	sld [smem:$0x3FA4]  }
0x31: {  	[smem:$0x3FAD] =	sst s10  }
0x32: {  	s10 =	sld [smem:$0x3FAB];
	_ =	sdelay $0x3  }
0x33: {  	p0 =	seq.s32 s10, $0x1;
	s10 =	sld [smem:$0x3FAD];
	_ =	sdelay $0x3  }
0x34: {  	[smem:$0x3FAD] =	sst s10  }
0x35: {  	s10 =	sld [smem:$0x3FAC];
	_ =	sdelay $0x3  }
0x36: {  	p1 =	seq.s32 s10, $0x1;
	s10 =	sld [smem:$0x3FAD];
	_ =	sdelay $0x3  }
0x37: {  	[smem:$0x3FAD] =	sst s10  }
0x38: {  	s10 =	sld [smem:$0x3FAE]  }
0x39: {  	_ = 	snop;
	(pc) =	sbr.ind lr, $3  }
0x3a: {  	_ = 	snop  }
0x3b: {  	_ = 	snop  }
0x3c: {  	p2 =	seq.s32 s10, $0x1;
	s10 =	sld [smem:$0x3FAD]  }
0x3d: {  	_ =	shalt  }
0x3e: {  	_ =	shalt  }
0x3f: {  	_ =	shalt  }
0x40: {  	_ =	shalt  }
0x41: {  	_ =	shalt  }
0x42: {  	_ =	shalt  }
0x43: {  	_ =	shalt  }
0x44: {  	_ =	shalt  }
0x45: {  	_ =	shalt  }
0x46: {  	_ =	shalt  }
0x47: {  	_ =	shalt  }
0x48: {  	_ =	shalt  }
0x49: {  	_ =	shalt  }
0x4a: {  	_ =	shalt  }
0x4b: {  	_ =	shalt  }
0x4c: {  	_ =	shalt  }
0x4d: {  	_ =	shalt  }
0x4e: {  	_ =	shalt  }
0x4f: {  	_ =	shalt  }
0x50: {  	_ =	shalt  }
0x51: {  	_ =	shalt  }
0x52: {  	_ =	shalt  }
0x53: {  	_ =	shalt  }
0x54: {  	_ =	shalt  }
0x55: {  	_ =	shalt  }
0x56: {  	_ =	shalt  }
0x57: {  	_ =	shalt  }
0x58: {  	_ =	shalt  }
0x59: {  	_ =	shalt  }
0x5a: {  	_ =	shalt  }
0x5b: {  	_ =	shalt  }
0x5c: {  	_ =	shalt  }
0x5d: {  	_ =	shalt  }
0x5e: {  	_ =	shalt  }
0x5f: {  	_ =	shalt  }
0x60: {  	_ =	shalt  }
0x61: {  	_ =	shalt  }
0x62: {  	_ =	shalt  }
0x63: {  	_ =	shalt  }
0x64: {  	_ =	shalt  }
0x65: {  	_ =	shalt  }
0x66: {  	_ =	shalt  }
0x67: {  	_ =	shalt  }
0x68: {  	_ =	shalt  }
0x69: {  	_ =	shalt  }
0x6a: {  	_ =	shalt  }
0x6b: {  	_ =	shalt  }
0x6c: {  	_ =	shalt  }
0x6d: {  	_ =	shalt  }
0x6e: {  	_ =	shalt  }
0x6f: {  	_ =	shalt  }
0x70: {  	_ =	shalt  }
0x71: {  	_ =	shalt  }
0x72: {  	_ =	shalt  }
0x73: {  	_ =	shalt  }
0x74: {  	_ =	shalt  }
0x75: {  	_ =	shalt  }
0x76: {  	_ =	shalt  }
0x77: {  	_ =	shalt  }
0x78: {  	_ =	shalt  }
0x79: {  	_ =	shalt  }
0x7a: {  	_ =	shalt  }
0x7b: {  	_ =	shalt  }
0x7c: {  	_ =	shalt  }
0x7d: {  	_ =	shalt  }
0x7e: {  	_ =	shalt  }
0x7f: {  	_ =	shalt  }
0x80: {  	_ =	shalt  }
0x81: {  	_ =	shalt  }
0x82: {  	_ =	shalt  }
0x83: {  	_ =	shalt  }
0x84: {  	_ =	shalt  }
0x85: {  	_ =	shalt  }
0x86: {  	_ =	shalt  }
0x87: {  	_ =	shalt  }
.Lfunc_end0:
.L_simem_size_0:
called_computation_lowered:
.L_overlay_start_0:
0x88: {  	s2 =	sld [smem:$0x3FD9]  }
0x89: {  	s3 =	sld [smem:$0x3FFE];
	_ =	sdelay $0x1  }
0x8a: {  	s1 =	srdreg.scid  }
0x8b: {  	s0 =	sand.u32 $0x1, s1  }
0x8c: {  	s17 =	sshll.u32 s0, $0xA;
	s2 =	sadd.s32 s3, s2  }
0x8d: {  	s2 =	sadd.s32 s2, s17  }
0x8e: {  	[smem:$0x3FB9] =	sst s2  }
0x8f: {  	_ = 	snop  }
0x90: {  	s18 =	sld [smem:$0x3FD0];
	(tm) =	ssettm $0x1  }
0x91: {  	s19 =	sld [smem:$0x3FFB];
	_ =	sdelay $0x3  }
0x92: {  	_ =	strace s19  }
0x93: {  	s2 =	sld [smem:$0x3FFC];
	_ =	sdelay $0x3  }
0x94: {  	_ =	strace s2  }
0x95: {  	s2 =	sld [smem:$0x3FFD];
	_ =	sdelay $0x3  }
0x96: {  	_ =	strace s2  }
0x97: {  	_ =	strace $0x8FFFFFFF  }
0x98: {  	s20 =	sld [smem:$0x3FDB];
	_ =	sdelay $0x1  }
0x99: {  	s4 =	simm.s32 $_scs_section_size  }
0x9a: {  	s5 =	simm.s32 $_size__tile_overlayer_lowered;
	s6 =	simm.s32 $_tile_overlayer_lowered  }
0x9b: {  	s7 =	simm.s32 $0x1BFF;
	s21 =	sshll.u32 s6, $0x1;
	s4 =	sadd.s32 s4, s20  }
0x9c: {  	s22 =	simm.s32 $0x0;
	s5 =	sshll.u32 s5, $0x1;
	s6 =	sadd.s32 s21, s4  }
0x9d: {  	[timem:s22], [sflag:s7] =	dma.local [hbm:s6], s5  }
0x9e: {  	_ =	swait.ge [sflag:s7], s5  }
0x9f: {  	s5 =	ssub.s32 $0x0, s5;
	[sflag:s7] =	ssyncset.done $0x0  }
0xa0: {  	[sflag:s7] =	ssyncadd.s32 s5;
	_ =	sdelay $0x1  }
0xa1: {  	s23 =	simm.s32 $0x1B8B  }
0xa2: {  	_ =	swait.ge [sflag:s23], $0x1  }
0xa3: {  	[sflag:s23] =	ssyncset.done $0x0  }
0xa4: {  	[sflag:s23] =	ssyncadd.s32 $0xFFFFFFFF  }
0xa5: {  	s5 =	sld [smem:$0x0]  }
0xa6: {  	s6 =	sand.u32 $0xFFFFFFFE, s1  }
0xa7: {  	p0 =	sne.s32 s1, s6  }
0xa8: {  	s6 =	sshll.u32 @p0 s6, $0xE  }
0xa9: {  	s6 =	sadd.s32 @p0 $0x11B8D, s6;
	s7 =	sshll.u32 @p0 s5, $0x11  }
0xaa: {  	s6 =	sor.u32 @p0 s7, s6  }
0xab: {  	[sflag:s6] =	ssyncadd.remote.s32 @p0 $0x1;
	_ =	sdelay $0x1  }
0xac: {  	s6 =	simm.s32 @p0 $0x1B8D  }
0xad: {  	_ =	swait.eq @p0 [sflag:s6], $0x1  }
0xae: {  	[sflag:s6] =	ssyncadd.s32 @p0 $0xFFFFFFFF  }
0xaf: {  	s7 =	sshll.u32 @!p0 s1, $0xE  }
0xb0: {  	s7 =	sor.u32 @!p0 $0x4000, s7;
	s6 =	simm.s32 @!p0 $0x1B8D  }
0xb1: {  	s5 =	sshll.u32 @!p0 s5, $0x11;
	s7 =	sadd.s32 @!p0 $0x11B8D, s7;
	_ =	swait.eq @!p0 [sflag:s6], $0x1  }
0xb2: {  	s5 =	sor.u32 @!p0 s5, s7;
	[sflag:s6] =	ssyncadd.s32 @!p0 $0xFFFFFFFF  }
0xb3: {  	s25 =	simm.s32 $0x1B8E;
	s24 =	sld [smem:$0x3FFE];
	[sflag:s5] =	ssyncadd.remote.s32 @!p0 $0x1  }
0xb4: {  	s26 =	simm.s32 $execute0_lowered;
	[smem:$0x3FD2] =	sst s25  }
0xb5: {  	s6 =	sshll.u32 s26, $0x1;
	_ =	strace $0x80000049;
	[dreg:$0x1] =	wrdreg $0xFFFFFFFF  }
0xb6: {  	s28 =	simm.s32 $_size_execute0_lowered;
	s4 =	sadd.s32 s4, s6;
	[dreg:$0x0] =	wrdreg $0x0  }
0xb7: {  	s6 =	sshll.u32 s28, $0x1;
	[dreg:$0x2] =	wrdreg s4  }
0xb8: {  	[dreg:$0x3] =	wrdreg s6  }
0xb9: {  	[dreg:$0x4] =	wrdreg $0xC0  }
0xba: {  	_ =	task [dreg:s22], $0x5FFFF  }
0xbb: {  	[dreg:$0x1] =	wrdreg $0xFFFFFFFF  }
0xbc: {  	[dreg:$0x0] =	wrdreg $0x60  }
0xbd: {  	[dreg:$0x2] =	wrdreg s18  }
0xbe: {  	[dreg:$0x3] =	wrdreg s24  }
0xbf: {  	[dreg:$0x4] =	wrdreg $0x9  }
0xc0: {  	_ =	task.clear_ibuf [dreg:s22], $0x5FFFF;
	_ =	strace $0x90000049  }
0xc1: {  	s29 =	simm.s32 $0x9;
	_ =	strace $0x8000004B  }
0xc2: {  	_ =	swait.ge [sflag:s29], $0x1  }
0xc3: {  	[sflag:s29] =	ssyncadd.s32 $0xFFFFFFFF  }
0xc4: {  	_ =	strace $0x9000004B  }
0xc5: {  	_ =	sfence  }
0xc6: {  	s30 =	sld [smem:$0x0];
	_ =	sdelay $0x2  }
0xc7: {  	s31 =	sshll.u32 s1, $0xD;
	s1 =	sshrl.u32 s1, $0x2  }
0xc8: {  	s4 =	sand.u32 $0x4000, s31;
	s1 =	sadd.s32 s1, s30  }
0xc9: {  	s0 =	sor.u32 s4, s0;
	s1 =	sshll.u32 s1, $0x11  }
0xca: {  	s0 =	sor.u32 s1, s0  }
0xcb: {  	s0 =	sadd.s32 $0x8F2B, s0  }
0xcc: {  	[sflag:s0] =	ssyncadd.remote.s32 $0x1  }
0xcd: {  	_ =	sfence.sel $0xFFFF  }
0xce: {  	[dreg:$0x0] =	wrdreg $0xFFFFFFFF;
	(pc) =	sbr.abs _section_cstart, $3  }
0xcf: {  	[dreg:$0x1] =	wrdreg $0xFFFFFFFF  }
0xd0: {  	_ =	task.clear_ibuf [dreg:s22], $0x2FFFF;
	_ =	strace $0x9FFFFFFF  }
0xd1: {  	(tm) =	ssettm $0x7FFFFFFF  }
tec
execute0_lowered:
.L_overlay_start_1:
0x0: {  	(tag) =	ssettag $0x1  }
0x1: {  	s1 =	srdreg.scid  }
0x2: {  	s0 =	stileid.u32;
	s2 =	rddreg [dreg:$0x0]  }
0x3: {  	s6 =	rddreg [dreg:$0x1];
	s3 =	simm.s32 $0x0;
	s10 =	simm.s32 $0x4  }
0x4: {  	s11 =	simm.s32 $0x1400;
	s12 =	simm.s32 $0x80;
	s13 =	simm.s32 $0x2800  }
0x5: {  	s14 =	simm.s32 $0xA800;
	s15 =	simm.s32 $0x6800;
	s16 =	simm.s32 $0x1480  }
0x6: {  	s17 =	simm.s32 $0xE800;
	s18 =	simm.s32 $0x1;
	s19 =	simm.s32 $0x2  }
0x7: {  	s20 =	simm.s32 $0x3;
	s5 =	sand.u32 $0x1, s1;
	s30 =	sshll.u32 s0, $0x1  }
0x8: {  	s21 =	simm.s32 $0x0;
	[smem:$0x7FF] =	sst s3;
	s1 =	sor.u32 s5, s30  }
0x9: {  	p0 =	seq.s32 s0, $0x0;
	s31 =	ssub.s32 $0x2, s5;
	s4 =	smul.u32 $0x27, s1  }
.Ltmp0:
0xa: {  	s5 =	simm.s32 $0x28;
	s7 =	smin.u32 s1, $0x2;
	(pc) =	sbr.rel .LBB2_1-.Ltmp0, $4  }
0xb: {  	s1 =	rddreg [dreg:$0x2];
	_ =	strace $0x8000004A;
	s4 =	sadd.s32 s7, s4  }
0xc: {  	s9 =	sshrl.u32 s31, $0x1;
	s5 =	simm.s32 @!p0 $0x27;
	s7 =	sshll.u32 s4, $0x4  }
0xd: {  	s9 =	ssub.s32 s31, s9;
	s8 =	sadd.s32 s7, s6;
	s6 =	sadd.s32 $0x289C00, s6  }
0xe: {  	s9 =	smax.u32 s9, $0x1;
	s7 =	sadd.s32 $0x284C00, s8;
	s8 =	sadd.s32 $0x27FC00, s8  }
.LBB2_7:
0xf: {  	s21 =	sadd.s32 $0x1, s21  }
0x10: {  	p0 =	sne.s32 s21, s9  }
.Ltmp1:
0x11: {  	_ = 	snop;
	(pc) =	sbr.rel @!p0 .LBB2_8-.Ltmp1, $1  }
0x12: {  	_ =	sdelay $0x3  }
.LBB2_1:
0x13: {  	[tilespmem:s3], [sflag:$0x4] =	stream.linear.gather [hbm4b:s7+s3], $0x1400, $0x38;
	[tilespmem:$0x12800] =	vst v63  }
0x14: {  	_ =	swait.ge [sflag:s10], $0x1400  }
0x15: {  	[sflag:s10] =	ssyncset.done $0x0  }
0x16: {  	[sflag:s10] =	ssyncadd.s32 $0xFFFFEC00  }
0x17: {  	[tilespmem:s11], [sflag:$0x4] =	stream.linear.gather [hbm4b:s8+s3], $0x1400, $0x38;
	[tilespmem:$0x12800] =	vst v63  }
0x18: {  	_ =	swait.ge [sflag:s10], $0x1400  }
0x19: {  	[sflag:s10] =	ssyncset.done $0x0  }
0x1a: {  	[sflag:s10] =	ssyncadd.s32 $0xFFFFEC00  }
0x1b: {  	[tilespmem:s13], [sflag:$0x1] =	stream.indirect.gather [hbm4b:s2+s12], $0x80, s3, s12, $0xb8;
	[tilespmem:$0x12800] =	vst v63  }
0x1c: {  	_ = 	snop  }
0x1d: {  	[tilespmem:s14], [sflag:$0x2] =	stream.indirect.gather [hbm4b:s2+s12], $0x80, s11, s12, $0xb8;
	[tilespmem:$0x12800] =	vst v63  }
.Ltmp2:
0x1e: {  	_ = 	snop;
	(pc) =	sbr.rel .LBB2_2-.Ltmp2, $4  }
0x1f: {  	_ = 	snop  }
0x20: {  	[tilespmem:s15], [sflag:$0x1] =	stream.indirect.gather [hbm4b:s2+s12], $0x80, s12, s12, $0xb8;
	[tilespmem:$0x12800] =	vst v63  }
0x21: {  	p0 =	por $0x0, $0x0;
	s22 =	simm.s32 $0x0  }
0x22: {  	[tilespmem:s17], [sflag:$0x2] =	stream.indirect.gather [hbm4b:s2+s12], $0x80, s16, s12, $0xb8;
	[tilespmem:$0x12800] =	vst v63  }
.LBB2_6:
0x23: {  	s22 =	sadd.s32 $0x1, s22  }
0x24: {  	p1 =	sne.s32 s22, $0x28  }
.Ltmp3:
0x25: {  	_ = 	snop;
	(pc) =	sbr.rel @!p1 .LBB2_7-.Ltmp3, $2  }
0x26: {  	_ =	sdelay $0x2  }
0x27: {  	p0 =	por !p0, !p0  }
.LBB2_2:
0x28: {  	p1 =	sge.u32 s22, s5  }
.Ltmp4:
0x29: {  	_ = 	snop;
	(pc) =	sbr.rel @p1 .LBB2_6-.Ltmp4, $1  }
0x2a: {  	_ =	sdelay $0x3  }
0x2b: {  	s23 =	simm.s32 $0x1  }
0x2c: {  	s23 =	simm.s32 @!p0 $0x0  }
0x2d: {  	s23 =	sshll.u32 s23, $0xE  }
0x2e: {  	_ =	swait.ge [sflag:s18], $0x4000;
	s24 =	sor.u32 $0xA840, s23  }
0x2f: {  	[sflag:s18] =	ssyncset.done $0x0;
	v1 =	vmov s24  }
0x30: {  	[sflag:s18] =	ssyncadd.s32 $0xFFFFC000  }
0x31: {  	s25 =	sshll.u32 s22, $0xE;
	_ =	swait.ge [sflag:s19], $0x4000  }
0x32: {  	s26 =	sor.u32 $0x2870, s23;
	s23 =	sand.u32 $0x4000, s25;
	[sflag:s19] =	ssyncset.done $0x0  }
0x33: {  	s25 =	simm.s32 $0x200;
	v0 =	vmov s26;
	s24 =	simm.s32 $0x0;
	[sflag:s19] =	ssyncadd.s32 $0xFFFFC000  }
.LBB2_4:
0x34: {  	p1 =	sne.s32 s25, $0xFE00;
	v2 =	vld.idx.msk [tilespmem:v1+s24+$0x0 ss:$0x1], $0xffff;
	_ =	sdelay $0x5  }
0x35: {  	[tilespmem:v0+s24+$0xFFFFFFD0 ss:$0x1] =	vst.idx.msk $0xffff, v2  }
0x36: {  	v2 =	vld.idx.msk [tilespmem:v1+s24+$0x10 ss:$0x1], $0xffff;
	_ =	sdelay $0x5  }
0x37: {  	[tilespmem:v0+s24+$0xFFFFFFE0 ss:$0x1] =	vst.idx.msk $0xffff, v2  }
0x38: {  	v2 =	vld.idx.msk [tilespmem:v1+s24+$0x20 ss:$0x1], $0xffff;
	_ =	sdelay $0x5  }
0x39: {  	[tilespmem:v0+s24+$0xFFFFFFF0 ss:$0x1] =	vst.idx.msk $0xffff, v2  }
0x3a: {  	v2 =	vld.idx.msk [tilespmem:v1+s24+$0x30 ss:$0x1], $0xffff;
	_ =	sdelay $0x1  }
.Ltmp5:
0x3b: {  	(pc) =	sbr.rel @p1 .LBB2_4-.Ltmp5, $2  }
0x3c: {  	_ =	sdelay $0x2  }
0x3d: {  	[tilespmem:v0+s24+$0x0 ss:$0x1] =	vst.idx.msk $0xffff, v2;
	s24 =	sshra.s32 s25, $0x2;
	s25 =	sadd.s32 $0x200, s25  }
0x3e: {  	_ =	sdelay $0x3  }
0x3f: {  	v2 =	vld.idx.msk [tilespmem:v1+s24+$0x0 ss:$0x1], $0xffff;
	_ =	sdelay $0x4  }
0x40: {  	[tilespmem:v0+s24+$0xFFFFFFD0 ss:$0x1] =	vst.idx.msk $0xffff, v2  }
0x41: {  	v2 =	vld.idx.msk [tilespmem:v1+s24+$0x10 ss:$0x1], $0xffff;
	_ =	sdelay $0x4  }
0x42: {  	[tilespmem:v0+s24+$0xFFFFFFE0 ss:$0x1] =	vst.idx.msk $0xffff, v2  }
0x43: {  	v2 =	vld.idx.msk [tilespmem:v1+s24+$0x20 ss:$0x1], $0xffff;
	_ =	sdelay $0x4  }
0x44: {  	[tilespmem:v0+s24+$0xFFFFFFF0 ss:$0x1] =	vst.idx.msk $0xffff, v2  }
0x45: {  	v63 =	vld.idx.msk [tilespmem:v1+s24+$0x30 ss:$0x1], $0xffff;
	_ =	sdelay $0x1  }
0x46: {  	s25 =	sadd.s32 s4, s22  }
0x47: {  	s25 =	sshll.u32 s25, $0xB  }
0x48: {  	s25 =	sand.u32 $0x1FFFF800, s25  }
0x49: {  	s25 =	sadd.s32 s6, s25;
	[tilespmem:v0+s24+$0x0 ss:$0x1] =	vst.idx.msk $0xffff, v63;
	s24 =	sadd.s32 $0x2800, s23  }
0x4a: {  	[hbm4b:s25+s3] =	stream.linear.scatter [tilespmem:s24], [sflag:$0x3], $0x4000, $0x38;
	[tilespmem:$0x12800] =	vst v63  }
0x4b: {  	s25 =	sadd.s32 $0x2, s22;
	_ =	swait.ge [sflag:s20], $0x4000  }
.Ltmp6:
0x4c: {  	p1 =	sge.u32 s25, s5;
	[sflag:s20] =	ssyncset.done $0x0;
	(pc) =	sbr.rel .LBB2_6-.Ltmp6, $4  }
0x4d: {  	s25 =	sshll.u32 @!p1 s25, $0x7;
	s26 =	simm.s32 @!p1 $0x80;
	[sflag:s20] =	ssyncadd.s32 $0xFFFFC000  }
0x4e: {  	[tilespmem:s24], [sflag:$0x1] =	stream.indirect.gather @!p1 [hbm4b:s2+s26], $0x80, s25, s26, $0xb8;
	[tilespmem:$0x12800] =	vst v63  }
0x4f: {  	s23 =	sadd.s32 @!p1 $0xA800, s23;
	s24 =	sadd.s32 @!p1 $0x1400, s25  }
0x50: {  	[tilespmem:s23], [sflag:$0x2] =	stream.indirect.gather @!p1 [hbm4b:s2+s26], $0x80, s24, s26, $0xb8;
	[tilespmem:$0x12800] =	vst v63  }
.LBB2_8:
0x51: {  	_ =	sfence.sel $0x180000  }
0x52: {  	[bflag:$0x0] =	sbarrier.arrive $0xFFFF  }
0x53: {  	p0 =	sne.s32 s0, $0x0;
	_ =	strace $0x9000004A  }
0x54: {  	s0 =	sadd.s32 @!p0 $0x100000, s1;
	[bflag:$0x2] =	sbarrier.arrive $0xFFFF  }
0x55: {  	[sflag:s0] =	ssyncadd.tile.s32 @!p0 $0x1;
	_ =	shalt  }
.Lfunc_end2:
_tile_overlayer_lowered:
.L_overlay_start_2:
0x56: {  	(tag) =	ssettag $0x2  }
0x57: {  	s0 =	rddreg [dreg:$0x0];
	s2 =	stileid.u32  }
0x58: {  	s1 =	rddreg [dreg:$0x1];
	p0 =	sne.s32 s2, $0x0  }
0x59: {  	s3 =	rddreg [dreg:$0x2];
	[bflag:$0x3] =	sbarrier.arrive $0xFFFF;
	s2 =	simm.s32 @!p0 $0x1C04  }
0x5a: {  	[timem:s3], [sflag:s2] =	dma.local @!p0 [hbm:s0], s1  }
0x5b: {  	s0 =	simm.s32 @!p0 $0x4  }
0x5c: {  	_ =	swait.ge @!p0 [sflag:s0], s1  }
0x5d: {  	s1 =	ssub.s32 @!p0 $0x0, s1;
	[sflag:s0] =	ssyncset.done @!p0 $0x0  }
0x5e: {  	[sflag:s0] =	ssyncadd.s32 @!p0 s1  }
0x5f: {  	[bflag:$0x3] =	sbarrier.arrive $0xFFFF  }
0x60: {  	_ =	shalt  }

// kernel: kernel.13.cloned.1.call-start
scs
__scs_entry_jumppad:
0x0: {  	(pc) =	sbr.rel $0x88, $3  }
0x1: {  	(tag) =	ssettag $0x0;
	lr =	simm.s32 $0x1  }
0x2: {  	[smem:$0x3F92] =	sst lr;
	_ =	strace $0xD0000000  }
0x3: {  	_ = 	snop  }
0x4: {  	_ = 	snop  }
0x5: {  	_ = 	snop  }
0x6: {  	_ = 	snop  }
0x7: {  	_ = 	snop  }
__scs_overlays_trampoline_lowered:
0x8: {  	[smem:$0x3FA1] =	sst s0  }
0x9: {  	[smem:$0x3FA2] =	sst s1  }
0xa: {  	[smem:$0x3FA3] =	sst s2  }
0xb: {  	[smem:$0x3FA4] =	sst s3  }
0xc: {  	[smem:$0x3FA5] =	sst s4  }
0xd: {  	[smem:$0x3FA6] =	sst s5  }
0xe: {  	[smem:$0x3FA7] =	sst s6  }
0xf: {  	[smem:$0x3FA8] =	sst s7  }
0x10: {  	[smem:$0x3FA9] =	sst s8  }
0x11: {  	[smem:$0x3FAA] =	sst s9;
	s0 =	simm.s32 @!p0 $0x0  }
0x12: {  	s1 =	sld [smem:$0x3F90];
	s0 =	simm.s32 @p0 $0x1  }
0x13: {  	[smem:$0x3FAB] =	sst s0;
	s0 =	simm.s32 @!p1 $0x0  }
0x14: {  	s2 =	sld [smem:$0x3F8F];
	s0 =	simm.s32 @p1 $0x1  }
0x15: {  	[smem:$0x3FAC] =	sst s0;
	s0 =	simm.s32 @!p2 $0x0  }
0x16: {  	s3 =	sld [smem:$0x3FDB];
	s0 =	simm.s32 @p2 $0x1  }
0x17: {  	s4 =	simm.s32 $0x1BF5;
	[smem:$0x3FAE] =	sst s0  }
0x18: {  	s0 =	sld [smem:$0x3F91];
	_ =	swait.ge [sflag:s4], $0x0  }
0x19: {  	s7 =	sld [smem:$0x3F92]  }
0x1a: {  	s8 =	sadd.s32 $0xFFFFE003, lr  }
0x1b: {  	s9 =	sadd.s32 $0xFFFFFEF7, lr;
	s5 =	simm.s32 $0xFFFFFFFF;
	p2 =	slt.u32 s8, $0xFFFFF086  }
0x1c: {  	p1 =	slt.u32 s9, $0xF7A;
	s5 =	simm.s32 @!p2 $0x0  }
0x1d: {  	s5 =	simm.s32 @p1 $0x1;
	p0 =	seq.s32 s7, s2  }
0x1e: {  	s7 =	smul.u32 @!p0 $0xF7A, s2;
	p2 =	seq.s32 @!p0 s5, $0x0  }
0x1f: {  	s9 =	smul.u32 $0xF7A, s1;
	s8 =	simm.s32 @!p0 $0x1BF5;
	p2 =	por !p2, p0  }
0x20: {  	[sflag:s8] =	ssyncset.s32 @!p0 $0xFFFFF086;
	s6 =	sadd.s32 @!p0 s3, s7;
	s7 =	simm.s32 @!p0 $0x108  }
0x21: {  	s3 =	sadd.s32 s3, s9;
	s6 =	sadd.s32 @!p0 $0x88, s6;
	s7 =	simm.s32 @p2 $0x1082  }
0x22: {  	[simem:s7], [sflag:s8] =	dma.local @!p0 [hbm:s6], $0xF7A  }
0x23: {  	s9 =	sor.u32 $0xD0000000, s2;
	s6 =	simm.s32 $0x108;
	_ =	swait.ge @!p0 [sflag:s8], $0x0  }
0x24: {  	s3 =	sadd.s32 $0x88, s3;
	s6 =	simm.s32 @!p1 $0x1082;
	[sflag:s4] =	ssyncset.s32 $0xFFFFF086  }
0x25: {  	[simem:s6], [sflag:s4] =	dma.local [hbm:s3], $0xF7A  }
0x26: {  	[smem:$0x3F92] =	sst s1;
	(tag) =	ssettag s2;
	_ =	strace s9  }
0x27: {  	s1 =	sld [smem:$0x3FA2]  }
0x28: {  	s2 =	sld [smem:$0x3FA3]  }
0x29: {  	s4 =	sld [smem:$0x3FA5]  }
0x2a: {  	p0 =	seq.s32 s5, $0x0;
	s5 =	sld [smem:$0x3FA6]  }
0x2b: {  	s6 =	sld [smem:$0x3FA7]  }
0x2c: {  	s7 =	sld [smem:$0x3FA8]  }
0x2d: {  	s3 =	simm.s32 $0x108;
	s8 =	sld [smem:$0x3FA9]  }
0x2e: {  	s3 =	simm.s32 @!p0 $0x1082;
	s9 =	sld [smem:$0x3FAA]  }
0x2f: {  	lr =	sadd.s32 s0, s3;
	s0 =	sld [smem:$0x3FA1]  }
0x30: {  	s3 =	sld [smem:$0x3FA4]  }
0x31: {  	[smem:$0x3FAD] =	sst s10  }
0x32: {  	s10 =	sld [smem:$0x3FAB];
	_ =	sdelay $0x3  }
0x33: {  	p0 =	seq.s32 s10, $0x1;
	s10 =	sld [smem:$0x3FAD];
	_ =	sdelay $0x3  }
0x34: {  	[smem:$0x3FAD] =	sst s10  }
0x35: {  	s10 =	sld [smem:$0x3FAC];
	_ =	sdelay $0x3  }
0x36: {  	p1 =	seq.s32 s10, $0x1;
	s10 =	sld [smem:$0x3FAD];
	_ =	sdelay $0x3  }
0x37: {  	[smem:$0x3FAD] =	sst s10  }
0x38: {  	s10 =	sld [smem:$0x3FAE]  }
0x39: {  	_ = 	snop;
	(pc) =	sbr.ind lr, $3  }
0x3a: {  	_ = 	snop  }
0x3b: {  	_ = 	snop  }
0x3c: {  	p2 =	seq.s32 s10, $0x1;
	s10 =	sld [smem:$0x3FAD]  }
0x3d: {  	_ =	shalt  }
0x3e: {  	_ =	shalt  }
0x3f: {  	_ =	shalt  }
0x40: {  	_ =	shalt  }
0x41: {  	_ =	shalt  }
0x42: {  	_ =	shalt  }
0x43: {  	_ =	shalt  }
0x44: {  	_ =	shalt  }
0x45: {  	_ =	shalt  }
0x46: {  	_ =	shalt  }
0x47: {  	_ =	shalt  }
0x48: {  	_ =	shalt  }
0x49: {  	_ =	shalt  }
0x4a: {  	_ =	shalt  }
0x4b: {  	_ =	shalt  }
0x4c: {  	_ =	shalt  }
0x4d: {  	_ =	shalt  }
0x4e: {  	_ =	shalt  }
0x4f: {  	_ =	shalt  }
0x50: {  	_ =	shalt  }
0x51: {  	_ =	shalt  }
0x52: {  	_ =	shalt  }
0x53: {  	_ =	shalt  }
0x54: {  	_ =	shalt  }
0x55: {  	_ =	shalt  }
0x56: {  	_ =	shalt  }
0x57: {  	_ =	shalt  }
0x58: {  	_ =	shalt  }
0x59: {  	_ =	shalt  }
0x5a: {  	_ =	shalt  }
0x5b: {  	_ =	shalt  }
0x5c: {  	_ =	shalt  }
0x5d: {  	_ =	shalt  }
0x5e: {  	_ =	shalt  }
0x5f: {  	_ =	shalt  }
0x60: {  	_ =	shalt  }
0x61: {  	_ =	shalt  }
0x62: {  	_ =	shalt  }
0x63: {  	_ =	shalt  }
0x64: {  	_ =	shalt  }
0x65: {  	_ =	shalt  }
0x66: {  	_ =	shalt  }
0x67: {  	_ =	shalt  }
0x68: {  	_ =	shalt  }
0x69: {  	_ =	shalt  }
0x6a: {  	_ =	shalt  }
0x6b: {  	_ =	shalt  }
0x6c: {  	_ =	shalt  }
0x6d: {  	_ =	shalt  }
0x6e: {  	_ =	shalt  }
0x6f: {  	_ =	shalt  }
0x70: {  	_ =	shalt  }
0x71: {  	_ =	shalt  }
0x72: {  	_ =	shalt  }
0x73: {  	_ =	shalt  }
0x74: {  	_ =	shalt  }
0x75: {  	_ =	shalt  }
0x76: {  	_ =	shalt  }
0x77: {  	_ =	shalt  }
0x78: {  	_ =	shalt  }
0x79: {  	_ =	shalt  }
0x7a: {  	_ =	shalt  }
0x7b: {  	_ =	shalt  }
0x7c: {  	_ =	shalt  }
0x7d: {  	_ =	shalt  }
0x7e: {  	_ =	shalt  }
0x7f: {  	_ =	shalt  }
0x80: {  	_ =	shalt  }
0x81: {  	_ =	shalt  }
0x82: {  	_ =	shalt  }
0x83: {  	_ =	shalt  }
0x84: {  	_ =	shalt  }
0x85: {  	_ =	shalt  }
0x86: {  	_ =	shalt  }
0x87: {  	_ =	shalt  }
.Lfunc_end0:
.L_simem_size_0:
called_computation.1_lowered:
.L_overlay_start_0:
0x88: {  	s2 =	sld [smem:$0x3FD9]  }
0x89: {  	s3 =	sld [smem:$0x3FFE];
	_ =	sdelay $0x1  }
0x8a: {  	s1 =	srdreg.scid  }
0x8b: {  	s0 =	sand.u32 $0x1, s1  }
0x8c: {  	s17 =	sshll.u32 s0, $0xA;
	s2 =	sadd.s32 s3, s2  }
0x8d: {  	s2 =	sadd.s32 s2, s17  }
0x8e: {  	[smem:$0x3FB9] =	sst s2  }
0x8f: {  	_ = 	snop  }
0x90: {  	(tm) =	ssettm $0x1  }
0x91: {  	s18 =	sld [smem:$0x3FFB];
	_ =	sdelay $0x3  }
0x92: {  	_ =	strace s18  }
0x93: {  	s2 =	sld [smem:$0x3FFC];
	_ =	sdelay $0x3  }
0x94: {  	_ =	strace s2  }
0x95: {  	s2 =	sld [smem:$0x3FFD];
	_ =	sdelay $0x3  }
0x96: {  	_ =	strace s2  }
0x97: {  	_ =	strace $0x8FFFFFFF  }
0x98: {  	s19 =	sld [smem:$0x3FDB];
	_ =	sdelay $0x1  }
0x99: {  	s20 =	simm.s32 $_scs_section_size  }
0x9a: {  	s4 =	simm.s32 $_size__tile_overlayer_lowered;
	s5 =	simm.s32 $_tile_overlayer_lowered  }
0x9b: {  	s6 =	simm.s32 $0x1BFF;
	s21 =	sshll.u32 s5, $0x1;
	s3 =	sadd.s32 s20, s19  }
0x9c: {  	s22 =	simm.s32 $0x0;
	s4 =	sshll.u32 s4, $0x1;
	s5 =	sadd.s32 s21, s3  }
0x9d: {  	[timem:s22], [sflag:s6] =	dma.local [hbm:s5], s4  }
0x9e: {  	_ =	swait.ge [sflag:s6], s4  }
0x9f: {  	s4 =	ssub.s32 $0x0, s4;
	[sflag:s6] =	ssyncset.done $0x0  }
0xa0: {  	[sflag:s6] =	ssyncadd.s32 s4;
	_ =	sdelay $0x1  }
0xa1: {  	s23 =	simm.s32 $0x1B8B  }
0xa2: {  	_ =	swait.ge [sflag:s23], $0x1  }
0xa3: {  	[sflag:s23] =	ssyncset.done $0x0  }
0xa4: {  	[sflag:s23] =	ssyncadd.s32 $0xFFFFFFFF  }
0xa5: {  	s4 =	sld [smem:$0x0]  }
0xa6: {  	s5 =	sand.u32 $0xFFFFFFFE, s1  }
0xa7: {  	p0 =	sne.s32 s1, s5  }
0xa8: {  	s5 =	sshll.u32 @p0 s5, $0xE  }
0xa9: {  	s5 =	sadd.s32 @p0 $0x11B8D, s5;
	s6 =	sshll.u32 @p0 s4, $0x11  }
0xaa: {  	s5 =	sor.u32 @p0 s6, s5  }
0xab: {  	[sflag:s5] =	ssyncadd.remote.s32 @p0 $0x1;
	_ =	sdelay $0x1  }
0xac: {  	s5 =	simm.s32 @p0 $0x1B8D  }
0xad: {  	_ =	swait.eq @p0 [sflag:s5], $0x1  }
0xae: {  	[sflag:s5] =	ssyncadd.s32 @p0 $0xFFFFFFFF  }
0xaf: {  	s6 =	sshll.u32 @!p0 s1, $0xE  }
0xb0: {  	s6 =	sor.u32 @!p0 $0x4000, s6;
	s5 =	simm.s32 @!p0 $0x1B8D  }
0xb1: {  	s4 =	sshll.u32 @!p0 s4, $0x11;
	s6 =	sadd.s32 @!p0 $0x11B8D, s6;
	_ =	swait.eq @!p0 [sflag:s5], $0x1  }
0xb2: {  	s4 =	sor.u32 @!p0 s4, s6;
	[sflag:s5] =	ssyncadd.s32 @!p0 $0xFFFFFFFF  }
0xb3: {  	s25 =	simm.s32 $0x1B8E;
	s24 =	sld [smem:$0x3FFE];
	[sflag:s4] =	ssyncadd.remote.s32 @!p0 $0x1  }
0xb4: {  	s26 =	simm.s32 $execute0_lowered;
	[smem:$0x3FD2] =	sst s25  }
0xb5: {  	s5 =	sshll.u32 s26, $0x1;
	_ =	strace $0x80000055;
	[dreg:$0x1] =	wrdreg $0xFFFFFFFF  }
0xb6: {  	s28 =	simm.s32 $_size_execute0_lowered;
	s3 =	sadd.s32 s3, s5;
	[dreg:$0x0] =	wrdreg $0x0  }
0xb7: {  	s5 =	sshll.u32 s28, $0x1;
	[dreg:$0x2] =	wrdreg s3  }
0xb8: {  	[dreg:$0x3] =	wrdreg s5  }
0xb9: {  	[dreg:$0x4] =	wrdreg $0xC0  }
0xba: {  	_ =	task [dreg:s22], $0x5FFFF  }
0xbb: {  	[dreg:$0x1] =	wrdreg $0xFFFFFFFF  }
0xbc: {  	[dreg:$0x0] =	wrdreg $0x60  }
0xbd: {  	[dreg:$0x2] =	wrdreg s24  }
0xbe: {  	[dreg:$0x3] =	wrdreg $0x0  }
0xbf: {  	[dreg:$0x4] =	wrdreg $0x9  }
0xc0: {  	_ =	task.clear_ibuf [dreg:s22], $0x5FFFF;
	_ =	strace $0x90000055  }
0xc1: {  	s29 =	simm.s32 $0x9;
	_ =	strace $0x8000005D  }
0xc2: {  	_ =	swait.ge [sflag:s29], $0x1  }
0xc3: {  	[sflag:s29] =	ssyncadd.s32 $0xFFFFFFFF  }
0xc4: {  	_ =	strace $0x9000005D  }
0xc5: {  	_ =	sfence  }
0xc6: {  	s30 =	sld [smem:$0x0];
	_ =	sdelay $0x2  }
0xc7: {  	s31 =	sshll.u32 s1, $0xD;
	s1 =	sshrl.u32 s1, $0x2  }
0xc8: {  	s4 =	sand.u32 $0x4000, s31;
	s1 =	sadd.s32 s1, s30  }
0xc9: {  	s0 =	sor.u32 s4, s0;
	s1 =	sshll.u32 s1, $0x11  }
0xca: {  	s0 =	sor.u32 s1, s0  }
0xcb: {  	s0 =	sadd.s32 $0x8F2B, s0  }
0xcc: {  	[sflag:s0] =	ssyncadd.remote.s32 $0x1  }
0xcd: {  	_ =	sfence.sel $0xFFFF  }
0xce: {  	[dreg:$0x0] =	wrdreg $0xFFFFFFFF;
	(pc) =	sbr.abs _section_cstart, $3  }
0xcf: {  	[dreg:$0x1] =	wrdreg $0xFFFFFFFF  }
0xd0: {  	_ =	task.clear_ibuf [dreg:s22], $0x2FFFF;
	_ =	strace $0x9FFFFFFF  }
0xd1: {  	(tm) =	ssettm $0x7FFFFFFF  }
tec
execute0_lowered:
.L_overlay_start_1:
0x0: {  	(tag) =	ssettag $0x1  }
0x1: {  	s0 =	rddreg [dreg:$0x0]  }
0x2: {  	s2 =	rddreg [dreg:$0x1]  }
0x3: {  	s11 =	stileid.u32;
	s1 =	srdreg.scid;
	s3 =	simm.s32 $0x0  }
0x4: {  	s18 =	simm.s32 $0x80;
	s19 =	simm.s32 $0x5;
	s20 =	simm.s32 $0x1  }
0x5: {  	s6 =	smul.u32 $0x14000, s11;
	s1 =	sand.u32 $0x1, s1;
	s4 =	sadd.s32 $0x9FA600, s0  }
0x6: {  	[smem:$0x7FF] =	sst s3;
	s5 =	sadd.s32 $0x784600, s0;
	s23 =	smul.u32 $0x50000, s11  }
0x7: {  	s21 =	simm.s32 $0x0;
	s7 =	smul.u32 $0x140000, s1;
	_ =	strace $0x80000056  }
0x8: {  	s9 =	sshll.u32 s1, $0x4;
	s1 =	ssub.s32 $0x2, s1;
	s8 =	sshrl.u32 s6, $0x3  }
0x9: {  	s24 =	sor.u32 s11, s9;
	s25 =	sshrl.u32 s1, $0x1;
	s11 =	sshll.u32 s11, $0x6  }
0xa: {  	s8 =	sadd.s32 s8, s0;
	s6 =	sadd.s32 s6, s7;
	s10 =	smul.u32 $0x27, s24  }
0xb: {  	s7 =	sshrl.u32 s23, $0x2;
	s1 =	ssub.s32 s1, s25;
	s9 =	smul.u32 $0x28, s24  }
0xc: {  	p0 =	slt.u32 s24, $0x2;
	s6 =	sshrl.u32 s6, $0x3;
	s15 =	sadd.s32 s7, s2  }
0xd: {  	s26 =	sadd.s32 $0x50E600, s8;
	s0 =	sadd.s32 s6, s0;
	s6 =	sadd.s32 $0x2, s10  }
0xe: {  	s8 =	sor.u32 $0x1C01, s11;
	s14 =	smax.u32 s1, $0x1;
	s6 =	smov.u32 @p0 s9  }
0xf: {  	[dreg:$0x3] =	wrdreg s26;
	s9 =	simm.s32 $0x28;
	s28 =	sshll.u32 s6, $0xB  }
0x10: {  	s0 =	sadd.s32 $0x586600, s0;
	s29 =	sshll.u32 s6, $0x4;
	s10 =	sand.u32 $0x1FFFF800, s28  }
0x11: {  	[dreg:$0x6] =	wrdreg s0;
	s11 =	sand.u32 $0x1FFFFFF0, s29;
	s30 =	sadd.s32 s4, s10  }
0x12: {  	s9 =	simm.s32 @!p0 $0x27;
	s31 =	sadd.s32 s5, s11;
	[dreg:$0x4] =	wrdreg s30  }
0x13: {  	s15 =	sshrl.u32 s15, $0x3;
	s12 =	sadd.s32 $0xFFFFFFFF, s9;
	[dreg:$0x5] =	wrdreg s31  }
.LBB2_1:
0x14: {  	s0 =	rddreg [dreg:$0x3]  }
0x15: {  	[spmem:s15], [sflag:s8] =	dma.local [hbm:s0], $0x2800  }
0x16: {  	_ =	swait.ge [sflag:s20], $0x2800  }
0x17: {  	[sflag:s20] =	ssyncset.done $0x0  }
0x18: {  	[sflag:s20] =	ssyncadd.s32 $0xFFFFD800  }
0x19: {  	s1 =	simm.s32 $0x14000;
	[bflag:$0x0] =	sbarrier.arrive $0xFFFF  }
0x1a: {  	s31 =	simm.s32 $0x1C000;
	p1 =	sne.s32 s12, $0x1;
	_ =	strace $0x80000057  }
.Ltmp0:
0x1b: {  	p0 =	seq.s32 s9, $0x1;
	s29 =	rddreg [dreg:$0x4];
	(pc) =	sbr.rel @!p1 .LBB2_2-.Ltmp0, $4  }
0x1c: {  	[tilespmem:s1], [sflag:$0x1] =	stream.linear.gather [hbm4b:s29+s3], $0x4000, $0x200038;
	[tilespmem:$0x1C100] =	vst v63  }
0x1d: {  	s22 =	simm.s32 $0x1;
	s23 =	simm.s32 $0x1;
	s30 =	rddreg [dreg:$0x5]  }
0x1e: {  	[tilespmem:s31], [sflag:$0x3] =	stream.linear.gather [hbm4b:s30+s3], $0x80, $0x200038;
	[tilespmem:$0x1C100] =	vst v63  }
0x1f: {  	s22 =	simm.s32 @p0 $0x0;
	p0 =	por $0x0, $0x0;
	_ =	strace $0x90000057  }
0x20: {  	p0 =	seq.s32 s22, $0x0;
	s23 =	simm.s32 $0x2;
	s17 =	simm.s32 $0x0  }
0x21: {  	p1 =	sne.s32 s12, $0x2;
	s31 =	simm.s32 $0x1;
	s0 =	sadd.s32 @!p0 s6, s22  }
0x22: {  	s1 =	sand.u32 @!p0 $0x1, s20;
	s26 =	simm.s32 @!p0 $0x0;
	s29 =	simm.s32 @!p0 $0x1  }
0x23: {  	_ =	strace @!p0 $0x80000058;
	s16 =	sshll.u32 @!p0 s0, $0xB;
	s24 =	sshll.u32 @!p0 s1, $0xE  }
0x24: {  	s25 =	sadd.s32 @!p0 $0x1, s1;
	s0 =	sshll.u32 @!p0 s0, $0x4;
	s28 =	sshll.u32 @!p0 s1, $0x7  }
0x25: {  	s1 =	sadd.s32 @!p0 $0x3, s1;
	s29 =	simm.s32 @p0 $0x0;
	s16 =	sand.u32 @!p0 $0x1FFFF800, s16  }
0x26: {  	s24 =	sadd.s32 @!p0 $0x14000, s24;
	s0 =	sand.u32 @!p0 $0x1FFFFFF0, s0;
	s16 =	sadd.s32 @!p0 s4, s16  }
0x27: {  	[tilespmem:s24], [sflag:s25] =	stream.linear.gather @!p0 [hbm4b:s16+s26], $0x4000, $0x200038;
	[tilespmem:$0x1C100] =	vst v63  }
0x28: {  	s28 =	sor.u32 @!p0 $0x1C000, s28;
	s0 =	sadd.s32 @!p0 s5, s0;
	_ =	strace @!p0 $0x90000058  }
0x29: {  	s24 =	sadd.s32 $0x1, s29;
	s25 =	sand.u32 $0x1, s3;
	_ =	strace @!p0 $0x80000059  }
0x2a: {  	[tilespmem:s28], [sflag:s1] =	stream.linear.gather @!p0 [hbm4b:s0+s26], $0x80, $0x200038;
	[tilespmem:$0x1C100] =	vst v63  }
0x2b: {  	s29 =	sadd.s32 $0x1, s22;
	s30 =	sadd.s32 $0x1, s25;
	_ =	strace @!p0 $0x90000059  }
0x2c: {  	s26 =	simm.s32 $0x0;
	s0 =	sadd.s32 $0x3, s25;
	_ =	strace $0x8000005A  }
0x2d: {  	s1 =	sand.u32 $0x4000, s17;
	s28 =	simm.s32 $0x0;
	_ =	swait.ge [sflag:s30], $0x4000  }
0x2e: {  	s16 =	sand.u32 $0x80, s26;
	s26 =	simm.s32 @!p0 $0x2;
	[sflag:s30] =	ssyncset.done $0x0  }
.Ltmp1:
0x2f: {  	s1 =	sadd.s32 $0x14000, s1;
	[sflag:s30] =	ssyncadd.s32 $0xFFFFC000;
	(pc) =	sbr.rel @!p1 .LBB2_4-.Ltmp1, $4  }
0x30: {  	s26 =	smov.u32 @p0 s20;
	p0 =	sne.s32 s22, $0x0;
	_ =	strace $0x9000005A  }
0x31: {  	s31 =	simm.s32 @!p0 $0x0;
	p0 =	seq.s32 s29, s9;
	_ =	strace $0x8000005B  }
0x32: {  	s16 =	sor.u32 $0x1C000, s16;
	s29 =	simm.s32 @p0 $0x0;
	_ =	swait.ge [sflag:s0], $0x80  }
0x33: {  	s25 =	sadd.s32 $0x0, s31;
	p0 =	por $0x1, $0x1;
	[sflag:s0] =	ssyncset.done $0x0  }
.LBB2_5:
0x34: {  	s30 =	smov.u32 s26  }
0x35: {  	s23 =	sadd.s32 $0x1, s23;
	p1 =	seq.s32 s22, s29;
	s28 =	sadd.s32 s31, s28  }
0x36: {  	s26 =	sadd.s32 @!p1 s6, s29;
	s31 =	sand.u32 @!p1 $0x1, s30;
	[sflag:s0] =	ssyncadd.s32 $0xFFFFFF80  }
0x37: {  	s0 =	sshll.u32 @!p1 s31, $0xE;
	s17 =	sshll.u32 @!p1 s26, $0xB;
	_ =	strace $0x9000005B  }
0x38: {  	s7 =	sand.u32 @!p1 $0x1, s24;
	s17 =	sand.u32 @!p1 $0x1FFFF800, s17;
	_ =	strace $0x8000005C  }
0x39: {  	[spmem:s2] =	stream.indirect.scatter.add.f32 [tilespmem:s1], [sflag:$0x5], $0x80, s16, s18, $0x2000b8;
	[tilespmem:$0x1C100] =	vst v63  }
0x3a: {  	s26 =	sshll.u32 @!p1 s26, $0x4;
	s1 =	sadd.s32 @!p1 $0x1, s31;
	s16 =	simm.s32 @!p1 $0x0  }
0x3b: {  	s0 =	sadd.s32 @!p1 $0x14000, s0;
	s26 =	sand.u32 @!p1 $0x1FFFFFF0, s26;
	s31 =	sshll.u32 @!p1 s7, $0x7  }
0x3c: {  	s10 =	simm.s32 @!p1 $0x1;
	s31 =	sor.u32 @!p1 $0x1C000, s31;
	_ =	swait.ge [sflag:s19], $0x4000  }
0x3d: {  	s17 =	sadd.s32 @!p1 s4, s17;
	s7 =	sadd.s32 @!p1 $0x3, s7;
	[sflag:s19] =	ssyncset.done $0x0  }
0x3e: {  	s10 =	simm.s32 @p1 $0x0;
	s11 =	sadd.s32 @!p1 s5, s26;
	[sflag:s19] =	ssyncadd.s32 $0xFFFFC000  }
0x3f: {  	s24 =	sadd.s32 s24, s10;
	s10 =	sshll.u32 s28, $0xE;
	_ =	strace $0x9000005C  }
0x40: {  	s13 =	sshll.u32 s25, $0x7;
	s26 =	sand.u32 $0x1, s28;
	_ =	strace @!p1 $0x80000058  }
0x41: {  	[tilespmem:s0], [sflag:s1] =	stream.linear.gather @!p1 [hbm4b:s17+s16], $0x4000, $0x200038;
	[tilespmem:$0x1C100] =	vst v63  }
0x42: {  	s13 =	sand.u32 $0x80, s13;
	s1 =	sadd.s32 $0x1, s26;
	_ =	strace @!p1 $0x90000058  }
0x43: {  	s26 =	sadd.s32 @!p1 $0x1, s30;
	s0 =	sand.u32 $0x1, s25;
	_ =	strace @!p1 $0x80000059  }
0x44: {  	[tilespmem:s31], [sflag:s7] =	stream.linear.gather @!p1 [hbm4b:s11+s16], $0x80, $0x200038;
	[tilespmem:$0x1C100] =	vst v63  }
0x45: {  	s26 =	smov.u32 @p1 s30;
	s0 =	sadd.s32 $0x3, s0;
	_ =	strace @!p1 $0x90000059  }
0x46: {  	p1 =	sne.s32 s12, s23;
	_ =	strace $0x8000005A  }
0x47: {  	p2 =	sne.s32 s22, s29;
	_ =	swait.ge [sflag:s1], $0x4000  }
0x48: {  	s22 =	smov.u32 s29;
	s31 =	simm.s32 $0x1;
	[sflag:s1] =	ssyncset.done $0x0  }
.Ltmp2:
0x49: {  	[sflag:s1] =	ssyncadd.s32 $0xFFFFC000;
	s1 =	sand.u32 $0x4000, s10;
	(pc) =	sbr.rel @p1 .LBB2_5-.Ltmp2, $4  }
0x4a: {  	s29 =	sadd.s32 $0x1, s29;
	s31 =	simm.s32 @!p2 $0x0;
	_ =	strace $0x9000005A  }
0x4b: {  	p2 =	seq.s32 s29, s9;
	s1 =	sadd.s32 $0x14000, s1;
	_ =	strace $0x8000005B  }
0x4c: {  	s16 =	sor.u32 $0x1C000, s13;
	s29 =	simm.s32 @p2 $0x0;
	_ =	swait.ge [sflag:s0], $0x80  }
0x4d: {  	s25 =	sadd.s32 s31, s25;
	[sflag:s0] =	ssyncset.done $0x0  }
0x4e: {  	s30 =	smov.u32 s22;
	s22 =	smov.u32 s29  }
.LBB2_7:
0x4f: {  	[sflag:s0] =	ssyncadd.s32 @p0 $0xFFFFFF80  }
0x50: {  	_ =	strace @p0 $0x9000005B  }
0x51: {  	p1 =	seq.s32 s30, s22;
	_ =	strace @p0 $0x8000005C  }
0x52: {  	[spmem:s2] =	stream.indirect.scatter.add.f32 @p0 [tilespmem:s1], [sflag:$0x5], $0x80, s16, s18, $0x2000b8;
	[tilespmem:$0x1C100] =	vst v63  }
0x53: {  	s0 =	sadd.s32 @!p1 s6, s22;
	s11 =	simm.s32 @!p1 $0x0;
	_ =	swait.ge @p0 [sflag:s19], $0x4000  }
0x54: {  	s7 =	sshll.u32 @!p1 s0, $0xB;
	s0 =	sshll.u32 @!p1 s0, $0x4;
	[sflag:s19] =	ssyncset.done @p0 $0x0  }
0x55: {  	s1 =	sand.u32 @!p1 $0x1, s26;
	s7 =	sand.u32 @!p1 $0x1FFFF800, s7;
	[sflag:s19] =	ssyncadd.s32 @p0 $0xFFFFC000  }
0x56: {  	s10 =	sshll.u32 @!p1 s1, $0xE;
	s1 =	sadd.s32 @!p1 $0x1, s1;
	_ =	strace @p0 $0x9000005C  }
0x57: {  	s7 =	sadd.s32 @!p1 s4, s7;
	s10 =	sadd.s32 @!p1 $0x14000, s10;
	_ =	strace @!p1 $0x80000058  }
0x58: {  	[tilespmem:s10], [sflag:s1] =	stream.linear.gather @!p1 [hbm4b:s7+s11], $0x4000, $0x200038;
	[tilespmem:$0x1C100] =	vst v63  }
0x59: {  	s0 =	sand.u32 @!p1 $0x1FFFFFF0, s0;
	s1 =	sand.u32 @!p1 $0x1, s24  }
0x5a: {  	s0 =	sadd.s32 @!p1 s5, s0;
	s7 =	sshll.u32 @!p1 s1, $0x7;
	_ =	strace @!p1 $0x90000058  }
0x5b: {  	s1 =	sadd.s32 @!p1 $0x3, s1;
	s7 =	sor.u32 @!p1 $0x1C000, s7;
	_ =	strace @!p1 $0x80000059  }
0x5c: {  	[tilespmem:s7], [sflag:s1] =	stream.linear.gather @!p1 [hbm4b:s0+s11], $0x80, $0x200038;
	[tilespmem:$0x1C100] =	vst v63  }
0x5d: {  	s1 =	sadd.s32 @p0 s31, s28;
	s0 =	simm.s32 $0x0  }
0x5e: {  	s0 =	smov.u32 @p0 s1  }
0x5f: {  	_ =	strace @!p1 $0x90000059;
	s1 =	sand.u32 $0x1, s0  }
0x60: {  	_ =	strace $0x8000005A;
	s1 =	sadd.s32 $0x1, s1  }
0x61: {  	_ =	swait.ge [sflag:s1], $0x4000  }
0x62: {  	[sflag:s1] =	ssyncset.done $0x0  }
0x63: {  	[sflag:s1] =	ssyncadd.s32 $0xFFFFC000  }
0x64: {  	s13 =	sand.u32 $0x1, s25;
	_ =	strace $0x9000005A  }
0x65: {  	s1 =	sadd.s32 $0x3, s13;
	_ =	strace $0x8000005B  }
0x66: {  	_ =	swait.ge [sflag:s1], $0x80  }
0x67: {  	[sflag:s1] =	ssyncset.done $0x0  }
0x68: {  	s17 =	sshll.u32 s25, $0x7;
	s16 =	sshll.u32 s0, $0xE;
	[sflag:s1] =	ssyncadd.s32 $0xFFFFFF80  }
0x69: {  	s28 =	sand.u32 $0x80, s17;
	s7 =	sand.u32 $0x4000, s16;
	_ =	strace $0x9000005B  }
0x6a: {  	s7 =	sadd.s32 $0x14000, s7;
	s1 =	sor.u32 $0x1C000, s28;
	_ =	strace $0x8000005C  }
0x6b: {  	[spmem:s2] =	stream.indirect.scatter.add.f32 [tilespmem:s7], [sflag:$0x5], $0x80, s1, s18, $0x2000b8;
	[tilespmem:$0x1C100] =	vst v63  }
0x6c: {  	s1 =	sadd.s32 $0x1, s22  }
0x6d: {  	p0 =	seq.s32 s1, s9  }
0x6e: {  	_ =	swait.ge [sflag:s19], $0x4000;
	s1 =	simm.s32 @p0 $0x0;
	p0 =	sge.u32 s23, s12  }
0x6f: {  	[sflag:s19] =	ssyncset.done $0x0;
	p2 =	seq.s32 @!p0 s22, s1  }
0x70: {  	s7 =	sadd.s32 @!p1 $0x1, s26;
	[sflag:s19] =	ssyncadd.s32 $0xFFFFC000;
	p0 =	por p2, p0  }
0x71: {  	s7 =	smov.u32 @p1 s26;
	_ =	strace $0x9000005C;
	s1 =	sadd.s32 @!p0 s6, s1  }
0x72: {  	s7 =	sand.u32 @!p0 $0x1, s7;
	_ =	strace @!p0 $0x80000058;
	s11 =	sshll.u32 @!p0 s1, $0xB  }
0x73: {  	s13 =	simm.s32 @!p0 $0x0;
	s10 =	sshll.u32 @!p0 s7, $0xE;
	s11 =	sand.u32 @!p0 $0x1FFFF800, s11  }
0x74: {  	s7 =	sadd.s32 @!p0 $0x1, s7;
	s10 =	sadd.s32 @!p0 $0x14000, s10;
	s11 =	sadd.s32 @!p0 s4, s11  }
0x75: {  	[tilespmem:s10], [sflag:s7] =	stream.linear.gather @!p0 [hbm4b:s11+s13], $0x4000, $0x200038;
	[tilespmem:$0x1C100] =	vst v63  }
0x76: {  	s7 =	simm.s32 @!p1 $0x1  }
0x77: {  	s7 =	simm.s32 @p1 $0x0  }
0x78: {  	s1 =	sshll.u32 @!p0 s1, $0x4;
	s7 =	sadd.s32 s24, s7  }
0x79: {  	s1 =	sand.u32 @!p0 $0x1FFFFFF0, s1;
	s7 =	sand.u32 @!p0 $0x1, s7  }
0x7a: {  	s1 =	sadd.s32 @!p0 s5, s1;
	_ =	strace @!p0 $0x90000058;
	s10 =	sshll.u32 @!p0 s7, $0x7  }
0x7b: {  	_ =	strace @!p0 $0x80000059;
	s7 =	sadd.s32 @!p0 $0x3, s7;
	s10 =	sor.u32 @!p0 $0x1C000, s10  }
0x7c: {  	[tilespmem:s10], [sflag:s7] =	stream.linear.gather @!p0 [hbm4b:s1+s13], $0x80, $0x200038;
	[tilespmem:$0x1C100] =	vst v63  }
0x7d: {  	p1 =	sne.s32 s30, s22;
	s1 =	simm.s32 $0x1  }
0x7e: {  	s1 =	simm.s32 @!p1 $0x0  }
0x7f: {  	s0 =	sadd.s32 s1, s0  }
0x80: {  	_ =	strace @!p0 $0x90000059;
	s29 =	sand.u32 $0x1, s0  }
0x81: {  	_ =	strace $0x8000005A;
	s7 =	sadd.s32 $0x1, s29  }
0x82: {  	_ =	swait.ge [sflag:s7], $0x4000  }
0x83: {  	[sflag:s7] =	ssyncset.done $0x0  }
0x84: {  	s1 =	sadd.s32 s1, s25;
	[sflag:s7] =	ssyncadd.s32 $0xFFFFC000  }
0x85: {  	s30 =	sand.u32 $0x1, s1;
	_ =	strace $0x9000005A  }
0x86: {  	s7 =	sadd.s32 $0x3, s30;
	_ =	strace $0x8000005B  }
0x87: {  	_ =	swait.ge [sflag:s7], $0x80  }
0x88: {  	[sflag:s7] =	ssyncset.done $0x0  }
0x89: {  	s0 =	sshll.u32 s0, $0xE;
	s1 =	sshll.u32 s1, $0x7;
	[sflag:s7] =	ssyncadd.s32 $0xFFFFFF80  }
0x8a: {  	s0 =	sand.u32 $0x4000, s0;
	s1 =	sand.u32 $0x80, s1;
	_ =	strace $0x9000005B  }
0x8b: {  	s0 =	sadd.s32 $0x14000, s0;
	s1 =	sor.u32 $0x1C000, s1;
	_ =	strace $0x8000005C  }
0x8c: {  	[spmem:s2] =	stream.indirect.scatter.add.f32 [tilespmem:s0], [sflag:$0x5], $0x80, s1, s18, $0x2000b8;
	[tilespmem:$0x1C100] =	vst v63  }
0x8d: {  	_ =	swait.ge [sflag:s19], $0x4000  }
0x8e: {  	[sflag:s19] =	ssyncset.done $0x0  }
0x8f: {  	[sflag:s19] =	ssyncadd.s32 $0xFFFFC000  }
0x90: {  	_ =	strace $0x9000005C  }
0x91: {  	s21 =	sadd.s32 $0x1, s21;
	[bflag:$0x0] =	sbarrier.arrive $0xFFFF  }
0x92: {  	p0 =	sne.s32 s21, s14;
	s31 =	rddreg [dreg:$0x6]  }
0x93: {  	[hbm:s31], [sflag:s8] =	dma.local [spmem:s15], $0x2800  }
.Ltmp3:
0x94: {  	_ = 	snop;
	(pc) =	sbr.rel @p0 .LBB2_1-.Ltmp3, $4  }
.Ltmp4:
0x95: {  	_ = 	snop;
	(pc) =	sbr.rel @!p0 .LBB2_8-.Ltmp4, $4  }
0x96: {  	_ =	swait.ge [sflag:s20], $0x2800  }
0x97: {  	[sflag:s20] =	ssyncset.done $0x0  }
0x98: {  	[sflag:s20] =	ssyncadd.s32 $0xFFFFD800  }
0x99: {  	_ = 	snop  }
.LBB2_2:
.Ltmp5:
0x9a: {  	(pc) =	sbr.rel .LBB2_7-.Ltmp5, $3  }
0x9b: {  	_ =	sdelay $0x1  }
0x9c: {  	s30 =	simm.s32 $0x0;
	s28 =	simm.s32 $0x0  }
0x9d: {  	s26 =	simm.s32 $0x1;
	s24 =	simm.s32 $0x1;
	s25 =	simm.s32 $0x0  }
.LBB2_4:
.Ltmp6:
0x9e: {  	(pc) =	sbr.rel .LBB2_7-.Ltmp6, $2  }
0x9f: {  	_ =	sdelay $0x2  }
0xa0: {  	s30 =	smov.u32 s22;
	s22 =	smov.u32 s29;
	s28 =	simm.s32 $0x0  }
.LBB2_8:
0xa1: {  	_ =	sfence.sel $0x180000  }
0xa2: {  	[bflag:$0x0] =	sbarrier.arrive $0xFFFF  }
0xa3: {  	_ =	strace $0x90000056  }
0xa4: {  	s0 =	stileid.u32;
	[bflag:$0x2] =	sbarrier.arrive $0xFFFF  }
0xa5: {  	p0 =	sne.s32 s0, $0x0;
	s0 =	rddreg [dreg:$0x2]  }
0xa6: {  	s0 =	sadd.s32 @!p0 $0x100000, s0  }
0xa7: {  	[sflag:s0] =	ssyncadd.tile.s32 @!p0 $0x1;
	_ =	shalt  }
.Lfunc_end2:
_tile_overlayer_lowered:
.L_overlay_start_2:
0xa8: {  	(tag) =	ssettag $0x2  }
0xa9: {  	s0 =	rddreg [dreg:$0x0];
	s2 =	stileid.u32  }
0xaa: {  	s1 =	rddreg [dreg:$0x1];
	p0 =	sne.s32 s2, $0x0  }
0xab: {  	s3 =	rddreg [dreg:$0x2];
	[bflag:$0x3] =	sbarrier.arrive $0xFFFF;
	s2 =	simm.s32 @!p0 $0x1C01  }
0xac: {  	[timem:s3], [sflag:s2] =	dma.local @!p0 [hbm:s0], s1  }
0xad: {  	s0 =	simm.s32 @!p0 $0x1  }
0xae: {  	_ =	swait.ge @!p0 [sflag:s0], s1  }
0xaf: {  	s1 =	ssub.s32 @!p0 $0x0, s1;
	[sflag:s0] =	ssyncset.done @!p0 $0x0  }
0xb0: {  	[sflag:s0] =	ssyncadd.s32 @!p0 s1  }
0xb1: {  	[bflag:$0x3] =	sbarrier.arrive $0xFFFF  }
0xb2: {  	_ =	shalt  }

// kernel: kernel.16.cloned.1.call-start
scs
__scs_entry_jumppad:
0x0: {  	(pc) =	sbr.rel $0x88, $3  }
0x1: {  	(tag) =	ssettag $0x0;
	lr =	simm.s32 $0x1  }
0x2: {  	[smem:$0x3F92] =	sst lr;
	_ =	strace $0xD0000000  }
0x3: {  	_ = 	snop  }
0x4: {  	_ = 	snop  }
0x5: {  	_ = 	snop  }
0x6: {  	_ = 	snop  }
0x7: {  	_ = 	snop  }
__scs_overlays_trampoline_lowered:
0x8: {  	[smem:$0x3FA1] =	sst s0  }
0x9: {  	[smem:$0x3FA2] =	sst s1  }
0xa: {  	[smem:$0x3FA3] =	sst s2  }
0xb: {  	[smem:$0x3FA4] =	sst s3  }
0xc: {  	[smem:$0x3FA5] =	sst s4  }
0xd: {  	[smem:$0x3FA6] =	sst s5  }
0xe: {  	[smem:$0x3FA7] =	sst s6  }
0xf: {  	[smem:$0x3FA8] =	sst s7  }
0x10: {  	[smem:$0x3FA9] =	sst s8  }
0x11: {  	[smem:$0x3FAA] =	sst s9;
	s0 =	simm.s32 @!p0 $0x0  }
0x12: {  	s1 =	sld [smem:$0x3F90];
	s0 =	simm.s32 @p0 $0x1  }
0x13: {  	[smem:$0x3FAB] =	sst s0;
	s0 =	simm.s32 @!p1 $0x0  }
0x14: {  	s2 =	sld [smem:$0x3F8F];
	s0 =	simm.s32 @p1 $0x1  }
0x15: {  	[smem:$0x3FAC] =	sst s0;
	s0 =	simm.s32 @!p2 $0x0  }
0x16: {  	s3 =	sld [smem:$0x3FDB];
	s0 =	simm.s32 @p2 $0x1  }
0x17: {  	s4 =	simm.s32 $0x1BF5;
	[smem:$0x3FAE] =	sst s0  }
0x18: {  	s0 =	sld [smem:$0x3F91];
	_ =	swait.ge [sflag:s4], $0x0  }
0x19: {  	s7 =	sld [smem:$0x3F92]  }
0x1a: {  	s8 =	sadd.s32 $0xFFFFE003, lr  }
0x1b: {  	s9 =	sadd.s32 $0xFFFFFEF7, lr;
	s5 =	simm.s32 $0xFFFFFFFF;
	p2 =	slt.u32 s8, $0xFFFFF086  }
0x1c: {  	p1 =	slt.u32 s9, $0xF7A;
	s5 =	simm.s32 @!p2 $0x0  }
0x1d: {  	s5 =	simm.s32 @p1 $0x1;
	p0 =	seq.s32 s7, s2  }
0x1e: {  	s7 =	smul.u32 @!p0 $0xF7A, s2;
	p2 =	seq.s32 @!p0 s5, $0x0  }
0x1f: {  	s9 =	smul.u32 $0xF7A, s1;
	s8 =	simm.s32 @!p0 $0x1BF5;
	p2 =	por !p2, p0  }
0x20: {  	[sflag:s8] =	ssyncset.s32 @!p0 $0xFFFFF086;
	s6 =	sadd.s32 @!p0 s3, s7;
	s7 =	simm.s32 @!p0 $0x108  }
0x21: {  	s3 =	sadd.s32 s3, s9;
	s6 =	sadd.s32 @!p0 $0x88, s6;
	s7 =	simm.s32 @p2 $0x1082  }
0x22: {  	[simem:s7], [sflag:s8] =	dma.local @!p0 [hbm:s6], $0xF7A  }
0x23: {  	s9 =	sor.u32 $0xD0000000, s2;
	s6 =	simm.s32 $0x108;
	_ =	swait.ge @!p0 [sflag:s8], $0x0  }
0x24: {  	s3 =	sadd.s32 $0x88, s3;
	s6 =	simm.s32 @!p1 $0x1082;
	[sflag:s4] =	ssyncset.s32 $0xFFFFF086  }
0x25: {  	[simem:s6], [sflag:s4] =	dma.local [hbm:s3], $0xF7A  }
0x26: {  	[smem:$0x3F92] =	sst s1;
	(tag) =	ssettag s2;
	_ =	strace s9  }
0x27: {  	s1 =	sld [smem:$0x3FA2]  }
0x28: {  	s2 =	sld [smem:$0x3FA3]  }
0x29: {  	s4 =	sld [smem:$0x3FA5]  }
0x2a: {  	p0 =	seq.s32 s5, $0x0;
	s5 =	sld [smem:$0x3FA6]  }
0x2b: {  	s6 =	sld [smem:$0x3FA7]  }
0x2c: {  	s7 =	sld [smem:$0x3FA8]  }
0x2d: {  	s3 =	simm.s32 $0x108;
	s8 =	sld [smem:$0x3FA9]  }
0x2e: {  	s3 =	simm.s32 @!p0 $0x1082;
	s9 =	sld [smem:$0x3FAA]  }
0x2f: {  	lr =	sadd.s32 s0, s3;
	s0 =	sld [smem:$0x3FA1]  }
0x30: {  	s3 =	sld [smem:$0x3FA4]  }
0x31: {  	[smem:$0x3FAD] =	sst s10  }
0x32: {  	s10 =	sld [smem:$0x3FAB];
	_ =	sdelay $0x3  }
0x33: {  	p0 =	seq.s32 s10, $0x1;
	s10 =	sld [smem:$0x3FAD];
	_ =	sdelay $0x3  }
0x34: {  	[smem:$0x3FAD] =	sst s10  }
0x35: {  	s10 =	sld [smem:$0x3FAC];
	_ =	sdelay $0x3  }
0x36: {  	p1 =	seq.s32 s10, $0x1;
	s10 =	sld [smem:$0x3FAD];
	_ =	sdelay $0x3  }
0x37: {  	[smem:$0x3FAD] =	sst s10  }
0x38: {  	s10 =	sld [smem:$0x3FAE]  }
0x39: {  	_ = 	snop;
	(pc) =	sbr.ind lr, $3  }
0x3a: {  	_ = 	snop  }
0x3b: {  	_ = 	snop  }
0x3c: {  	p2 =	seq.s32 s10, $0x1;
	s10 =	sld [smem:$0x3FAD]  }
0x3d: {  	_ =	shalt  }
0x3e: {  	_ =	shalt  }
0x3f: {  	_ =	shalt  }
0x40: {  	_ =	shalt  }
0x41: {  	_ =	shalt  }
0x42: {  	_ =	shalt  }
0x43: {  	_ =	shalt  }
0x44: {  	_ =	shalt  }
0x45: {  	_ =	shalt  }
0x46: {  	_ =	shalt  }
0x47: {  	_ =	shalt  }
0x48: {  	_ =	shalt  }
0x49: {  	_ =	shalt  }
0x4a: {  	_ =	shalt  }
0x4b: {  	_ =	shalt  }
0x4c: {  	_ =	shalt  }
0x4d: {  	_ =	shalt  }
0x4e: {  	_ =	shalt  }
0x4f: {  	_ =	shalt  }
0x50: {  	_ =	shalt  }
0x51: {  	_ =	shalt  }
0x52: {  	_ =	shalt  }
0x53: {  	_ =	shalt  }
0x54: {  	_ =	shalt  }
0x55: {  	_ =	shalt  }
0x56: {  	_ =	shalt  }
0x57: {  	_ =	shalt  }
0x58: {  	_ =	shalt  }
0x59: {  	_ =	shalt  }
0x5a: {  	_ =	shalt  }
0x5b: {  	_ =	shalt  }
0x5c: {  	_ =	shalt  }
0x5d: {  	_ =	shalt  }
0x5e: {  	_ =	shalt  }
0x5f: {  	_ =	shalt  }
0x60: {  	_ =	shalt  }
0x61: {  	_ =	shalt  }
0x62: {  	_ =	shalt  }
0x63: {  	_ =	shalt  }
0x64: {  	_ =	shalt  }
0x65: {  	_ =	shalt  }
0x66: {  	_ =	shalt  }
0x67: {  	_ =	shalt  }
0x68: {  	_ =	shalt  }
0x69: {  	_ =	shalt  }
0x6a: {  	_ =	shalt  }
0x6b: {  	_ =	shalt  }
0x6c: {  	_ =	shalt  }
0x6d: {  	_ =	shalt  }
0x6e: {  	_ =	shalt  }
0x6f: {  	_ =	shalt  }
0x70: {  	_ =	shalt  }
0x71: {  	_ =	shalt  }
0x72: {  	_ =	shalt  }
0x73: {  	_ =	shalt  }
0x74: {  	_ =	shalt  }
0x75: {  	_ =	shalt  }
0x76: {  	_ =	shalt  }
0x77: {  	_ =	shalt  }
0x78: {  	_ =	shalt  }
0x79: {  	_ =	shalt  }
0x7a: {  	_ =	shalt  }
0x7b: {  	_ =	shalt  }
0x7c: {  	_ =	shalt  }
0x7d: {  	_ =	shalt  }
0x7e: {  	_ =	shalt  }
0x7f: {  	_ =	shalt  }
0x80: {  	_ =	shalt  }
0x81: {  	_ =	shalt  }
0x82: {  	_ =	shalt  }
0x83: {  	_ =	shalt  }
0x84: {  	_ =	shalt  }
0x85: {  	_ =	shalt  }
0x86: {  	_ =	shalt  }
0x87: {  	_ =	shalt  }
.Lfunc_end0:
.L_simem_size_0:
called_computation.2_lowered:
.L_overlay_start_0:
0x88: {  	s2 =	sld [smem:$0x3FD9]  }
0x89: {  	s3 =	sld [smem:$0x3FFE];
	_ =	sdelay $0x1  }
0x8a: {  	s1 =	srdreg.scid  }
0x8b: {  	s0 =	sand.u32 $0x1, s1  }
0x8c: {  	s17 =	sshll.u32 s0, $0xA;
	s2 =	sadd.s32 s3, s2  }
0x8d: {  	s2 =	sadd.s32 s2, s17  }
0x8e: {  	[smem:$0x3FB9] =	sst s2  }
0x8f: {  	_ = 	snop  }
0x90: {  	s2 =	sld [smem:$0x3FD0];
	(tm) =	ssettm $0x1  }
0x91: {  	s18 =	sld [smem:$0x3FFB];
	_ =	sdelay $0x3  }
0x92: {  	_ =	strace s18  }
0x93: {  	s3 =	sld [smem:$0x3FFC];
	_ =	sdelay $0x3  }
0x94: {  	_ =	strace s3  }
0x95: {  	s3 =	sld [smem:$0x3FFD];
	_ =	sdelay $0x3  }
0x96: {  	_ =	strace s3  }
0x97: {  	_ =	strace $0x8FFFFFFF  }
0x98: {  	s19 =	sld [smem:$0x3FDB];
	_ =	sdelay $0x1  }
0x99: {  	s4 =	simm.s32 $_scs_section_size  }
0x9a: {  	s5 =	simm.s32 $_size__tile_overlayer_lowered;
	s6 =	simm.s32 $_tile_overlayer_lowered  }
0x9b: {  	s22 =	simm.s32 $0x1BFF;
	s21 =	sshll.u32 s6, $0x1;
	s3 =	sadd.s32 s4, s19  }
0x9c: {  	s7 =	simm.s32 $0x0;
	s20 =	sshll.u32 s5, $0x1;
	s5 =	sadd.s32 s21, s3  }
0x9d: {  	[timem:s7], [sflag:s22] =	dma.local [hbm:s5], s20  }
0x9e: {  	_ =	swait.ge [sflag:s22], s20  }
0x9f: {  	s4 =	ssub.s32 $0x0, s20;
	[sflag:s22] =	ssyncset.done $0x0  }
0xa0: {  	[sflag:s22] =	ssyncadd.s32 s4;
	_ =	sdelay $0x1  }
0xa1: {  	s23 =	simm.s32 $0x1B8B  }
0xa2: {  	_ =	swait.ge [sflag:s23], $0x1  }
0xa3: {  	[sflag:s23] =	ssyncset.done $0x0  }
0xa4: {  	s25 =	simm.s32 $0x1B8E;
	s24 =	sld [smem:$0x3FFE];
	[sflag:s23] =	ssyncadd.s32 $0xFFFFFFFF  }
0xa5: {  	s26 =	simm.s32 $execute0_lowered;
	[smem:$0x3FD2] =	sst s25  }
0xa6: {  	s5 =	sshll.u32 s26, $0x1;
	_ =	strace $0x80000046;
	[dreg:$0x1] =	wrdreg $0xFFFFFFFF  }
0xa7: {  	s28 =	simm.s32 $_size_execute0_lowered;
	s3 =	sadd.s32 s3, s5;
	[dreg:$0x0] =	wrdreg $0x0  }
0xa8: {  	s5 =	sshll.u32 s28, $0x1;
	[dreg:$0x2] =	wrdreg s3  }
0xa9: {  	[dreg:$0x3] =	wrdreg s5  }
0xaa: {  	[dreg:$0x4] =	wrdreg $0xC0  }
0xab: {  	_ =	task [dreg:s7], $0x5FFFF  }
0xac: {  	[dreg:$0x1] =	wrdreg $0xFFFFFFFF  }
0xad: {  	[dreg:$0x0] =	wrdreg $0x60  }
0xae: {  	[dreg:$0x2] =	wrdreg s2  }
0xaf: {  	[dreg:$0x3] =	wrdreg s24  }
0xb0: {  	[dreg:$0x4] =	wrdreg $0xA  }
0xb1: {  	_ =	task.clear_ibuf [dreg:s7], $0x5FFFF;
	_ =	strace $0x90000046  }
0xb2: {  	s29 =	simm.s32 $0xA;
	_ =	strace $0x80000048  }
0xb3: {  	_ =	swait.ge [sflag:s29], $0x1  }
0xb4: {  	[sflag:s29] =	ssyncadd.s32 $0xFFFFFFFF  }
0xb5: {  	_ =	strace $0x90000048  }
0xb6: {  	_ =	sfence  }
0xb7: {  	s30 =	sld [smem:$0x0];
	_ =	sdelay $0x2  }
0xb8: {  	s31 =	sshll.u32 s1, $0xD;
	s1 =	sshrl.u32 s1, $0x2  }
0xb9: {  	s3 =	sand.u32 $0x4000, s31;
	s1 =	sadd.s32 s1, s30  }
0xba: {  	s0 =	sor.u32 s3, s0;
	s1 =	sshll.u32 s1, $0x11  }
0xbb: {  	s0 =	sor.u32 s1, s0  }
0xbc: {  	s0 =	sadd.s32 $0x8F2B, s0  }
0xbd: {  	[sflag:s0] =	ssyncadd.remote.s32 $0x1  }
0xbe: {  	_ =	sfence.sel $0xFFFF  }
0xbf: {  	[dreg:$0x0] =	wrdreg $0xFFFFFFFF;
	(pc) =	sbr.abs _section_cstart, $3  }
0xc0: {  	[dreg:$0x1] =	wrdreg $0xFFFFFFFF  }
0xc1: {  	_ =	task.clear_ibuf [dreg:s7], $0x2FFFF;
	_ =	strace $0x9FFFFFFF  }
0xc2: {  	(tm) =	ssettm $0x7FFFFFFF  }
0xc3: {  	_ =	shalt  }
tec
execute0_lowered:
.L_overlay_start_1:
0x0: {  	(tag) =	ssettag $0x1  }
0x1: {  	s1 =	srdreg.scid  }
0x2: {  	s0 =	stileid.u32;
	s2 =	rddreg [dreg:$0x0]  }
0x3: {  	s6 =	rddreg [dreg:$0x1];
	s3 =	simm.s32 $0x0;
	s10 =	simm.s32 $0x4  }
0x4: {  	s11 =	simm.s32 $0x1400;
	s12 =	simm.s32 $0x80;
	s13 =	simm.s32 $0x2800  }
0x5: {  	s14 =	simm.s32 $0xA800;
	s15 =	simm.s32 $0x6800;
	s16 =	simm.s32 $0x1480  }
0x6: {  	s17 =	simm.s32 $0xE800;
	s18 =	simm.s32 $0x1;
	s19 =	simm.s32 $0x2  }
0x7: {  	s20 =	simm.s32 $0x3;
	s5 =	sand.u32 $0x1, s1;
	s30 =	sshll.u32 s0, $0x1  }
0x8: {  	s21 =	simm.s32 $0x0;
	[smem:$0x7FF] =	sst s3;
	s1 =	sor.u32 s5, s30  }
0x9: {  	p0 =	seq.s32 s0, $0x0;
	s31 =	ssub.s32 $0x2, s5;
	s4 =	smul.u32 $0x27, s1  }
.Ltmp0:
0xa: {  	s5 =	simm.s32 $0x28;
	s7 =	smin.u32 s1, $0x2;
	(pc) =	sbr.rel .LBB2_1-.Ltmp0, $4  }
0xb: {  	s1 =	rddreg [dreg:$0x2];
	s9 =	sshrl.u32 s31, $0x1;
	s4 =	sadd.s32 s7, s4  }
0xc: {  	_ =	strace $0x80000047;
	s9 =	ssub.s32 s31, s9;
	s7 =	sshll.u32 s4, $0x4  }
0xd: {  	s5 =	simm.s32 @!p0 $0x27;
	s9 =	smax.u32 s9, $0x1;
	s8 =	sadd.s32 s7, s6  }
0xe: {  	s6 =	sadd.s32 $0xEC00, s6;
	s7 =	sadd.s32 $0x9C00, s8;
	s8 =	sadd.s32 $0x4C00, s8  }
.LBB2_7:
0xf: {  	s21 =	sadd.s32 $0x1, s21  }
0x10: {  	p0 =	sne.s32 s21, s9  }
.Ltmp1:
0x11: {  	_ = 	snop;
	(pc) =	sbr.rel @!p0 .LBB2_8-.Ltmp1, $1  }
0x12: {  	_ =	sdelay $0x3  }
.LBB2_1:
0x13: {  	[tilespmem:s3], [sflag:$0x4] =	stream.linear.gather [hbm4b:s7+s3], $0x1400, $0x38;
	[tilespmem:$0x12800] =	vst v63  }
0x14: {  	_ =	swait.ge [sflag:s10], $0x1400  }
0x15: {  	[sflag:s10] =	ssyncset.done $0x0  }
0x16: {  	[sflag:s10] =	ssyncadd.s32 $0xFFFFEC00  }
0x17: {  	[tilespmem:s11], [sflag:$0x4] =	stream.linear.gather [hbm4b:s8+s3], $0x1400, $0x38;
	[tilespmem:$0x12800] =	vst v63  }
0x18: {  	_ =	swait.ge [sflag:s10], $0x1400  }
0x19: {  	[sflag:s10] =	ssyncset.done $0x0  }
0x1a: {  	[sflag:s10] =	ssyncadd.s32 $0xFFFFEC00  }
0x1b: {  	[tilespmem:s13], [sflag:$0x1] =	stream.indirect.gather [hbm4b:s2+s12], $0x80, s3, s12, $0xb8;
	[tilespmem:$0x12800] =	vst v63  }
0x1c: {  	_ = 	snop  }
0x1d: {  	[tilespmem:s14], [sflag:$0x2] =	stream.indirect.gather [hbm4b:s2+s12], $0x80, s11, s12, $0xb8;
	[tilespmem:$0x12800] =	vst v63  }
.Ltmp2:
0x1e: {  	_ = 	snop;
	(pc) =	sbr.rel .LBB2_2-.Ltmp2, $4  }
0x1f: {  	_ = 	snop  }
0x20: {  	[tilespmem:s15], [sflag:$0x1] =	stream.indirect.gather [hbm4b:s2+s12], $0x80, s12, s12, $0xb8;
	[tilespmem:$0x12800] =	vst v63  }
0x21: {  	p0 =	por $0x0, $0x0;
	s22 =	simm.s32 $0x0  }
0x22: {  	[tilespmem:s17], [sflag:$0x2] =	stream.indirect.gather [hbm4b:s2+s12], $0x80, s16, s12, $0xb8;
	[tilespmem:$0x12800] =	vst v63  }
.LBB2_6:
0x23: {  	s22 =	sadd.s32 $0x1, s22  }
0x24: {  	p1 =	sne.s32 s22, $0x28  }
.Ltmp3:
0x25: {  	_ = 	snop;
	(pc) =	sbr.rel @!p1 .LBB2_7-.Ltmp3, $2  }
0x26: {  	_ =	sdelay $0x2  }
0x27: {  	p0 =	por !p0, !p0  }
.LBB2_2:
0x28: {  	p1 =	sge.u32 s22, s5  }
.Ltmp4:
0x29: {  	_ = 	snop;
	(pc) =	sbr.rel @p1 .LBB2_6-.Ltmp4, $1  }
0x2a: {  	_ =	sdelay $0x3  }
0x2b: {  	s23 =	simm.s32 $0x1  }
0x2c: {  	s23 =	simm.s32 @!p0 $0x0  }
0x2d: {  	s23 =	sshll.u32 s23, $0xE  }
0x2e: {  	_ =	swait.ge [sflag:s18], $0x4000;
	s24 =	sor.u32 $0xA840, s23  }
0x2f: {  	[sflag:s18] =	ssyncset.done $0x0;
	v1 =	vmov s24  }
0x30: {  	[sflag:s18] =	ssyncadd.s32 $0xFFFFC000  }
0x31: {  	s25 =	sshll.u32 s22, $0xE;
	_ =	swait.ge [sflag:s19], $0x4000  }
0x32: {  	s26 =	sor.u32 $0x2870, s23;
	s23 =	sand.u32 $0x4000, s25;
	[sflag:s19] =	ssyncset.done $0x0  }
0x33: {  	s25 =	simm.s32 $0x200;
	v0 =	vmov s26;
	s24 =	simm.s32 $0x0;
	[sflag:s19] =	ssyncadd.s32 $0xFFFFC000  }
.LBB2_4:
0x34: {  	p1 =	sne.s32 s25, $0xFE00;
	v2 =	vld.idx.msk [tilespmem:v1+s24+$0x0 ss:$0x1], $0xffff;
	_ =	sdelay $0x5  }
0x35: {  	[tilespmem:v0+s24+$0xFFFFFFD0 ss:$0x1] =	vst.idx.msk $0xffff, v2  }
0x36: {  	v2 =	vld.idx.msk [tilespmem:v1+s24+$0x10 ss:$0x1], $0xffff;
	_ =	sdelay $0x5  }
0x37: {  	[tilespmem:v0+s24+$0xFFFFFFE0 ss:$0x1] =	vst.idx.msk $0xffff, v2  }
0x38: {  	v2 =	vld.idx.msk [tilespmem:v1+s24+$0x20 ss:$0x1], $0xffff;
	_ =	sdelay $0x5  }
0x39: {  	[tilespmem:v0+s24+$0xFFFFFFF0 ss:$0x1] =	vst.idx.msk $0xffff, v2  }
0x3a: {  	v2 =	vld.idx.msk [tilespmem:v1+s24+$0x30 ss:$0x1], $0xffff;
	_ =	sdelay $0x1  }
.Ltmp5:
0x3b: {  	(pc) =	sbr.rel @p1 .LBB2_4-.Ltmp5, $2  }
0x3c: {  	_ =	sdelay $0x2  }
0x3d: {  	[tilespmem:v0+s24+$0x0 ss:$0x1] =	vst.idx.msk $0xffff, v2;
	s24 =	sshra.s32 s25, $0x2;
	s25 =	sadd.s32 $0x200, s25  }
0x3e: {  	_ =	sdelay $0x3  }
0x3f: {  	v2 =	vld.idx.msk [tilespmem:v1+s24+$0x0 ss:$0x1], $0xffff;
	_ =	sdelay $0x4  }
0x40: {  	[tilespmem:v0+s24+$0xFFFFFFD0 ss:$0x1] =	vst.idx.msk $0xffff, v2  }
0x41: {  	v2 =	vld.idx.msk [tilespmem:v1+s24+$0x10 ss:$0x1], $0xffff;
	_ =	sdelay $0x4  }
0x42: {  	[tilespmem:v0+s24+$0xFFFFFFE0 ss:$0x1] =	vst.idx.msk $0xffff, v2  }
0x43: {  	v2 =	vld.idx.msk [tilespmem:v1+s24+$0x20 ss:$0x1], $0xffff;
	_ =	sdelay $0x4  }
0x44: {  	[tilespmem:v0+s24+$0xFFFFFFF0 ss:$0x1] =	vst.idx.msk $0xffff, v2  }
0x45: {  	v63 =	vld.idx.msk [tilespmem:v1+s24+$0x30 ss:$0x1], $0xffff;
	_ =	sdelay $0x1  }
0x46: {  	s25 =	sadd.s32 s4, s22  }
0x47: {  	s25 =	sshll.u32 s25, $0xB  }
0x48: {  	s25 =	sand.u32 $0x1FFFF800, s25  }
0x49: {  	s25 =	sadd.s32 s6, s25;
	[tilespmem:v0+s24+$0x0 ss:$0x1] =	vst.idx.msk $0xffff, v63;
	s24 =	sadd.s32 $0x2800, s23  }
0x4a: {  	[hbm4b:s25+s3] =	stream.linear.scatter [tilespmem:s24], [sflag:$0x3], $0x4000, $0x38;
	[tilespmem:$0x12800] =	vst v63  }
0x4b: {  	s25 =	sadd.s32 $0x2, s22;
	_ =	swait.ge [sflag:s20], $0x4000  }
.Ltmp6:
0x4c: {  	p1 =	sge.u32 s25, s5;
	[sflag:s20] =	ssyncset.done $0x0;
	(pc) =	sbr.rel .LBB2_6-.Ltmp6, $4  }
0x4d: {  	s25 =	sshll.u32 @!p1 s25, $0x7;
	s26 =	simm.s32 @!p1 $0x80;
	[sflag:s20] =	ssyncadd.s32 $0xFFFFC000  }
0x4e: {  	[tilespmem:s24], [sflag:$0x1] =	stream.indirect.gather @!p1 [hbm4b:s2+s26], $0x80, s25, s26, $0xb8;
	[tilespmem:$0x12800] =	vst v63  }
0x4f: {  	s23 =	sadd.s32 @!p1 $0xA800, s23;
	s24 =	sadd.s32 @!p1 $0x1400, s25  }
0x50: {  	[tilespmem:s23], [sflag:$0x2] =	stream.indirect.gather @!p1 [hbm4b:s2+s26], $0x80, s24, s26, $0xb8;
	[tilespmem:$0x12800] =	vst v63  }
.LBB2_8:
0x51: {  	_ =	sfence.sel $0x180000  }
0x52: {  	[bflag:$0x0] =	sbarrier.arrive $0xFFFF  }
0x53: {  	p0 =	sne.s32 s0, $0x0;
	_ =	strace $0x90000047  }
0x54: {  	s0 =	sadd.s32 @!p0 $0x100000, s1;
	[bflag:$0x2] =	sbarrier.arrive $0xFFFF  }
0x55: {  	[sflag:s0] =	ssyncadd.tile.s32 @!p0 $0x1;
	_ =	shalt  }
.Lfunc_end2:
_tile_overlayer_lowered:
.L_overlay_start_2:
0x56: {  	(tag) =	ssettag $0x2  }
0x57: {  	s0 =	rddreg [dreg:$0x0];
	s2 =	stileid.u32  }
0x58: {  	s1 =	rddreg [dreg:$0x1];
	p0 =	sne.s32 s2, $0x0  }
0x59: {  	s3 =	rddreg [dreg:$0x2];
	[bflag:$0x3] =	sbarrier.arrive $0xFFFF;
	s2 =	simm.s32 @!p0 $0x1C04  }
0x5a: {  	[timem:s3], [sflag:s2] =	dma.local @!p0 [hbm:s0], s1  }
0x5b: {  	s0 =	simm.s32 @!p0 $0x4  }
0x5c: {  	_ =	swait.ge @!p0 [sflag:s0], s1  }
0x5d: {  	s1 =	ssub.s32 @!p0 $0x0, s1;
	[sflag:s0] =	ssyncset.done @!p0 $0x0  }
0x5e: {  	[sflag:s0] =	ssyncadd.s32 @!p0 s1  }
0x5f: {  	[bflag:$0x3] =	sbarrier.arrive $0xFFFF  }
0x60: {  	_ =	shalt  }

// kernel: kernel.19.cloned.1.call-start
scs
__scs_entry_jumppad:
0x0: {  	(pc) =	sbr.rel $0x88, $3  }
0x1: {  	(tag) =	ssettag $0x0;
	lr =	simm.s32 $0x1  }
0x2: {  	[smem:$0x3F92] =	sst lr;
	_ =	strace $0xD0000000  }
0x3: {  	_ = 	snop  }
0x4: {  	_ = 	snop  }
0x5: {  	_ = 	snop  }
0x6: {  	_ = 	snop  }
0x7: {  	_ = 	snop  }
__scs_overlays_trampoline_lowered:
0x8: {  	[smem:$0x3FA1] =	sst s0  }
0x9: {  	[smem:$0x3FA2] =	sst s1  }
0xa: {  	[smem:$0x3FA3] =	sst s2  }
0xb: {  	[smem:$0x3FA4] =	sst s3  }
0xc: {  	[smem:$0x3FA5] =	sst s4  }
0xd: {  	[smem:$0x3FA6] =	sst s5  }
0xe: {  	[smem:$0x3FA7] =	sst s6  }
0xf: {  	[smem:$0x3FA8] =	sst s7  }
0x10: {  	[smem:$0x3FA9] =	sst s8  }
0x11: {  	[smem:$0x3FAA] =	sst s9;
	s0 =	simm.s32 @!p0 $0x0  }
0x12: {  	s1 =	sld [smem:$0x3F90];
	s0 =	simm.s32 @p0 $0x1  }
0x13: {  	[smem:$0x3FAB] =	sst s0;
	s0 =	simm.s32 @!p1 $0x0  }
0x14: {  	s2 =	sld [smem:$0x3F8F];
	s0 =	simm.s32 @p1 $0x1  }
0x15: {  	[smem:$0x3FAC] =	sst s0;
	s0 =	simm.s32 @!p2 $0x0  }
0x16: {  	s3 =	sld [smem:$0x3FDB];
	s0 =	simm.s32 @p2 $0x1  }
0x17: {  	s4 =	simm.s32 $0x1BF5;
	[smem:$0x3FAE] =	sst s0  }
0x18: {  	s0 =	sld [smem:$0x3F91];
	_ =	swait.ge [sflag:s4], $0x0  }
0x19: {  	s7 =	sld [smem:$0x3F92]  }
0x1a: {  	s8 =	sadd.s32 $0xFFFFE003, lr  }
0x1b: {  	s9 =	sadd.s32 $0xFFFFFEF7, lr;
	s5 =	simm.s32 $0xFFFFFFFF;
	p2 =	slt.u32 s8, $0xFFFFF086  }
0x1c: {  	p1 =	slt.u32 s9, $0xF7A;
	s5 =	simm.s32 @!p2 $0x0  }
0x1d: {  	s5 =	simm.s32 @p1 $0x1;
	p0 =	seq.s32 s7, s2  }
0x1e: {  	s7 =	smul.u32 @!p0 $0xF7A, s2;
	p2 =	seq.s32 @!p0 s5, $0x0  }
0x1f: {  	s9 =	smul.u32 $0xF7A, s1;
	s8 =	simm.s32 @!p0 $0x1BF5;
	p2 =	por !p2, p0  }
0x20: {  	[sflag:s8] =	ssyncset.s32 @!p0 $0xFFFFF086;
	s6 =	sadd.s32 @!p0 s3, s7;
	s7 =	simm.s32 @!p0 $0x108  }
0x21: {  	s3 =	sadd.s32 s3, s9;
	s6 =	sadd.s32 @!p0 $0x88, s6;
	s7 =	simm.s32 @p2 $0x1082  }
0x22: {  	[simem:s7], [sflag:s8] =	dma.local @!p0 [hbm:s6], $0xF7A  }
0x23: {  	s9 =	sor.u32 $0xD0000000, s2;
	s6 =	simm.s32 $0x108;
	_ =	swait.ge @!p0 [sflag:s8], $0x0  }
0x24: {  	s3 =	sadd.s32 $0x88, s3;
	s6 =	simm.s32 @!p1 $0x1082;
	[sflag:s4] =	ssyncset.s32 $0xFFFFF086  }
0x25: {  	[simem:s6], [sflag:s4] =	dma.local [hbm:s3], $0xF7A  }
0x26: {  	[smem:$0x3F92] =	sst s1;
	(tag) =	ssettag s2;
	_ =	strace s9  }
0x27: {  	s1 =	sld [smem:$0x3FA2]  }
0x28: {  	s2 =	sld [smem:$0x3FA3]  }
0x29: {  	s4 =	sld [smem:$0x3FA5]  }
0x2a: {  	p0 =	seq.s32 s5, $0x0;
	s5 =	sld [smem:$0x3FA6]  }
0x2b: {  	s6 =	sld [smem:$0x3FA7]  }
0x2c: {  	s7 =	sld [smem:$0x3FA8]  }
0x2d: {  	s3 =	simm.s32 $0x108;
	s8 =	sld [smem:$0x3FA9]  }
0x2e: {  	s3 =	simm.s32 @!p0 $0x1082;
	s9 =	sld [smem:$0x3FAA]  }
0x2f: {  	lr =	sadd.s32 s0, s3;
	s0 =	sld [smem:$0x3FA1]  }
0x30: {  	s3 =	sld [smem:$0x3FA4]  }
0x31: {  	[smem:$0x3FAD] =	sst s10  }
0x32: {  	s10 =	sld [smem:$0x3FAB];
	_ =	sdelay $0x3  }
0x33: {  	p0 =	seq.s32 s10, $0x1;
	s10 =	sld [smem:$0x3FAD];
	_ =	sdelay $0x3  }
0x34: {  	[smem:$0x3FAD] =	sst s10  }
0x35: {  	s10 =	sld [smem:$0x3FAC];
	_ =	sdelay $0x3  }
0x36: {  	p1 =	seq.s32 s10, $0x1;
	s10 =	sld [smem:$0x3FAD];
	_ =	sdelay $0x3  }
0x37: {  	[smem:$0x3FAD] =	sst s10  }
0x38: {  	s10 =	sld [smem:$0x3FAE]  }
0x39: {  	_ = 	snop;
	(pc) =	sbr.ind lr, $3  }
0x3a: {  	_ = 	snop  }
0x3b: {  	_ = 	snop  }
0x3c: {  	p2 =	seq.s32 s10, $0x1;
	s10 =	sld [smem:$0x3FAD]  }
0x3d: {  	_ =	shalt  }
0x3e: {  	_ =	shalt  }
0x3f: {  	_ =	shalt  }
0x40: {  	_ =	shalt  }
0x41: {  	_ =	shalt  }
0x42: {  	_ =	shalt  }
0x43: {  	_ =	shalt  }
0x44: {  	_ =	shalt  }
0x45: {  	_ =	shalt  }
0x46: {  	_ =	shalt  }
0x47: {  	_ =	shalt  }
0x48: {  	_ =	shalt  }
0x49: {  	_ =	shalt  }
0x4a: {  	_ =	shalt  }
0x4b: {  	_ =	shalt  }
0x4c: {  	_ =	shalt  }
0x4d: {  	_ =	shalt  }
0x4e: {  	_ =	shalt  }
0x4f: {  	_ =	shalt  }
0x50: {  	_ =	shalt  }
0x51: {  	_ =	shalt  }
0x52: {  	_ =	shalt  }
0x53: {  	_ =	shalt  }
0x54: {  	_ =	shalt  }
0x55: {  	_ =	shalt  }
0x56: {  	_ =	shalt  }
0x57: {  	_ =	shalt  }
0x58: {  	_ =	shalt  }
0x59: {  	_ =	shalt  }
0x5a: {  	_ =	shalt  }
0x5b: {  	_ =	shalt  }
0x5c: {  	_ =	shalt  }
0x5d: {  	_ =	shalt  }
0x5e: {  	_ =	shalt  }
0x5f: {  	_ =	shalt  }
0x60: {  	_ =	shalt  }
0x61: {  	_ =	shalt  }
0x62: {  	_ =	shalt  }
0x63: {  	_ =	shalt  }
0x64: {  	_ =	shalt  }
0x65: {  	_ =	shalt  }
0x66: {  	_ =	shalt  }
0x67: {  	_ =	shalt  }
0x68: {  	_ =	shalt  }
0x69: {  	_ =	shalt  }
0x6a: {  	_ =	shalt  }
0x6b: {  	_ =	shalt  }
0x6c: {  	_ =	shalt  }
0x6d: {  	_ =	shalt  }
0x6e: {  	_ =	shalt  }
0x6f: {  	_ =	shalt  }
0x70: {  	_ =	shalt  }
0x71: {  	_ =	shalt  }
0x72: {  	_ =	shalt  }
0x73: {  	_ =	shalt  }
0x74: {  	_ =	shalt  }
0x75: {  	_ =	shalt  }
0x76: {  	_ =	shalt  }
0x77: {  	_ =	shalt  }
0x78: {  	_ =	shalt  }
0x79: {  	_ =	shalt  }
0x7a: {  	_ =	shalt  }
0x7b: {  	_ =	shalt  }
0x7c: {  	_ =	shalt  }
0x7d: {  	_ =	shalt  }
0x7e: {  	_ =	shalt  }
0x7f: {  	_ =	shalt  }
0x80: {  	_ =	shalt  }
0x81: {  	_ =	shalt  }
0x82: {  	_ =	shalt  }
0x83: {  	_ =	shalt  }
0x84: {  	_ =	shalt  }
0x85: {  	_ =	shalt  }
0x86: {  	_ =	shalt  }
0x87: {  	_ =	shalt  }
.Lfunc_end0:
.L_simem_size_0:
called_computation.3_lowered:
.L_overlay_start_0:
0x88: {  	s2 =	sld [smem:$0x3FD9]  }
0x89: {  	s3 =	sld [smem:$0x3FFE];
	_ =	sdelay $0x1  }
0x8a: {  	s1 =	srdreg.scid  }
0x8b: {  	s0 =	sand.u32 $0x1, s1  }
0x8c: {  	s17 =	sshll.u32 s0, $0xA;
	s2 =	sadd.s32 s3, s2  }
0x8d: {  	s2 =	sadd.s32 s2, s17  }
0x8e: {  	[smem:$0x3FB9] =	sst s2  }
0x8f: {  	_ = 	snop  }
0x90: {  	(tm) =	ssettm $0x1  }
0x91: {  	s18 =	sld [smem:$0x3FFB];
	_ =	sdelay $0x3  }
0x92: {  	_ =	strace s18  }
0x93: {  	s2 =	sld [smem:$0x3FFC];
	_ =	sdelay $0x3  }
0x94: {  	_ =	strace s2  }
0x95: {  	s2 =	sld [smem:$0x3FFD];
	_ =	sdelay $0x3  }
0x96: {  	_ =	strace s2  }
0x97: {  	_ =	strace $0x8FFFFFFF  }
0x98: {  	s19 =	sld [smem:$0x3FDB];
	_ =	sdelay $0x1  }
0x99: {  	s20 =	simm.s32 $_scs_section_size  }
0x9a: {  	s4 =	simm.s32 $_size__tile_overlayer_lowered;
	s5 =	simm.s32 $_tile_overlayer_lowered  }
0x9b: {  	s6 =	simm.s32 $0x1BFF;
	s21 =	sshll.u32 s5, $0x1;
	s3 =	sadd.s32 s20, s19  }
0x9c: {  	s22 =	simm.s32 $0x0;
	s4 =	sshll.u32 s4, $0x1;
	s5 =	sadd.s32 s21, s3  }
0x9d: {  	[timem:s22], [sflag:s6] =	dma.local [hbm:s5], s4  }
0x9e: {  	_ =	swait.ge [sflag:s6], s4  }
0x9f: {  	s4 =	ssub.s32 $0x0, s4;
	[sflag:s6] =	ssyncset.done $0x0  }
0xa0: {  	[sflag:s6] =	ssyncadd.s32 s4;
	_ =	sdelay $0x1  }
0xa1: {  	s23 =	simm.s32 $0x1B8B  }
0xa2: {  	_ =	swait.ge [sflag:s23], $0x1  }
0xa3: {  	[sflag:s23] =	ssyncset.done $0x0  }
0xa4: {  	[sflag:s23] =	ssyncadd.s32 $0xFFFFFFFF  }
0xa5: {  	s4 =	sld [smem:$0x0]  }
0xa6: {  	s5 =	sand.u32 $0xFFFFFFFE, s1  }
0xa7: {  	p0 =	sne.s32 s1, s5  }
0xa8: {  	s5 =	sshll.u32 @p0 s5, $0xE  }
0xa9: {  	s5 =	sadd.s32 @p0 $0x11B8D, s5;
	s6 =	sshll.u32 @p0 s4, $0x11  }
0xaa: {  	s5 =	sor.u32 @p0 s6, s5  }
0xab: {  	[sflag:s5] =	ssyncadd.remote.s32 @p0 $0x1;
	_ =	sdelay $0x1  }
0xac: {  	s5 =	simm.s32 @p0 $0x1B8D  }
0xad: {  	_ =	swait.eq @p0 [sflag:s5], $0x1  }
0xae: {  	[sflag:s5] =	ssyncadd.s32 @p0 $0xFFFFFFFF  }
0xaf: {  	s6 =	sshll.u32 @!p0 s1, $0xE  }
0xb0: {  	s6 =	sor.u32 @!p0 $0x4000, s6;
	s5 =	simm.s32 @!p0 $0x1B8D  }
0xb1: {  	s4 =	sshll.u32 @!p0 s4, $0x11;
	s6 =	sadd.s32 @!p0 $0x11B8D, s6;
	_ =	swait.eq @!p0 [sflag:s5], $0x1  }
0xb2: {  	s4 =	sor.u32 @!p0 s4, s6;
	[sflag:s5] =	ssyncadd.s32 @!p0 $0xFFFFFFFF  }
0xb3: {  	s25 =	simm.s32 $0x1B8E;
	s24 =	sld [smem:$0x3FFE];
	[sflag:s4] =	ssyncadd.remote.s32 @!p0 $0x1  }
0xb4: {  	s26 =	simm.s32 $execute0_lowered;
	[smem:$0x3FD2] =	sst s25  }
0xb5: {  	s5 =	sshll.u32 s26, $0x1;
	_ =	strace $0x8000004C;
	[dreg:$0x1] =	wrdreg $0xFFFFFFFF  }
0xb6: {  	s28 =	simm.s32 $_size_execute0_lowered;
	s3 =	sadd.s32 s3, s5;
	[dreg:$0x0] =	wrdreg $0x0  }
0xb7: {  	s5 =	sshll.u32 s28, $0x1;
	[dreg:$0x2] =	wrdreg s3  }
0xb8: {  	[dreg:$0x3] =	wrdreg s5  }
0xb9: {  	[dreg:$0x4] =	wrdreg $0xC0  }
0xba: {  	_ =	task [dreg:s22], $0x5FFFF  }
0xbb: {  	[dreg:$0x1] =	wrdreg $0xFFFFFFFF  }
0xbc: {  	[dreg:$0x0] =	wrdreg $0x60  }
0xbd: {  	[dreg:$0x2] =	wrdreg s24  }
0xbe: {  	[dreg:$0x3] =	wrdreg $0x0  }
0xbf: {  	[dreg:$0x4] =	wrdreg $0xA  }
0xc0: {  	_ =	task.clear_ibuf [dreg:s22], $0x5FFFF;
	_ =	strace $0x9000004C  }
0xc1: {  	s29 =	simm.s32 $0xA;
	_ =	strace $0x80000054  }
0xc2: {  	_ =	swait.ge [sflag:s29], $0x1  }
0xc3: {  	[sflag:s29] =	ssyncadd.s32 $0xFFFFFFFF  }
0xc4: {  	_ =	strace $0x90000054  }
0xc5: {  	_ =	sfence  }
0xc6: {  	s30 =	sld [smem:$0x0];
	_ =	sdelay $0x2  }
0xc7: {  	s31 =	sshll.u32 s1, $0xD;
	s1 =	sshrl.u32 s1, $0x2  }
0xc8: {  	s4 =	sand.u32 $0x4000, s31;
	s1 =	sadd.s32 s1, s30  }
0xc9: {  	s0 =	sor.u32 s4, s0;
	s1 =	sshll.u32 s1, $0x11  }
0xca: {  	s0 =	sor.u32 s1, s0  }
0xcb: {  	s0 =	sadd.s32 $0x8F2B, s0  }
0xcc: {  	[sflag:s0] =	ssyncadd.remote.s32 $0x1  }
0xcd: {  	_ =	sfence.sel $0xFFFF  }
0xce: {  	[dreg:$0x0] =	wrdreg $0xFFFFFFFF;
	(pc) =	sbr.abs _section_cstart, $3  }
0xcf: {  	[dreg:$0x1] =	wrdreg $0xFFFFFFFF  }
0xd0: {  	_ =	task.clear_ibuf [dreg:s22], $0x2FFFF;
	_ =	strace $0x9FFFFFFF  }
0xd1: {  	(tm) =	ssettm $0x7FFFFFFF  }
tec
execute0_lowered:
.L_overlay_start_1:
0x0: {  	(tag) =	ssettag $0x1  }
0x1: {  	s0 =	rddreg [dreg:$0x0]  }
0x2: {  	s2 =	rddreg [dreg:$0x1]  }
0x3: {  	s11 =	stileid.u32;
	s1 =	srdreg.scid;
	s3 =	simm.s32 $0x0  }
0x4: {  	s18 =	simm.s32 $0x80;
	s19 =	simm.s32 $0x5;
	s20 =	simm.s32 $0x1  }
0x5: {  	s6 =	smul.u32 $0x14000, s11;
	s1 =	sand.u32 $0x1, s1;
	s4 =	sadd.s32 $0x789600, s0  }
0x6: {  	[smem:$0x7FF] =	sst s3;
	s5 =	sadd.s32 $0x77F600, s0;
	s23 =	smul.u32 $0x50000, s11  }
0x7: {  	s21 =	simm.s32 $0x0;
	s7 =	smul.u32 $0x140000, s1;
	_ =	strace $0x8000004D  }
0x8: {  	s9 =	sshll.u32 s1, $0x4;
	s1 =	ssub.s32 $0x2, s1;
	s8 =	sshrl.u32 s6, $0x3  }
0x9: {  	s24 =	sor.u32 s11, s9;
	s25 =	sshrl.u32 s1, $0x1;
	s11 =	sshll.u32 s11, $0x6  }
0xa: {  	s8 =	sadd.s32 s8, s0;
	s6 =	sadd.s32 s6, s7;
	s10 =	smul.u32 $0x27, s24  }
0xb: {  	s7 =	sshrl.u32 s23, $0x2;
	s1 =	ssub.s32 s1, s25;
	s9 =	smul.u32 $0x28, s24  }
0xc: {  	p0 =	slt.u32 s24, $0x2;
	s6 =	sshrl.u32 s6, $0x3;
	s15 =	sadd.s32 s7, s2  }
0xd: {  	s26 =	sadd.s32 $0x50E600, s8;
	s0 =	sadd.s32 s6, s0;
	s6 =	sadd.s32 $0x2, s10  }
0xe: {  	s8 =	sor.u32 $0x1C01, s11;
	s14 =	smax.u32 s1, $0x1;
	s6 =	smov.u32 @p0 s9  }
0xf: {  	[dreg:$0x3] =	wrdreg s26;
	s9 =	simm.s32 $0x28;
	s28 =	sshll.u32 s6, $0xB  }
0x10: {  	s0 =	sadd.s32 $0x536600, s0;
	s29 =	sshll.u32 s6, $0x4;
	s10 =	sand.u32 $0x1FFFF800, s28  }
0x11: {  	[dreg:$0x6] =	wrdreg s0;
	s11 =	sand.u32 $0x1FFFFFF0, s29;
	s30 =	sadd.s32 s4, s10  }
0x12: {  	s9 =	simm.s32 @!p0 $0x27;
	s31 =	sadd.s32 s5, s11;
	[dreg:$0x4] =	wrdreg s30  }
0x13: {  	s15 =	sshrl.u32 s15, $0x3;
	s12 =	sadd.s32 $0xFFFFFFFF, s9;
	[dreg:$0x5] =	wrdreg s31  }
.LBB2_1:
0x14: {  	s0 =	rddreg [dreg:$0x3]  }
0x15: {  	[spmem:s15], [sflag:s8] =	dma.local [hbm:s0], $0x2800  }
0x16: {  	_ =	swait.ge [sflag:s20], $0x2800  }
0x17: {  	[sflag:s20] =	ssyncset.done $0x0  }
0x18: {  	[sflag:s20] =	ssyncadd.s32 $0xFFFFD800  }
0x19: {  	s1 =	simm.s32 $0x14000;
	[bflag:$0x0] =	sbarrier.arrive $0xFFFF  }
0x1a: {  	s31 =	simm.s32 $0x1C000;
	p1 =	sne.s32 s12, $0x1;
	_ =	strace $0x8000004E  }
.Ltmp0:
0x1b: {  	p0 =	seq.s32 s9, $0x1;
	s29 =	rddreg [dreg:$0x4];
	(pc) =	sbr.rel @!p1 .LBB2_2-.Ltmp0, $4  }
0x1c: {  	[tilespmem:s1], [sflag:$0x1] =	stream.linear.gather [hbm4b:s29+s3], $0x4000, $0x200038;
	[tilespmem:$0x1C100] =	vst v63  }
0x1d: {  	s22 =	simm.s32 $0x1;
	s23 =	simm.s32 $0x1;
	s30 =	rddreg [dreg:$0x5]  }
0x1e: {  	[tilespmem:s31], [sflag:$0x3] =	stream.linear.gather [hbm4b:s30+s3], $0x80, $0x200038;
	[tilespmem:$0x1C100] =	vst v63  }
0x1f: {  	s22 =	simm.s32 @p0 $0x0;
	p0 =	por $0x0, $0x0;
	_ =	strace $0x9000004E  }
0x20: {  	p0 =	seq.s32 s22, $0x0;
	s23 =	simm.s32 $0x2;
	s17 =	simm.s32 $0x0  }
0x21: {  	p1 =	sne.s32 s12, $0x2;
	s31 =	simm.s32 $0x1;
	s0 =	sadd.s32 @!p0 s6, s22  }
0x22: {  	s1 =	sand.u32 @!p0 $0x1, s20;
	s26 =	simm.s32 @!p0 $0x0;
	s29 =	simm.s32 @!p0 $0x1  }
0x23: {  	_ =	strace @!p0 $0x8000004F;
	s16 =	sshll.u32 @!p0 s0, $0xB;
	s24 =	sshll.u32 @!p0 s1, $0xE  }
0x24: {  	s25 =	sadd.s32 @!p0 $0x1, s1;
	s0 =	sshll.u32 @!p0 s0, $0x4;
	s28 =	sshll.u32 @!p0 s1, $0x7  }
0x25: {  	s1 =	sadd.s32 @!p0 $0x3, s1;
	s29 =	simm.s32 @p0 $0x0;
	s16 =	sand.u32 @!p0 $0x1FFFF800, s16  }
0x26: {  	s24 =	sadd.s32 @!p0 $0x14000, s24;
	s0 =	sand.u32 @!p0 $0x1FFFFFF0, s0;
	s16 =	sadd.s32 @!p0 s4, s16  }
0x27: {  	[tilespmem:s24], [sflag:s25] =	stream.linear.gather @!p0 [hbm4b:s16+s26], $0x4000, $0x200038;
	[tilespmem:$0x1C100] =	vst v63  }
0x28: {  	s28 =	sor.u32 @!p0 $0x1C000, s28;
	s0 =	sadd.s32 @!p0 s5, s0;
	_ =	strace @!p0 $0x9000004F  }
0x29: {  	s24 =	sadd.s32 $0x1, s29;
	s25 =	sand.u32 $0x1, s3;
	_ =	strace @!p0 $0x80000050  }
0x2a: {  	[tilespmem:s28], [sflag:s1] =	stream.linear.gather @!p0 [hbm4b:s0+s26], $0x80, $0x200038;
	[tilespmem:$0x1C100] =	vst v63  }
0x2b: {  	s29 =	sadd.s32 $0x1, s22;
	s30 =	sadd.s32 $0x1, s25;
	_ =	strace @!p0 $0x90000050  }
0x2c: {  	s26 =	simm.s32 $0x0;
	s0 =	sadd.s32 $0x3, s25;
	_ =	strace $0x80000051  }
0x2d: {  	s1 =	sand.u32 $0x4000, s17;
	s28 =	simm.s32 $0x0;
	_ =	swait.ge [sflag:s30], $0x4000  }
0x2e: {  	s16 =	sand.u32 $0x80, s26;
	s26 =	simm.s32 @!p0 $0x2;
	[sflag:s30] =	ssyncset.done $0x0  }
.Ltmp1:
0x2f: {  	s1 =	sadd.s32 $0x14000, s1;
	[sflag:s30] =	ssyncadd.s32 $0xFFFFC000;
	(pc) =	sbr.rel @!p1 .LBB2_4-.Ltmp1, $4  }
0x30: {  	s26 =	smov.u32 @p0 s20;
	p0 =	sne.s32 s22, $0x0;
	_ =	strace $0x90000051  }
0x31: {  	s31 =	simm.s32 @!p0 $0x0;
	p0 =	seq.s32 s29, s9;
	_ =	strace $0x80000052  }
0x32: {  	s16 =	sor.u32 $0x1C000, s16;
	s29 =	simm.s32 @p0 $0x0;
	_ =	swait.ge [sflag:s0], $0x80  }
0x33: {  	s25 =	sadd.s32 $0x0, s31;
	p0 =	por $0x1, $0x1;
	[sflag:s0] =	ssyncset.done $0x0  }
.LBB2_5:
0x34: {  	s30 =	smov.u32 s26  }
0x35: {  	s23 =	sadd.s32 $0x1, s23;
	p1 =	seq.s32 s22, s29;
	s28 =	sadd.s32 s31, s28  }
0x36: {  	s26 =	sadd.s32 @!p1 s6, s29;
	s31 =	sand.u32 @!p1 $0x1, s30;
	[sflag:s0] =	ssyncadd.s32 $0xFFFFFF80  }
0x37: {  	s0 =	sshll.u32 @!p1 s31, $0xE;
	s17 =	sshll.u32 @!p1 s26, $0xB;
	_ =	strace $0x90000052  }
0x38: {  	s7 =	sand.u32 @!p1 $0x1, s24;
	s17 =	sand.u32 @!p1 $0x1FFFF800, s17;
	_ =	strace $0x80000053  }
0x39: {  	[spmem:s2] =	stream.indirect.scatter.add.f32 [tilespmem:s1], [sflag:$0x5], $0x80, s16, s18, $0x2000b8;
	[tilespmem:$0x1C100] =	vst v63  }
0x3a: {  	s26 =	sshll.u32 @!p1 s26, $0x4;
	s1 =	sadd.s32 @!p1 $0x1, s31;
	s16 =	simm.s32 @!p1 $0x0  }
0x3b: {  	s0 =	sadd.s32 @!p1 $0x14000, s0;
	s26 =	sand.u32 @!p1 $0x1FFFFFF0, s26;
	s31 =	sshll.u32 @!p1 s7, $0x7  }
0x3c: {  	s10 =	simm.s32 @!p1 $0x1;
	s31 =	sor.u32 @!p1 $0x1C000, s31;
	_ =	swait.ge [sflag:s19], $0x4000  }
0x3d: {  	s17 =	sadd.s32 @!p1 s4, s17;
	s7 =	sadd.s32 @!p1 $0x3, s7;
	[sflag:s19] =	ssyncset.done $0x0  }
0x3e: {  	s10 =	simm.s32 @p1 $0x0;
	s11 =	sadd.s32 @!p1 s5, s26;
	[sflag:s19] =	ssyncadd.s32 $0xFFFFC000  }
0x3f: {  	s24 =	sadd.s32 s24, s10;
	s10 =	sshll.u32 s28, $0xE;
	_ =	strace $0x90000053  }
0x40: {  	s13 =	sshll.u32 s25, $0x7;
	s26 =	sand.u32 $0x1, s28;
	_ =	strace @!p1 $0x8000004F  }
0x41: {  	[tilespmem:s0], [sflag:s1] =	stream.linear.gather @!p1 [hbm4b:s17+s16], $0x4000, $0x200038;
	[tilespmem:$0x1C100] =	vst v63  }
0x42: {  	s13 =	sand.u32 $0x80, s13;
	s1 =	sadd.s32 $0x1, s26;
	_ =	strace @!p1 $0x9000004F  }
0x43: {  	s26 =	sadd.s32 @!p1 $0x1, s30;
	s0 =	sand.u32 $0x1, s25;
	_ =	strace @!p1 $0x80000050  }
0x44: {  	[tilespmem:s31], [sflag:s7] =	stream.linear.gather @!p1 [hbm4b:s11+s16], $0x80, $0x200038;
	[tilespmem:$0x1C100] =	vst v63  }
0x45: {  	s26 =	smov.u32 @p1 s30;
	s0 =	sadd.s32 $0x3, s0;
	_ =	strace @!p1 $0x90000050  }
0x46: {  	p1 =	sne.s32 s12, s23;
	_ =	strace $0x80000051  }
0x47: {  	p2 =	sne.s32 s22, s29;
	_ =	swait.ge [sflag:s1], $0x4000  }
0x48: {  	s22 =	smov.u32 s29;
	s31 =	simm.s32 $0x1;
	[sflag:s1] =	ssyncset.done $0x0  }
.Ltmp2:
0x49: {  	[sflag:s1] =	ssyncadd.s32 $0xFFFFC000;
	s1 =	sand.u32 $0x4000, s10;
	(pc) =	sbr.rel @p1 .LBB2_5-.Ltmp2, $4  }
0x4a: {  	s29 =	sadd.s32 $0x1, s29;
	s31 =	simm.s32 @!p2 $0x0;
	_ =	strace $0x90000051  }
0x4b: {  	p2 =	seq.s32 s29, s9;
	s1 =	sadd.s32 $0x14000, s1;
	_ =	strace $0x80000052  }
0x4c: {  	s16 =	sor.u32 $0x1C000, s13;
	s29 =	simm.s32 @p2 $0x0;
	_ =	swait.ge [sflag:s0], $0x80  }
0x4d: {  	s25 =	sadd.s32 s31, s25;
	[sflag:s0] =	ssyncset.done $0x0  }
0x4e: {  	s30 =	smov.u32 s22;
	s22 =	smov.u32 s29  }
.LBB2_7:
0x4f: {  	[sflag:s0] =	ssyncadd.s32 @p0 $0xFFFFFF80  }
0x50: {  	_ =	strace @p0 $0x90000052  }
0x51: {  	p1 =	seq.s32 s30, s22;
	_ =	strace @p0 $0x80000053  }
0x52: {  	[spmem:s2] =	stream.indirect.scatter.add.f32 @p0 [tilespmem:s1], [sflag:$0x5], $0x80, s16, s18, $0x2000b8;
	[tilespmem:$0x1C100] =	vst v63  }
0x53: {  	s0 =	sadd.s32 @!p1 s6, s22;
	s11 =	simm.s32 @!p1 $0x0;
	_ =	swait.ge @p0 [sflag:s19], $0x4000  }
0x54: {  	s7 =	sshll.u32 @!p1 s0, $0xB;
	s0 =	sshll.u32 @!p1 s0, $0x4;
	[sflag:s19] =	ssyncset.done @p0 $0x0  }
0x55: {  	s1 =	sand.u32 @!p1 $0x1, s26;
	s7 =	sand.u32 @!p1 $0x1FFFF800, s7;
	[sflag:s19] =	ssyncadd.s32 @p0 $0xFFFFC000  }
0x56: {  	s10 =	sshll.u32 @!p1 s1, $0xE;
	s1 =	sadd.s32 @!p1 $0x1, s1;
	_ =	strace @p0 $0x90000053  }
0x57: {  	s7 =	sadd.s32 @!p1 s4, s7;
	s10 =	sadd.s32 @!p1 $0x14000, s10;
	_ =	strace @!p1 $0x8000004F  }
0x58: {  	[tilespmem:s10], [sflag:s1] =	stream.linear.gather @!p1 [hbm4b:s7+s11], $0x4000, $0x200038;
	[tilespmem:$0x1C100] =	vst v63  }
0x59: {  	s0 =	sand.u32 @!p1 $0x1FFFFFF0, s0;
	s1 =	sand.u32 @!p1 $0x1, s24  }
0x5a: {  	s0 =	sadd.s32 @!p1 s5, s0;
	s7 =	sshll.u32 @!p1 s1, $0x7;
	_ =	strace @!p1 $0x9000004F  }
0x5b: {  	s1 =	sadd.s32 @!p1 $0x3, s1;
	s7 =	sor.u32 @!p1 $0x1C000, s7;
	_ =	strace @!p1 $0x80000050  }
0x5c: {  	[tilespmem:s7], [sflag:s1] =	stream.linear.gather @!p1 [hbm4b:s0+s11], $0x80, $0x200038;
	[tilespmem:$0x1C100] =	vst v63  }
0x5d: {  	s1 =	sadd.s32 @p0 s31, s28;
	s0 =	simm.s32 $0x0  }
0x5e: {  	s0 =	smov.u32 @p0 s1  }
0x5f: {  	_ =	strace @!p1 $0x90000050;
	s1 =	sand.u32 $0x1, s0  }
0x60: {  	_ =	strace $0x80000051;
	s1 =	sadd.s32 $0x1, s1  }
0x61: {  	_ =	swait.ge [sflag:s1], $0x4000  }
0x62: {  	[sflag:s1] =	ssyncset.done $0x0  }
0x63: {  	[sflag:s1] =	ssyncadd.s32 $0xFFFFC000  }
0x64: {  	s13 =	sand.u32 $0x1, s25;
	_ =	strace $0x90000051  }
0x65: {  	s1 =	sadd.s32 $0x3, s13;
	_ =	strace $0x80000052  }
0x66: {  	_ =	swait.ge [sflag:s1], $0x80  }
0x67: {  	[sflag:s1] =	ssyncset.done $0x0  }
0x68: {  	s17 =	sshll.u32 s25, $0x7;
	s16 =	sshll.u32 s0, $0xE;
	[sflag:s1] =	ssyncadd.s32 $0xFFFFFF80  }
0x69: {  	s28 =	sand.u32 $0x80, s17;
	s7 =	sand.u32 $0x4000, s16;
	_ =	strace $0x90000052  }
0x6a: {  	s7 =	sadd.s32 $0x14000, s7;
	s1 =	sor.u32 $0x1C000, s28;
	_ =	strace $0x80000053  }
0x6b: {  	[spmem:s2] =	stream.indirect.scatter.add.f32 [tilespmem:s7], [sflag:$0x5], $0x80, s1, s18, $0x2000b8;
	[tilespmem:$0x1C100] =	vst v63  }
0x6c: {  	s1 =	sadd.s32 $0x1, s22  }
0x6d: {  	p0 =	seq.s32 s1, s9  }
0x6e: {  	_ =	swait.ge [sflag:s19], $0x4000;
	s1 =	simm.s32 @p0 $0x0;
	p0 =	sge.u32 s23, s12  }
0x6f: {  	[sflag:s19] =	ssyncset.done $0x0;
	p2 =	seq.s32 @!p0 s22, s1  }
0x70: {  	s7 =	sadd.s32 @!p1 $0x1, s26;
	[sflag:s19] =	ssyncadd.s32 $0xFFFFC000;
	p0 =	por p2, p0  }
0x71: {  	s7 =	smov.u32 @p1 s26;
	_ =	strace $0x90000053;
	s1 =	sadd.s32 @!p0 s6, s1  }
0x72: {  	s7 =	sand.u32 @!p0 $0x1, s7;
	_ =	strace @!p0 $0x8000004F;
	s11 =	sshll.u32 @!p0 s1, $0xB  }
0x73: {  	s13 =	simm.s32 @!p0 $0x0;
	s10 =	sshll.u32 @!p0 s7, $0xE;
	s11 =	sand.u32 @!p0 $0x1FFFF800, s11  }
0x74: {  	s7 =	sadd.s32 @!p0 $0x1, s7;
	s10 =	sadd.s32 @!p0 $0x14000, s10;
	s11 =	sadd.s32 @!p0 s4, s11  }
0x75: {  	[tilespmem:s10], [sflag:s7] =	stream.linear.gather @!p0 [hbm4b:s11+s13], $0x4000, $0x200038;
	[tilespmem:$0x1C100] =	vst v63  }
0x76: {  	s7 =	simm.s32 @!p1 $0x1  }
0x77: {  	s7 =	simm.s32 @p1 $0x0  }
0x78: {  	s1 =	sshll.u32 @!p0 s1, $0x4;
	s7 =	sadd.s32 s24, s7  }
0x79: {  	s1 =	sand.u32 @!p0 $0x1FFFFFF0, s1;
	s7 =	sand.u32 @!p0 $0x1, s7  }
0x7a: {  	s1 =	sadd.s32 @!p0 s5, s1;
	_ =	strace @!p0 $0x9000004F;
	s10 =	sshll.u32 @!p0 s7, $0x7  }
0x7b: {  	_ =	strace @!p0 $0x80000050;
	s7 =	sadd.s32 @!p0 $0x3, s7;
	s10 =	sor.u32 @!p0 $0x1C000, s10  }
0x7c: {  	[tilespmem:s10], [sflag:s7] =	stream.linear.gather @!p0 [hbm4b:s1+s13], $0x80, $0x200038;
	[tilespmem:$0x1C100] =	vst v63  }
0x7d: {  	p1 =	sne.s32 s30, s22;
	s1 =	simm.s32 $0x1  }
0x7e: {  	s1 =	simm.s32 @!p1 $0x0  }
0x7f: {  	s0 =	sadd.s32 s1, s0  }
0x80: {  	_ =	strace @!p0 $0x90000050;
	s29 =	sand.u32 $0x1, s0  }
0x81: {  	_ =	strace $0x80000051;
	s7 =	sadd.s32 $0x1, s29  }
0x82: {  	_ =	swait.ge [sflag:s7], $0x4000  }
0x83: {  	[sflag:s7] =	ssyncset.done $0x0  }
0x84: {  	s1 =	sadd.s32 s1, s25;
	[sflag:s7] =	ssyncadd.s32 $0xFFFFC000  }
0x85: {  	s30 =	sand.u32 $0x1, s1;
	_ =	strace $0x90000051  }
0x86: {  	s7 =	sadd.s32 $0x3, s30;
	_ =	strace $0x80000052  }
0x87: {  	_ =	swait.ge [sflag:s7], $0x80  }
0x88: {  	[sflag:s7] =	ssyncset.done $0x0  }
0x89: {  	s0 =	sshll.u32 s0, $0xE;
	s1 =	sshll.u32 s1, $0x7;
	[sflag:s7] =	ssyncadd.s32 $0xFFFFFF80  }
0x8a: {  	s0 =	sand.u32 $0x4000, s0;
	s1 =	sand.u32 $0x80, s1;
	_ =	strace $0x90000052  }
0x8b: {  	s0 =	sadd.s32 $0x14000, s0;
	s1 =	sor.u32 $0x1C000, s1;
	_ =	strace $0x80000053  }
0x8c: {  	[spmem:s2] =	stream.indirect.scatter.add.f32 [tilespmem:s0], [sflag:$0x5], $0x80, s1, s18, $0x2000b8;
	[tilespmem:$0x1C100] =	vst v63  }
0x8d: {  	_ =	swait.ge [sflag:s19], $0x4000  }
0x8e: {  	[sflag:s19] =	ssyncset.done $0x0  }
0x8f: {  	[sflag:s19] =	ssyncadd.s32 $0xFFFFC000  }
0x90: {  	_ =	strace $0x90000053  }
0x91: {  	s21 =	sadd.s32 $0x1, s21;
	[bflag:$0x0] =	sbarrier.arrive $0xFFFF  }
0x92: {  	p0 =	sne.s32 s21, s14;
	s31 =	rddreg [dreg:$0x6]  }
0x93: {  	[hbm:s31], [sflag:s8] =	dma.local [spmem:s15], $0x2800  }
.Ltmp3:
0x94: {  	_ = 	snop;
	(pc) =	sbr.rel @p0 .LBB2_1-.Ltmp3, $4  }
.Ltmp4:
0x95: {  	_ = 	snop;
	(pc) =	sbr.rel @!p0 .LBB2_8-.Ltmp4, $4  }
0x96: {  	_ =	swait.ge [sflag:s20], $0x2800  }
0x97: {  	[sflag:s20] =	ssyncset.done $0x0  }
0x98: {  	[sflag:s20] =	ssyncadd.s32 $0xFFFFD800  }
0x99: {  	_ = 	snop  }
.LBB2_2:
.Ltmp5:
0x9a: {  	(pc) =	sbr.rel .LBB2_7-.Ltmp5, $3  }
0x9b: {  	_ =	sdelay $0x1  }
0x9c: {  	s30 =	simm.s32 $0x0;
	s28 =	simm.s32 $0x0  }
0x9d: {  	s26 =	simm.s32 $0x1;
	s24 =	simm.s32 $0x1;
	s25 =	simm.s32 $0x0  }
.LBB2_4:
.Ltmp6:
0x9e: {  	(pc) =	sbr.rel .LBB2_7-.Ltmp6, $2  }
0x9f: {  	_ =	sdelay $0x2  }
0xa0: {  	s30 =	smov.u32 s22;
	s22 =	smov.u32 s29;
	s28 =	simm.s32 $0x0  }
.LBB2_8:
0xa1: {  	_ =	sfence.sel $0x180000  }
0xa2: {  	[bflag:$0x0] =	sbarrier.arrive $0xFFFF  }
0xa3: {  	_ =	strace $0x9000004D  }
0xa4: {  	s0 =	stileid.u32;
	[bflag:$0x2] =	sbarrier.arrive $0xFFFF  }
0xa5: {  	p0 =	sne.s32 s0, $0x0;
	s0 =	rddreg [dreg:$0x2]  }
0xa6: {  	s0 =	sadd.s32 @!p0 $0x100000, s0  }
0xa7: {  	[sflag:s0] =	ssyncadd.tile.s32 @!p0 $0x1;
	_ =	shalt  }
.Lfunc_end2:
_tile_overlayer_lowered:
.L_overlay_start_2:
0xa8: {  	(tag) =	ssettag $0x2  }
0xa9: {  	s0 =	rddreg [dreg:$0x0];
	s2 =	stileid.u32  }
0xaa: {  	s1 =	rddreg [dreg:$0x1];
	p0 =	sne.s32 s2, $0x0  }
0xab: {  	s3 =	rddreg [dreg:$0x2];
	[bflag:$0x3] =	sbarrier.arrive $0xFFFF;
	s2 =	simm.s32 @!p0 $0x1C01  }
0xac: {  	[timem:s3], [sflag:s2] =	dma.local @!p0 [hbm:s0], s1  }
0xad: {  	s0 =	simm.s32 @!p0 $0x1  }
0xae: {  	_ =	swait.ge @!p0 [sflag:s0], s1  }
0xaf: {  	s1 =	ssub.s32 @!p0 $0x0, s1;
	[sflag:s0] =	ssyncset.done @!p0 $0x0  }
0xb0: {  	[sflag:s0] =	ssyncadd.s32 @!p0 s1  }
0xb1: {  	[bflag:$0x3] =	sbarrier.arrive $0xFFFF  }
0xb2: {  	_ =	shalt  }

</sc_bundles>
